<compile_context>
chip_gen: v7x
topology: tpu7x:2x2x1
jax: 0.10.2.dev20260603
libtpu: 0.0.44.dev20260713+nightly
codegen_flags: <defaults>
</compile_context>

<pallas_src>
import functools

import jax
import jax.numpy as jnp
from jax import lax
from jax.experimental import pallas as pl
from jax.experimental.pallas import tpu as pltpu
from jax.experimental.pallas import tpu_sc as plsc

_N, _E, _D = 10000, 320000, 128
_NC, _NS = 2, 16
_NTILES = _NC * _NS
_EPT = _E // _NTILES
_K = 125
_NCHUNK = _EPT // _K
_PH = _NCHUNK // 2
_ZROWS = _N // _NS


def _make_aggregate():
  mesh = plsc.VectorSubcoreMesh(core_axis_name="c", subcore_axis_name="s")

  @functools.partial(
      pl.kernel,
      mesh=mesh,
      out_type=jax.ShapeDtypeStruct((_NC, _N, _D), jnp.float32),
      scratch_types=[
          pltpu.VMEM((_PH, _K), jnp.int32),
          pltpu.VMEM((_NCHUNK, _K), jnp.int32),
          pltpu.VMEM((_K, _D), jnp.float32),
          pltpu.VMEM((_K, _D), jnp.float32),
          pltpu.VMEM_SHARED((_N, _D), jnp.float32),
          pltpu.SemaphoreType.DMA,
          pltpu.SemaphoreType.DMA,
          pltpu.SemaphoreType.DMA,
      ],
  )
  def agg_kernel(h_hbm, src_hbm, dst_hbm, zero_hbm, out_hbm,
                 src_v, dst_v, rows0_v, rows1_v, agg_sh, sem0, sem1, semz):
    c = lax.axis_index("c")
    s = lax.axis_index("s")
    wid = c * _NS + s

    def gather(jj, buf, sem):
      pltpu.async_copy(h_hbm.at[src_v.at[jj]], buf, sem)

    def drain(buf, sem):
      pltpu.make_async_copy(h_hbm.at[src_v.at[0]], buf, sem).wait()

    def scatter_add(j, buf):
      pltpu.sync_copy(buf, agg_sh.at[dst_v.at[j]], add=True)

    def pair_phase(off, npairs):
      def pair(i, carry):
        drain(rows0_v, sem0)
        scatter_add(off + 2 * i, rows0_v)
        gather(2 * i + 2, rows0_v, sem0)
        drain(rows1_v, sem1)
        scatter_add(off + 2 * i + 1, rows1_v)
        gather(2 * i + 3, rows1_v, sem1)
        return carry

      lax.fori_loop(0, npairs, pair, 0)
      drain(rows0_v, sem0)
      scatter_add(off + _PH - 2, rows0_v)
      drain(rows1_v, sem1)
      scatter_add(off + _PH - 1, rows1_v)

    src_stage = pltpu.async_copy(src_hbm.at[wid, pl.ds(0, _PH)], src_v, sem0)
    dst_stage = pltpu.async_copy(dst_hbm.at[wid], dst_v, semz)

    @pl.when(jnp.logical_and(c == 0, s < _NS - 1))
    def _init_h_main():
      pltpu.async_copy(h_hbm.at[pl.ds(s * 640, 640)],
                       agg_sh.at[pl.ds(s * 640, 640)], semz)

    @pl.when(jnp.logical_and(c == 0, s == _NS - 1))
    def _init_h_tail():
      pltpu.async_copy(h_hbm.at[pl.ds(9600, _N - 9600)],
                       agg_sh.at[pl.ds(9600, _N - 9600)], semz)

    @pl.when(jnp.logical_and(c != 0, s < _NS - 1))
    def _init_z_main():
      pltpu.async_copy(zero_hbm, agg_sh.at[pl.ds(s * 640, 640)], semz)

    @pl.when(jnp.logical_and(c != 0, s == _NS - 1))
    def _init_z_tail():
      pltpu.async_copy(zero_hbm.at[pl.ds(0, _N - 9600)],
                       agg_sh.at[pl.ds(9600, _N - 9600)], semz)

    src_stage.wait()
    gather(0, rows0_v, sem0)
    gather(1, rows1_v, sem1)
    dst_stage.wait()

    @pl.when(s < _NS - 1)
    def _wait_init_main():
      pltpu.make_async_copy(zero_hbm, agg_sh.at[pl.ds(s * 640, 640)],
                            semz).wait()

    @pl.when(s == _NS - 1)
    def _wait_init_tail():
      pltpu.make_async_copy(zero_hbm.at[pl.ds(0, _N - 9600)],
                            agg_sh.at[pl.ds(9600, _N - 9600)], semz).wait()

    plsc.subcore_barrier()

    pair_phase(0, _PH // 2 - 1)

    pltpu.sync_copy(src_hbm.at[wid, pl.ds(_PH, _PH)], src_v)
    gather(0, rows0_v, sem0)
    gather(1, rows1_v, sem1)

    pair_phase(_PH, _PH // 2 - 1)

    plsc.subcore_barrier()
    @pl.when(s < _NS - 1)
    def _copy_main():
      pltpu.sync_copy(agg_sh.at[pl.ds(s * 640, 640)],
                      out_hbm.at[c, pl.ds(s * 640, 640)])

    @pl.when(s == _NS - 1)
    def _copy_tail():
      pltpu.sync_copy(agg_sh.at[pl.ds(9600, _N - 9600)],
                      out_hbm.at[c, pl.ds(9600, _N - 9600)])

  return agg_kernel


_AGGREGATE = _make_aggregate()

_BLK = 2000


def _mlp_body(p_ref, wa_ref, ba_ref, wb_ref, bb_ref, o_ref):
  t = p_ref[0] + p_ref[1]
  t = jnp.dot(t, wa_ref[...], preferred_element_type=jnp.float32) + ba_ref[...]
  t = jnp.maximum(t, 0.0)
  t = jnp.dot(t, wb_ref[...], preferred_element_type=jnp.float32) + bb_ref[...]
  o_ref[...] = jnp.maximum(t, 0.0)


def _mlp(parts, wa_t, ba, wb_t, bb):
  return pl.pallas_call(
      _mlp_body,
      grid=(_N // _BLK,),
      in_specs=[
          pl.BlockSpec((_NC, _BLK, _D), lambda i: (0, i, 0)),
          pl.BlockSpec((_D, _D), lambda i: (0, 0)),
          pl.BlockSpec((1, _D), lambda i: (0, 0)),
          pl.BlockSpec((_D, _D), lambda i: (0, 0)),
          pl.BlockSpec((1, _D), lambda i: (0, 0)),
      ],
      out_specs=pl.BlockSpec((_BLK, _D), lambda i: (i, 0)),
      out_shape=jax.ShapeDtypeStruct((_N, _D), jnp.float32),
  )(parts, wa_t, ba, wb_t, bb)


def kernel(x, edge_index, W0, b0, W1, b1, W2, b2, W3, b3, W4, b4, W5, b5):
  src = edge_index[0].reshape(_NTILES, _NCHUNK, _K)
  dst = edge_index[1].reshape(_NTILES, _NCHUNK, _K)
  zeros_blk = jnp.zeros((640, _D), jnp.float32)
  h = x
  for wa, ba, wb, bb in ((W0, b0, W1, b1), (W2, b2, W3, b3), (W4, b4, W5, b5)):
    parts = _AGGREGATE(h, src, dst, zeros_blk)
    h = _mlp(parts, wa.T, ba.reshape(1, _D), wb.T, bb.reshape(1, _D))
  return h

# --- scband reference (transcript-rebuilt; emitter-appended) ---
"""Pipeline reference for scband-ginencoder-55920474194401 (READ-ONLY COPY).

The authoritative reference and input builder live on the scoring server;
editing this copy changes nothing except your own understanding.
"""

import jax, jax.numpy as jnp
import numpy as np

N = 10000
E = 320000
D = 128


def setup_inputs(seed: int = 0) -> dict:
    key = jax.random.key(seed)
    ks = jax.random.split(key, 16)
    inp = {}
    inp["x"] = jax.random.normal(ks[0], (N, D), dtype=jnp.float32)
    inp["edge_index"] = jax.random.randint(ks[1], (2, E), 0, N, dtype=jnp.int32)
    scale = 1.0 / float(np.sqrt(D))
    for i in range(6):
        inp[f"W{i}"] = jax.random.uniform(ks[2 + 2 * i], (D, D), dtype=jnp.float32, minval=-scale, maxval=scale)
        inp[f"b{i}"] = jax.random.uniform(ks[3 + 2 * i], (D,), dtype=jnp.float32, minval=-scale, maxval=scale)
    return inp


def reference(x, edge_index, W0, b0, W1, b1, W2, b2, W3, b3, W4, b4, W5, b5):
    # GINEncoder with num_layers=3: three GINConv layers (eps=0), each followed by ReLU.
    # GINConv: out = MLP(sum_{j in N(i)} x_j + (1 + eps) * x_i), eps = 0
    src = edge_index[0]
    dst = edge_index[1]
    params = [(W0, b0, W1, b1), (W2, b2, W3, b3), (W4, b4, W5, b5)]
    h = x
    for (Wa, ba, Wb, bb) in params:
        msgs = jnp.take(h, src, axis=0)
        agg = jax.ops.segment_sum(msgs, dst, num_segments=h.shape[0])
        t = agg + h
        t = t @ Wa.T + ba
        t = jax.nn.relu(t)
        t = t @ Wb.T + bb
        h = jax.nn.relu(t)
    return h

if __name__ == "__main__":
    import jax
    _d = setup_inputs()
    print(jax.jit(kernel)(*tuple(_d.values())))

</pallas_src>

<mosaic_0001>
#map = affine_map<(d0, d1) -> (0, 0)>
#map1 = affine_map<(d0, d1) -> (0, 0, 0)>
module attributes {stable_mosaic.version = 14 : i64} {
  func.func @agg_kernel(%arg0: i32, %arg1: i32, %arg2: memref<10000x128xf32, #tpu.memory_space<hbm>>, %arg3: memref<32x80x125xi32, #tpu.memory_space<hbm>>, %arg4: memref<32x80x125xi32, #tpu.memory_space<hbm>>, %arg5: memref<640x128xf32, #tpu.memory_space<hbm>>, %arg6: memref<2x10000x128xf32, #tpu.memory_space<hbm>>, %arg7: memref<40x125xi32, #tpu.memory_space<vmem>>, %arg8: memref<80x125xi32, #tpu.memory_space<vmem>>, %arg9: memref<125x128xf32, #tpu.memory_space<vmem>>, %arg10: memref<125x128xf32, #tpu.memory_space<vmem>>, %arg11: memref<10000x128xf32, #tpu.memory_space<vmem_shared>>, %arg12: memref<!tpu.dma_semaphore, #tpu.memory_space<semaphore_mem>>, %arg13: memref<!tpu.dma_semaphore, #tpu.memory_space<semaphore_mem>>, %arg14: memref<!tpu.dma_semaphore, #tpu.memory_space<semaphore_mem>>) attributes {dimension_semantics = [#tpu.dimension_semantics<core_parallel>, #tpu.dimension_semantics<subcore_parallel>], iteration_bounds = array<i64: 2, 16>, scalar_prefetch = 0 : i64, scratch_operands = 8 : i64, tpu.core_type = #tpu.core_type<sc_vector_subcore>, window_params = [{transform_indices = #map}, {transform_indices = #map1}, {transform_indices = #map1}, {transform_indices = #map}, {transform_indices = #map1}]} {
    %mul3A = arith.constant 16 : i32
    %mul3A_0 = arith.muli %arg0, %mul3A : i32
    %add3A = arith.addi %mul3A_0, %arg1 : i32
    %dma_start3A = arith.constant 0 : i32
    %dma_start3A_1 = arith.constant 0 : i32
    %dma_start3A_2 = tpu.memref_slice %arg3[%add3A, %dma_start3A, %dma_start3A_1] : memref<32x80x125xi32, #tpu.memory_space<hbm>> -> memref<1x40x125xi32, #tpu.memory_space<hbm>>
    %dma_start3A_3 = tpu.memref_squeeze %dma_start3A_2 : memref<1x40x125xi32, #tpu.memory_space<hbm>> -> memref<40x125xi32, #tpu.memory_space<hbm>>
    %dma_start3A_4 = arith.constant 0 : i32
    %dma_start3A_5 = arith.constant 0 : i32
    %dma_start3A_6 = tpu.memref_slice %arg3[%add3A, %dma_start3A_4, %dma_start3A_5] : memref<32x80x125xi32, #tpu.memory_space<hbm>> -> memref<1x40x125xi32, #tpu.memory_space<hbm>>
    %dma_start3A_7 = tpu.memref_squeeze %dma_start3A_6 : memref<1x40x125xi32, #tpu.memory_space<hbm>> -> memref<40x125xi32, #tpu.memory_space<hbm>>
    tpu.enqueue_dma source(%dma_start3A_7 : memref<40x125xi32, #tpu.memory_space<hbm>>) target(%arg7 : memref<40x125xi32, #tpu.memory_space<vmem>>) target_semaphore(%arg12 : memref<!tpu.dma_semaphore, #tpu.memory_space<semaphore_mem>>)
    %dma_start3A_8 = arith.constant 0 : i32
    %dma_start3A_9 = arith.constant 0 : i32
    %dma_start3A_10 = tpu.memref_slice %arg4[%add3A, %dma_start3A_8, %dma_start3A_9] : memref<32x80x125xi32, #tpu.memory_space<hbm>> -> memref<1x80x125xi32, #tpu.memory_space<hbm>>
    %dma_start3A_11 = tpu.memref_squeeze %dma_start3A_10 : memref<1x80x125xi32, #tpu.memory_space<hbm>> -> memref<80x125xi32, #tpu.memory_space<hbm>>
    %dma_start3A_12 = arith.constant 0 : i32
    %dma_start3A_13 = arith.constant 0 : i32
    %dma_start3A_14 = tpu.memref_slice %arg4[%add3A, %dma_start3A_12, %dma_start3A_13] : memref<32x80x125xi32, #tpu.memory_space<hbm>> -> memref<1x80x125xi32, #tpu.memory_space<hbm>>
    %dma_start3A_15 = tpu.memref_squeeze %dma_start3A_14 : memref<1x80x125xi32, #tpu.memory_space<hbm>> -> memref<80x125xi32, #tpu.memory_space<hbm>>
    tpu.enqueue_dma source(%dma_start3A_15 : memref<80x125xi32, #tpu.memory_space<hbm>>) target(%arg8 : memref<80x125xi32, #tpu.memory_space<vmem>>) target_semaphore(%arg14 : memref<!tpu.dma_semaphore, #tpu.memory_space<semaphore_mem>>)
    %eq3A = arith.constant 0 : i32
    %eq3A_16 = arith.cmpi eq, %arg0, %eq3A : i32
    %lt3A = arith.constant 15 : i32
    %lt3A_17 = arith.cmpi slt, %arg1, %lt3A : i32
    %and3A = arith.andi %eq3A_16, %lt3A_17 : i1
    %convert_element_type3A = arith.extui %and3A : i1 to i32
    %cond3A = arith.constant 0 : i32
    %cond3A_18 = arith.cmpi ne, %convert_element_type3A, %cond3A : i32
    scf.if %cond3A_18 {
      %mul3A_148 = arith.constant 640 : i32
      %mul3A_149 = arith.muli %arg1, %mul3A_148 : i32
      %mul3A_150 = arith.constant 640 : i32
      %mul3A_151 = arith.muli %arg1, %mul3A_150 : i32
      %dma_start3A_152 = arith.constant 0 : i32
      %dma_start3A_153 = tpu.memref_slice %arg11[%mul3A_151, %dma_start3A_152] : memref<10000x128xf32, #tpu.memory_space<vmem_shared>> -> memref<640x128xf32, #tpu.memory_space<vmem_shared>>
      %dma_start3A_154 = arith.constant 0 : i32
      %dma_start3A_155 = tpu.memref_slice %arg2[%mul3A_149, %dma_start3A_154] : memref<10000x128xf32, #tpu.memory_space<hbm>> -> memref<640x128xf32, #tpu.memory_space<hbm>>
      tpu.enqueue_dma source(%dma_start3A_155 : memref<640x128xf32, #tpu.memory_space<hbm>>) target(%dma_start3A_153 : memref<640x128xf32, #tpu.memory_space<vmem_shared>>) target_semaphore(%arg14 : memref<!tpu.dma_semaphore, #tpu.memory_space<semaphore_mem>>)
    } else {
    }
    %eq3A_19 = arith.constant 0 : i32
    %eq3A_20 = arith.cmpi eq, %arg0, %eq3A_19 : i32
    %eq3A_21 = arith.constant 15 : i32
    %eq3A_22 = arith.cmpi eq, %arg1, %eq3A_21 : i32
    %and3A_23 = arith.andi %eq3A_20, %eq3A_22 : i1
    %convert_element_type3A_24 = arith.extui %and3A_23 : i1 to i32
    %cond3A_25 = arith.constant 0 : i32
    %cond3A_26 = arith.cmpi ne, %convert_element_type3A_24, %cond3A_25 : i32
    scf.if %cond3A_26 {
      %dma_start3A_148 = arith.constant 9600 : i32
      %dma_start3A_149 = arith.constant 0 : i32
      %dma_start3A_150 = tpu.memref_slice %arg11[%dma_start3A_148, %dma_start3A_149] : memref<10000x128xf32, #tpu.memory_space<vmem_shared>> -> memref<400x128xf32, #tpu.memory_space<vmem_shared>>
      %dma_start3A_151 = arith.constant 9600 : i32
      %dma_start3A_152 = arith.constant 0 : i32
      %dma_start3A_153 = tpu.memref_slice %arg2[%dma_start3A_151, %dma_start3A_152] : memref<10000x128xf32, #tpu.memory_space<hbm>> -> memref<400x128xf32, #tpu.memory_space<hbm>>
      tpu.enqueue_dma source(%dma_start3A_153 : memref<400x128xf32, #tpu.memory_space<hbm>>) target(%dma_start3A_150 : memref<400x128xf32, #tpu.memory_space<vmem_shared>>) target_semaphore(%arg14 : memref<!tpu.dma_semaphore, #tpu.memory_space<semaphore_mem>>)
    } else {
    }
    %ne3A = arith.constant 0 : i32
    %ne3A_27 = arith.cmpi ne, %arg0, %ne3A : i32
    %lt3A_28 = arith.constant 15 : i32
    %lt3A_29 = arith.cmpi slt, %arg1, %lt3A_28 : i32
    %and3A_30 = arith.andi %ne3A_27, %lt3A_29 : i1
    %convert_element_type3A_31 = arith.extui %and3A_30 : i1 to i32
    %cond3A_32 = arith.constant 0 : i32
    %cond3A_33 = arith.cmpi ne, %convert_element_type3A_31, %cond3A_32 : i32
    scf.if %cond3A_33 {
      %mul3A_148 = arith.constant 640 : i32
      %mul3A_149 = arith.muli %arg1, %mul3A_148 : i32
      %dma_start3A_150 = arith.constant 0 : i32
      %dma_start3A_151 = tpu.memref_slice %arg11[%mul3A_149, %dma_start3A_150] : memref<10000x128xf32, #tpu.memory_space<vmem_shared>> -> memref<640x128xf32, #tpu.memory_space<vmem_shared>>
      tpu.enqueue_dma source(%arg5 : memref<640x128xf32, #tpu.memory_space<hbm>>) target(%dma_start3A_151 : memref<640x128xf32, #tpu.memory_space<vmem_shared>>) target_semaphore(%arg14 : memref<!tpu.dma_semaphore, #tpu.memory_space<semaphore_mem>>)
    } else {
    }
    %ne3A_34 = arith.constant 0 : i32
    %ne3A_35 = arith.cmpi ne, %arg0, %ne3A_34 : i32
    %eq3A_36 = arith.constant 15 : i32
    %eq3A_37 = arith.cmpi eq, %arg1, %eq3A_36 : i32
    %and3A_38 = arith.andi %ne3A_35, %eq3A_37 : i1
    %convert_element_type3A_39 = arith.extui %and3A_38 : i1 to i32
    %cond3A_40 = arith.constant 0 : i32
    %cond3A_41 = arith.cmpi ne, %convert_element_type3A_39, %cond3A_40 : i32
    scf.if %cond3A_41 {
      %dma_start3A_148 = arith.constant 9600 : i32
      %dma_start3A_149 = arith.constant 0 : i32
      %dma_start3A_150 = tpu.memref_slice %arg11[%dma_start3A_148, %dma_start3A_149] : memref<10000x128xf32, #tpu.memory_space<vmem_shared>> -> memref<400x128xf32, #tpu.memory_space<vmem_shared>>
      %dma_start3A_151 = arith.constant 0 : i32
      %dma_start3A_152 = arith.constant 0 : i32
      %dma_start3A_153 = tpu.memref_slice %arg5[%dma_start3A_151, %dma_start3A_152] : memref<640x128xf32, #tpu.memory_space<hbm>> -> memref<400x128xf32, #tpu.memory_space<hbm>>
      tpu.enqueue_dma source(%dma_start3A_153 : memref<400x128xf32, #tpu.memory_space<hbm>>) target(%dma_start3A_150 : memref<400x128xf32, #tpu.memory_space<vmem_shared>>) target_semaphore(%arg14 : memref<!tpu.dma_semaphore, #tpu.memory_space<semaphore_mem>>)
    } else {
    }
    %dma_wait3A = arith.constant 0 : i32
    %dma_wait3A_42 = arith.constant 0 : i32
    %dma_wait3A_43 = tpu.memref_slice %arg3[%add3A, %dma_wait3A, %dma_wait3A_42] : memref<32x80x125xi32, #tpu.memory_space<hbm>> -> memref<1x40x125xi32, #tpu.memory_space<hbm>>
    %dma_wait3A_44 = tpu.memref_squeeze %dma_wait3A_43 : memref<1x40x125xi32, #tpu.memory_space<hbm>> -> memref<40x125xi32, #tpu.memory_space<hbm>>
    %dma_wait3A_45 = arith.constant 0 : i32
    %dma_wait3A_46 = arith.constant 0 : i32
    %dma_wait3A_47 = tpu.memref_slice %arg3[%add3A, %dma_wait3A_45, %dma_wait3A_46] : memref<32x80x125xi32, #tpu.memory_space<hbm>> -> memref<1x40x125xi32, #tpu.memory_space<hbm>>
    %dma_wait3A_48 = tpu.memref_squeeze %dma_wait3A_47 : memref<1x40x125xi32, #tpu.memory_space<hbm>> -> memref<40x125xi32, #tpu.memory_space<hbm>>
    tpu.wait_dma2 semaphore(%arg12 : memref<!tpu.dma_semaphore, #tpu.memory_space<semaphore_mem>>) src(%dma_wait3A_48 : memref<40x125xi32, #tpu.memory_space<hbm>>) dst(%arg7 : memref<40x125xi32, #tpu.memory_space<vmem>>)
    %dma_start3A_49 = arith.constant 0 : i32
    %dma_start3A_50 = arith.constant 0 : i32
    %dma_start3A_51 = tpu.memref_slice %arg7[%dma_start3A_49, %dma_start3A_50] : memref<40x125xi32, #tpu.memory_space<vmem>> -> memref<1x125xi32, #tpu.memory_space<vmem>>
    %dma_start3A_52 = tpu.memref_squeeze %dma_start3A_51 : memref<1x125xi32, #tpu.memory_space<vmem>> -> memref<125xi32, #tpu.memory_space<vmem>>
    %dma_start3A_53 = arith.constant 0 : i32
    %dma_start3A_54 = arith.constant 0 : i32
    %dma_start3A_55 = tpu.memref_slice %arg2[%dma_start3A_53, %dma_start3A_54] : memref<10000x128xf32, #tpu.memory_space<hbm>> -> memref<10000x128xf32, #tpu.memory_space<hbm>>
    tpu.enqueue_indirect_dma source(%dma_start3A_55 : memref<10000x128xf32, #tpu.memory_space<hbm>>) target(%arg9 : memref<125x128xf32, #tpu.memory_space<vmem>>) offsets(%dma_start3A_52 : memref<125xi32, #tpu.memory_space<vmem>>) semaphore(%arg12 : memref<!tpu.dma_semaphore, #tpu.memory_space<semaphore_mem>>)
    %dma_start3A_56 = arith.constant 1 : i32
    %dma_start3A_57 = arith.constant 0 : i32
    %dma_start3A_58 = tpu.memref_slice %arg7[%dma_start3A_56, %dma_start3A_57] : memref<40x125xi32, #tpu.memory_space<vmem>> -> memref<1x125xi32, #tpu.memory_space<vmem>>
    %dma_start3A_59 = tpu.memref_squeeze %dma_start3A_58 : memref<1x125xi32, #tpu.memory_space<vmem>> -> memref<125xi32, #tpu.memory_space<vmem>>
    %dma_start3A_60 = arith.constant 0 : i32
    %dma_start3A_61 = arith.constant 0 : i32
    %dma_start3A_62 = tpu.memref_slice %arg2[%dma_start3A_60, %dma_start3A_61] : memref<10000x128xf32, #tpu.memory_space<hbm>> -> memref<10000x128xf32, #tpu.memory_space<hbm>>
    tpu.enqueue_indirect_dma source(%dma_start3A_62 : memref<10000x128xf32, #tpu.memory_space<hbm>>) target(%arg10 : memref<125x128xf32, #tpu.memory_space<vmem>>) offsets(%dma_start3A_59 : memref<125xi32, #tpu.memory_space<vmem>>) semaphore(%arg13 : memref<!tpu.dma_semaphore, #tpu.memory_space<semaphore_mem>>)
    %dma_wait3A_63 = arith.constant 0 : i32
    %dma_wait3A_64 = arith.constant 0 : i32
    %dma_wait3A_65 = tpu.memref_slice %arg4[%add3A, %dma_wait3A_63, %dma_wait3A_64] : memref<32x80x125xi32, #tpu.memory_space<hbm>> -> memref<1x80x125xi32, #tpu.memory_space<hbm>>
    %dma_wait3A_66 = tpu.memref_squeeze %dma_wait3A_65 : memref<1x80x125xi32, #tpu.memory_space<hbm>> -> memref<80x125xi32, #tpu.memory_space<hbm>>
    %dma_wait3A_67 = arith.constant 0 : i32
    %dma_wait3A_68 = arith.constant 0 : i32
    %dma_wait3A_69 = tpu.memref_slice %arg4[%add3A, %dma_wait3A_67, %dma_wait3A_68] : memref<32x80x125xi32, #tpu.memory_space<hbm>> -> memref<1x80x125xi32, #tpu.memory_space<hbm>>
    %dma_wait3A_70 = tpu.memref_squeeze %dma_wait3A_69 : memref<1x80x125xi32, #tpu.memory_space<hbm>> -> memref<80x125xi32, #tpu.memory_space<hbm>>
    tpu.wait_dma2 semaphore(%arg14 : memref<!tpu.dma_semaphore, #tpu.memory_space<semaphore_mem>>) src(%dma_wait3A_70 : memref<80x125xi32, #tpu.memory_space<hbm>>) dst(%arg8 : memref<80x125xi32, #tpu.memory_space<vmem>>)
    %lt3A_71 = arith.constant 15 : i32
    %lt3A_72 = arith.cmpi slt, %arg1, %lt3A_71 : i32
    %convert_element_type3A_73 = arith.extui %lt3A_72 : i1 to i32
    %cond3A_74 = arith.constant 0 : i32
    %cond3A_75 = arith.cmpi ne, %convert_element_type3A_73, %cond3A_74 : i32
    scf.if %cond3A_75 {
      %mul3A_148 = arith.constant 640 : i32
      %mul3A_149 = arith.muli %arg1, %mul3A_148 : i32
      %dma_wait3A_150 = arith.constant 0 : i32
      %dma_wait3A_151 = tpu.memref_slice %arg11[%mul3A_149, %dma_wait3A_150] : memref<10000x128xf32, #tpu.memory_space<vmem_shared>> -> memref<640x128xf32, #tpu.memory_space<vmem_shared>>
      tpu.wait_dma2 semaphore(%arg14 : memref<!tpu.dma_semaphore, #tpu.memory_space<semaphore_mem>>) src(%arg5 : memref<640x128xf32, #tpu.memory_space<hbm>>) dst(%dma_wait3A_151 : memref<640x128xf32, #tpu.memory_space<vmem_shared>>)
    } else {
    }
    %eq3A_76 = arith.constant 15 : i32
    %eq3A_77 = arith.cmpi eq, %arg1, %eq3A_76 : i32
    %convert_element_type3A_78 = arith.extui %eq3A_77 : i1 to i32
    %cond3A_79 = arith.constant 0 : i32
    %cond3A_80 = arith.cmpi ne, %convert_element_type3A_78, %cond3A_79 : i32
    scf.if %cond3A_80 {
      %dma_wait3A_148 = arith.constant 9600 : i32
      %dma_wait3A_149 = arith.constant 0 : i32
      %dma_wait3A_150 = tpu.memref_slice %arg11[%dma_wait3A_148, %dma_wait3A_149] : memref<10000x128xf32, #tpu.memory_space<vmem_shared>> -> memref<400x128xf32, #tpu.memory_space<vmem_shared>>
      %dma_wait3A_151 = arith.constant 0 : i32
      %dma_wait3A_152 = arith.constant 0 : i32
      %dma_wait3A_153 = tpu.memref_slice %arg5[%dma_wait3A_151, %dma_wait3A_152] : memref<640x128xf32, #tpu.memory_space<hbm>> -> memref<400x128xf32, #tpu.memory_space<hbm>>
      tpu.wait_dma2 semaphore(%arg14 : memref<!tpu.dma_semaphore, #tpu.memory_space<semaphore_mem>>) src(%dma_wait3A_153 : memref<400x128xf32, #tpu.memory_space<hbm>>) dst(%dma_wait3A_150 : memref<400x128xf32, #tpu.memory_space<vmem_shared>>)
    } else {
    }
    %barrier3A = arith.constant 0 : index
    tpu.barrier barrier_id(%barrier3A)
    %scan3A = arith.constant 0 : i32
    %scan3A_81 = arith.constant 0 : i32
    %scan3A_82 = arith.constant 19 : i32
    %scan3A_83 = arith.addi %scan3A_81, %scan3A_82 : i32
    %scan3A_84 = arith.constant 1 : i32
    scf.for %scan3A_148 = %scan3A_81 to %scan3A_83 step %scan3A_84  : i32 {
      %dma_wait3A_149 = arith.constant 0 : i32
      %dma_wait3A_150 = arith.constant 0 : i32
      %dma_wait3A_151 = tpu.memref_slice %arg7[%dma_wait3A_149, %dma_wait3A_150] : memref<40x125xi32, #tpu.memory_space<vmem>> -> memref<1x125xi32, #tpu.memory_space<vmem>>
      %dma_wait3A_152 = tpu.memref_squeeze %dma_wait3A_151 : memref<1x125xi32, #tpu.memory_space<vmem>> -> memref<125xi32, #tpu.memory_space<vmem>>
      %dma_wait3A_153 = arith.constant 0 : i32
      %dma_wait3A_154 = arith.constant 0 : i32
      %dma_wait3A_155 = tpu.memref_slice %arg2[%dma_wait3A_153, %dma_wait3A_154] : memref<10000x128xf32, #tpu.memory_space<hbm>> -> memref<10000x128xf32, #tpu.memory_space<hbm>>
      tpu.wait_indirect_dma semaphore(%arg12 : memref<!tpu.dma_semaphore, #tpu.memory_space<semaphore_mem>>) src(%dma_wait3A_155 : memref<10000x128xf32, #tpu.memory_space<hbm>>) dst(%arg9 : memref<125x128xf32, #tpu.memory_space<vmem>>)
      %mul3A_156 = arith.constant 2 : i32
      %mul3A_157 = arith.muli %mul3A_156, %scan3A_148 : i32
      %add3A_158 = arith.constant 0 : i32
      %add3A_159 = arith.addi %add3A_158, %mul3A_157 : i32
      "tpu.region"() ({
        %run_scoped3A_193 = tpu.sem_alloc : memref<!tpu.dma_semaphore, #tpu.memory_space<semaphore_mem>>
        %dma_start3A_194 = arith.constant 0 : i32
        %dma_start3A_195 = tpu.memref_slice %arg8[%add3A_159, %dma_start3A_194] : memref<80x125xi32, #tpu.memory_space<vmem>> -> memref<1x125xi32, #tpu.memory_space<vmem>>
        %dma_start3A_196 = tpu.memref_squeeze %dma_start3A_195 : memref<1x125xi32, #tpu.memory_space<vmem>> -> memref<125xi32, #tpu.memory_space<vmem>>
        %dma_start3A_197 = arith.constant 0 : i32
        %dma_start3A_198 = arith.constant 0 : i32
        %dma_start3A_199 = tpu.memref_slice %arg11[%dma_start3A_197, %dma_start3A_198] : memref<10000x128xf32, #tpu.memory_space<vmem_shared>> -> memref<10000x128xf32, #tpu.memory_space<vmem_shared>>
        tpu.enqueue_indirect_dma source(%arg9 : memref<125x128xf32, #tpu.memory_space<vmem>>) target(%dma_start3A_199 : memref<10000x128xf32, #tpu.memory_space<vmem_shared>>) offsets(%dma_start3A_196 : memref<125xi32, #tpu.memory_space<vmem>>) semaphore(%run_scoped3A_193 : memref<!tpu.dma_semaphore, #tpu.memory_space<semaphore_mem>>) {add = true}
        %dma_wait3A_200 = arith.constant 0 : i32
        %dma_wait3A_201 = tpu.memref_slice %arg8[%add3A_159, %dma_wait3A_200] : memref<80x125xi32, #tpu.memory_space<vmem>> -> memref<1x125xi32, #tpu.memory_space<vmem>>
        %dma_wait3A_202 = tpu.memref_squeeze %dma_wait3A_201 : memref<1x125xi32, #tpu.memory_space<vmem>> -> memref<125xi32, #tpu.memory_space<vmem>>
        %dma_wait3A_203 = arith.constant 0 : i32
        %dma_wait3A_204 = arith.constant 0 : i32
        %dma_wait3A_205 = tpu.memref_slice %arg11[%dma_wait3A_203, %dma_wait3A_204] : memref<10000x128xf32, #tpu.memory_space<vmem_shared>> -> memref<10000x128xf32, #tpu.memory_space<vmem_shared>>
        tpu.wait_indirect_dma semaphore(%run_scoped3A_193 : memref<!tpu.dma_semaphore, #tpu.memory_space<semaphore_mem>>) src(%arg9 : memref<125x128xf32, #tpu.memory_space<vmem>>) dst(%dma_wait3A_205 : memref<10000x128xf32, #tpu.memory_space<vmem_shared>>)
        tpu.yield
      }) : () -> ()
      %mul3A_160 = arith.constant 2 : i32
      %mul3A_161 = arith.muli %mul3A_160, %scan3A_148 : i32
      %add3A_162 = arith.constant 2 : i32
      %add3A_163 = arith.addi %mul3A_161, %add3A_162 : i32
      %dma_start3A_164 = arith.constant 0 : i32
      %dma_start3A_165 = tpu.memref_slice %arg7[%add3A_163, %dma_start3A_164] : memref<40x125xi32, #tpu.memory_space<vmem>> -> memref<1x125xi32, #tpu.memory_space<vmem>>
      %dma_start3A_166 = tpu.memref_squeeze %dma_start3A_165 : memref<1x125xi32, #tpu.memory_space<vmem>> -> memref<125xi32, #tpu.memory_space<vmem>>
      %dma_start3A_167 = arith.constant 0 : i32
      %dma_start3A_168 = arith.constant 0 : i32
      %dma_start3A_169 = tpu.memref_slice %arg2[%dma_start3A_167, %dma_start3A_168] : memref<10000x128xf32, #tpu.memory_space<hbm>> -> memref<10000x128xf32, #tpu.memory_space<hbm>>
      tpu.enqueue_indirect_dma source(%dma_start3A_169 : memref<10000x128xf32, #tpu.memory_space<hbm>>) target(%arg9 : memref<125x128xf32, #tpu.memory_space<vmem>>) offsets(%dma_start3A_166 : memref<125xi32, #tpu.memory_space<vmem>>) semaphore(%arg12 : memref<!tpu.dma_semaphore, #tpu.memory_space<semaphore_mem>>)
      %dma_wait3A_170 = arith.constant 0 : i32
      %dma_wait3A_171 = arith.constant 0 : i32
      %dma_wait3A_172 = tpu.memref_slice %arg7[%dma_wait3A_170, %dma_wait3A_171] : memref<40x125xi32, #tpu.memory_space<vmem>> -> memref<1x125xi32, #tpu.memory_space<vmem>>
      %dma_wait3A_173 = tpu.memref_squeeze %dma_wait3A_172 : memref<1x125xi32, #tpu.memory_space<vmem>> -> memref<125xi32, #tpu.memory_space<vmem>>
      %dma_wait3A_174 = arith.constant 0 : i32
      %dma_wait3A_175 = arith.constant 0 : i32
      %dma_wait3A_176 = tpu.memref_slice %arg2[%dma_wait3A_174, %dma_wait3A_175] : memref<10000x128xf32, #tpu.memory_space<hbm>> -> memref<10000x128xf32, #tpu.memory_space<hbm>>
      tpu.wait_indirect_dma semaphore(%arg13 : memref<!tpu.dma_semaphore, #tpu.memory_space<semaphore_mem>>) src(%dma_wait3A_176 : memref<10000x128xf32, #tpu.memory_space<hbm>>) dst(%arg10 : memref<125x128xf32, #tpu.memory_space<vmem>>)
      %mul3A_177 = arith.constant 2 : i32
      %mul3A_178 = arith.muli %mul3A_177, %scan3A_148 : i32
      %add3A_179 = arith.constant 0 : i32
      %add3A_180 = arith.addi %add3A_179, %mul3A_178 : i32
      %add3A_181 = arith.constant 1 : i32
      %add3A_182 = arith.addi %add3A_180, %add3A_181 : i32
      "tpu.region"() ({
        %run_scoped3A_193 = tpu.sem_alloc : memref<!tpu.dma_semaphore, #tpu.memory_space<semaphore_mem>>
        %dma_start3A_194 = arith.constant 0 : i32
        %dma_start3A_195 = tpu.memref_slice %arg8[%add3A_182, %dma_start3A_194] : memref<80x125xi32, #tpu.memory_space<vmem>> -> memref<1x125xi32, #tpu.memory_space<vmem>>
        %dma_start3A_196 = tpu.memref_squeeze %dma_start3A_195 : memref<1x125xi32, #tpu.memory_space<vmem>> -> memref<125xi32, #tpu.memory_space<vmem>>
        %dma_start3A_197 = arith.constant 0 : i32
        %dma_start3A_198 = arith.constant 0 : i32
        %dma_start3A_199 = tpu.memref_slice %arg11[%dma_start3A_197, %dma_start3A_198] : memref<10000x128xf32, #tpu.memory_space<vmem_shared>> -> memref<10000x128xf32, #tpu.memory_space<vmem_shared>>
        tpu.enqueue_indirect_dma source(%arg10 : memref<125x128xf32, #tpu.memory_space<vmem>>) target(%dma_start3A_199 : memref<10000x128xf32, #tpu.memory_space<vmem_shared>>) offsets(%dma_start3A_196 : memref<125xi32, #tpu.memory_space<vmem>>) semaphore(%run_scoped3A_193 : memref<!tpu.dma_semaphore, #tpu.memory_space<semaphore_mem>>) {add = true}
        %dma_wait3A_200 = arith.constant 0 : i32
        %dma_wait3A_201 = tpu.memref_slice %arg8[%add3A_182, %dma_wait3A_200] : memref<80x125xi32, #tpu.memory_space<vmem>> -> memref<1x125xi32, #tpu.memory_space<vmem>>
        %dma_wait3A_202 = tpu.memref_squeeze %dma_wait3A_201 : memref<1x125xi32, #tpu.memory_space<vmem>> -> memref<125xi32, #tpu.memory_space<vmem>>
        %dma_wait3A_203 = arith.constant 0 : i32
        %dma_wait3A_204 = arith.constant 0 : i32
        %dma_wait3A_205 = tpu.memref_slice %arg11[%dma_wait3A_203, %dma_wait3A_204] : memref<10000x128xf32, #tpu.memory_space<vmem_shared>> -> memref<10000x128xf32, #tpu.memory_space<vmem_shared>>
        tpu.wait_indirect_dma semaphore(%run_scoped3A_193 : memref<!tpu.dma_semaphore, #tpu.memory_space<semaphore_mem>>) src(%arg10 : memref<125x128xf32, #tpu.memory_space<vmem>>) dst(%dma_wait3A_205 : memref<10000x128xf32, #tpu.memory_space<vmem_shared>>)
        tpu.yield
      }) : () -> ()
      %mul3A_183 = arith.constant 2 : i32
      %mul3A_184 = arith.muli %mul3A_183, %scan3A_148 : i32
      %add3A_185 = arith.constant 3 : i32
      %add3A_186 = arith.addi %mul3A_184, %add3A_185 : i32
      %dma_start3A_187 = arith.constant 0 : i32
      %dma_start3A_188 = tpu.memref_slice %arg7[%add3A_186, %dma_start3A_187] : memref<40x125xi32, #tpu.memory_space<vmem>> -> memref<1x125xi32, #tpu.memory_space<vmem>>
      %dma_start3A_189 = tpu.memref_squeeze %dma_start3A_188 : memref<1x125xi32, #tpu.memory_space<vmem>> -> memref<125xi32, #tpu.memory_space<vmem>>
      %dma_start3A_190 = arith.constant 0 : i32
      %dma_start3A_191 = arith.constant 0 : i32
      %dma_start3A_192 = tpu.memref_slice %arg2[%dma_start3A_190, %dma_start3A_191] : memref<10000x128xf32, #tpu.memory_space<hbm>> -> memref<10000x128xf32, #tpu.memory_space<hbm>>
      tpu.enqueue_indirect_dma source(%dma_start3A_192 : memref<10000x128xf32, #tpu.memory_space<hbm>>) target(%arg10 : memref<125x128xf32, #tpu.memory_space<vmem>>) offsets(%dma_start3A_189 : memref<125xi32, #tpu.memory_space<vmem>>) semaphore(%arg13 : memref<!tpu.dma_semaphore, #tpu.memory_space<semaphore_mem>>)
    }
    %scan3A_85 = arith.constant 19 : i32
    %dma_wait3A_86 = arith.constant 0 : i32
    %dma_wait3A_87 = arith.constant 0 : i32
    %dma_wait3A_88 = tpu.memref_slice %arg7[%dma_wait3A_86, %dma_wait3A_87] : memref<40x125xi32, #tpu.memory_space<vmem>> -> memref<1x125xi32, #tpu.memory_space<vmem>>
    %dma_wait3A_89 = tpu.memref_squeeze %dma_wait3A_88 : memref<1x125xi32, #tpu.memory_space<vmem>> -> memref<125xi32, #tpu.memory_space<vmem>>
    %dma_wait3A_90 = arith.constant 0 : i32
    %dma_wait3A_91 = arith.constant 0 : i32
    %dma_wait3A_92 = tpu.memref_slice %arg2[%dma_wait3A_90, %dma_wait3A_91] : memref<10000x128xf32, #tpu.memory_space<hbm>> -> memref<10000x128xf32, #tpu.memory_space<hbm>>
    tpu.wait_indirect_dma semaphore(%arg12 : memref<!tpu.dma_semaphore, #tpu.memory_space<semaphore_mem>>) src(%dma_wait3A_92 : memref<10000x128xf32, #tpu.memory_space<hbm>>) dst(%arg9 : memref<125x128xf32, #tpu.memory_space<vmem>>)
    %run_scoped3A = arith.constant 38 : i32
    "tpu.region"() ({
      %run_scoped3A_148 = tpu.sem_alloc : memref<!tpu.dma_semaphore, #tpu.memory_space<semaphore_mem>>
      %dma_start3A_149 = arith.constant 0 : i32
      %dma_start3A_150 = tpu.memref_slice %arg8[%run_scoped3A, %dma_start3A_149] : memref<80x125xi32, #tpu.memory_space<vmem>> -> memref<1x125xi32, #tpu.memory_space<vmem>>
      %dma_start3A_151 = tpu.memref_squeeze %dma_start3A_150 : memref<1x125xi32, #tpu.memory_space<vmem>> -> memref<125xi32, #tpu.memory_space<vmem>>
      %dma_start3A_152 = arith.constant 0 : i32
      %dma_start3A_153 = arith.constant 0 : i32
      %dma_start3A_154 = tpu.memref_slice %arg11[%dma_start3A_152, %dma_start3A_153] : memref<10000x128xf32, #tpu.memory_space<vmem_shared>> -> memref<10000x128xf32, #tpu.memory_space<vmem_shared>>
      tpu.enqueue_indirect_dma source(%arg9 : memref<125x128xf32, #tpu.memory_space<vmem>>) target(%dma_start3A_154 : memref<10000x128xf32, #tpu.memory_space<vmem_shared>>) offsets(%dma_start3A_151 : memref<125xi32, #tpu.memory_space<vmem>>) semaphore(%run_scoped3A_148 : memref<!tpu.dma_semaphore, #tpu.memory_space<semaphore_mem>>) {add = true}
      %dma_wait3A_155 = arith.constant 0 : i32
      %dma_wait3A_156 = tpu.memref_slice %arg8[%run_scoped3A, %dma_wait3A_155] : memref<80x125xi32, #tpu.memory_space<vmem>> -> memref<1x125xi32, #tpu.memory_space<vmem>>
      %dma_wait3A_157 = tpu.memref_squeeze %dma_wait3A_156 : memref<1x125xi32, #tpu.memory_space<vmem>> -> memref<125xi32, #tpu.memory_space<vmem>>
      %dma_wait3A_158 = arith.constant 0 : i32
      %dma_wait3A_159 = arith.constant 0 : i32
      %dma_wait3A_160 = tpu.memref_slice %arg11[%dma_wait3A_158, %dma_wait3A_159] : memref<10000x128xf32, #tpu.memory_space<vmem_shared>> -> memref<10000x128xf32, #tpu.memory_space<vmem_shared>>
      tpu.wait_indirect_dma semaphore(%run_scoped3A_148 : memref<!tpu.dma_semaphore, #tpu.memory_space<semaphore_mem>>) src(%arg9 : memref<125x128xf32, #tpu.memory_space<vmem>>) dst(%dma_wait3A_160 : memref<10000x128xf32, #tpu.memory_space<vmem_shared>>)
      tpu.yield
    }) : () -> ()
    %dma_wait3A_93 = arith.constant 0 : i32
    %dma_wait3A_94 = arith.constant 0 : i32
    %dma_wait3A_95 = tpu.memref_slice %arg7[%dma_wait3A_93, %dma_wait3A_94] : memref<40x125xi32, #tpu.memory_space<vmem>> -> memref<1x125xi32, #tpu.memory_space<vmem>>
    %dma_wait3A_96 = tpu.memref_squeeze %dma_wait3A_95 : memref<1x125xi32, #tpu.memory_space<vmem>> -> memref<125xi32, #tpu.memory_space<vmem>>
    %dma_wait3A_97 = arith.constant 0 : i32
    %dma_wait3A_98 = arith.constant 0 : i32
    %dma_wait3A_99 = tpu.memref_slice %arg2[%dma_wait3A_97, %dma_wait3A_98] : memref<10000x128xf32, #tpu.memory_space<hbm>> -> memref<10000x128xf32, #tpu.memory_space<hbm>>
    tpu.wait_indirect_dma semaphore(%arg13 : memref<!tpu.dma_semaphore, #tpu.memory_space<semaphore_mem>>) src(%dma_wait3A_99 : memref<10000x128xf32, #tpu.memory_space<hbm>>) dst(%arg10 : memref<125x128xf32, #tpu.memory_space<vmem>>)
    %run_scoped3A_100 = arith.constant 39 : i32
    "tpu.region"() ({
      %run_scoped3A_148 = tpu.sem_alloc : memref<!tpu.dma_semaphore, #tpu.memory_space<semaphore_mem>>
      %dma_start3A_149 = arith.constant 0 : i32
      %dma_start3A_150 = tpu.memref_slice %arg8[%run_scoped3A_100, %dma_start3A_149] : memref<80x125xi32, #tpu.memory_space<vmem>> -> memref<1x125xi32, #tpu.memory_space<vmem>>
      %dma_start3A_151 = tpu.memref_squeeze %dma_start3A_150 : memref<1x125xi32, #tpu.memory_space<vmem>> -> memref<125xi32, #tpu.memory_space<vmem>>
      %dma_start3A_152 = arith.constant 0 : i32
      %dma_start3A_153 = arith.constant 0 : i32
      %dma_start3A_154 = tpu.memref_slice %arg11[%dma_start3A_152, %dma_start3A_153] : memref<10000x128xf32, #tpu.memory_space<vmem_shared>> -> memref<10000x128xf32, #tpu.memory_space<vmem_shared>>
      tpu.enqueue_indirect_dma source(%arg10 : memref<125x128xf32, #tpu.memory_space<vmem>>) target(%dma_start3A_154 : memref<10000x128xf32, #tpu.memory_space<vmem_shared>>) offsets(%dma_start3A_151 : memref<125xi32, #tpu.memory_space<vmem>>) semaphore(%run_scoped3A_148 : memref<!tpu.dma_semaphore, #tpu.memory_space<semaphore_mem>>) {add = true}
      %dma_wait3A_155 = arith.constant 0 : i32
      %dma_wait3A_156 = tpu.memref_slice %arg8[%run_scoped3A_100, %dma_wait3A_155] : memref<80x125xi32, #tpu.memory_space<vmem>> -> memref<1x125xi32, #tpu.memory_space<vmem>>
      %dma_wait3A_157 = tpu.memref_squeeze %dma_wait3A_156 : memref<1x125xi32, #tpu.memory_space<vmem>> -> memref<125xi32, #tpu.memory_space<vmem>>
      %dma_wait3A_158 = arith.constant 0 : i32
      %dma_wait3A_159 = arith.constant 0 : i32
      %dma_wait3A_160 = tpu.memref_slice %arg11[%dma_wait3A_158, %dma_wait3A_159] : memref<10000x128xf32, #tpu.memory_space<vmem_shared>> -> memref<10000x128xf32, #tpu.memory_space<vmem_shared>>
      tpu.wait_indirect_dma semaphore(%run_scoped3A_148 : memref<!tpu.dma_semaphore, #tpu.memory_space<semaphore_mem>>) src(%arg10 : memref<125x128xf32, #tpu.memory_space<vmem>>) dst(%dma_wait3A_160 : memref<10000x128xf32, #tpu.memory_space<vmem_shared>>)
      tpu.yield
    }) : () -> ()
    "tpu.region"() ({
      %run_scoped3A_148 = tpu.sem_alloc : memref<!tpu.dma_semaphore, #tpu.memory_space<semaphore_mem>>
      %dma_start3A_149 = arith.constant 40 : i32
      %dma_start3A_150 = arith.constant 0 : i32
      %dma_start3A_151 = tpu.memref_slice %arg3[%add3A, %dma_start3A_149, %dma_start3A_150] : memref<32x80x125xi32, #tpu.memory_space<hbm>> -> memref<1x40x125xi32, #tpu.memory_space<hbm>>
      %dma_start3A_152 = tpu.memref_squeeze %dma_start3A_151 : memref<1x40x125xi32, #tpu.memory_space<hbm>> -> memref<40x125xi32, #tpu.memory_space<hbm>>
      %dma_start3A_153 = arith.constant 40 : i32
      %dma_start3A_154 = arith.constant 0 : i32
      %dma_start3A_155 = tpu.memref_slice %arg3[%add3A, %dma_start3A_153, %dma_start3A_154] : memref<32x80x125xi32, #tpu.memory_space<hbm>> -> memref<1x40x125xi32, #tpu.memory_space<hbm>>
      %dma_start3A_156 = tpu.memref_squeeze %dma_start3A_155 : memref<1x40x125xi32, #tpu.memory_space<hbm>> -> memref<40x125xi32, #tpu.memory_space<hbm>>
      tpu.enqueue_dma source(%dma_start3A_156 : memref<40x125xi32, #tpu.memory_space<hbm>>) target(%arg7 : memref<40x125xi32, #tpu.memory_space<vmem>>) target_semaphore(%run_scoped3A_148 : memref<!tpu.dma_semaphore, #tpu.memory_space<semaphore_mem>>)
      %dma_wait3A_157 = arith.constant 40 : i32
      %dma_wait3A_158 = arith.constant 0 : i32
      %dma_wait3A_159 = tpu.memref_slice %arg3[%add3A, %dma_wait3A_157, %dma_wait3A_158] : memref<32x80x125xi32, #tpu.memory_space<hbm>> -> memref<1x40x125xi32, #tpu.memory_space<hbm>>
      %dma_wait3A_160 = tpu.memref_squeeze %dma_wait3A_159 : memref<1x40x125xi32, #tpu.memory_space<hbm>> -> memref<40x125xi32, #tpu.memory_space<hbm>>
      %dma_wait3A_161 = arith.constant 40 : i32
      %dma_wait3A_162 = arith.constant 0 : i32
      %dma_wait3A_163 = tpu.memref_slice %arg3[%add3A, %dma_wait3A_161, %dma_wait3A_162] : memref<32x80x125xi32, #tpu.memory_space<hbm>> -> memref<1x40x125xi32, #tpu.memory_space<hbm>>
      %dma_wait3A_164 = tpu.memref_squeeze %dma_wait3A_163 : memref<1x40x125xi32, #tpu.memory_space<hbm>> -> memref<40x125xi32, #tpu.memory_space<hbm>>
      tpu.wait_dma2 semaphore(%run_scoped3A_148 : memref<!tpu.dma_semaphore, #tpu.memory_space<semaphore_mem>>) src(%dma_wait3A_164 : memref<40x125xi32, #tpu.memory_space<hbm>>) dst(%arg7 : memref<40x125xi32, #tpu.memory_space<vmem>>)
      tpu.yield
    }) : () -> ()
    %dma_start3A_101 = arith.constant 0 : i32
    %dma_start3A_102 = arith.constant 0 : i32
    %dma_start3A_103 = tpu.memref_slice %arg7[%dma_start3A_101, %dma_start3A_102] : memref<40x125xi32, #tpu.memory_space<vmem>> -> memref<1x125xi32, #tpu.memory_space<vmem>>
    %dma_start3A_104 = tpu.memref_squeeze %dma_start3A_103 : memref<1x125xi32, #tpu.memory_space<vmem>> -> memref<125xi32, #tpu.memory_space<vmem>>
    %dma_start3A_105 = arith.constant 0 : i32
    %dma_start3A_106 = arith.constant 0 : i32
    %dma_start3A_107 = tpu.memref_slice %arg2[%dma_start3A_105, %dma_start3A_106] : memref<10000x128xf32, #tpu.memory_space<hbm>> -> memref<10000x128xf32, #tpu.memory_space<hbm>>
    tpu.enqueue_indirect_dma source(%dma_start3A_107 : memref<10000x128xf32, #tpu.memory_space<hbm>>) target(%arg9 : memref<125x128xf32, #tpu.memory_space<vmem>>) offsets(%dma_start3A_104 : memref<125xi32, #tpu.memory_space<vmem>>) semaphore(%arg12 : memref<!tpu.dma_semaphore, #tpu.memory_space<semaphore_mem>>)
    %dma_start3A_108 = arith.constant 1 : i32
    %dma_start3A_109 = arith.constant 0 : i32
    %dma_start3A_110 = tpu.memref_slice %arg7[%dma_start3A_108, %dma_start3A_109] : memref<40x125xi32, #tpu.memory_space<vmem>> -> memref<1x125xi32, #tpu.memory_space<vmem>>
    %dma_start3A_111 = tpu.memref_squeeze %dma_start3A_110 : memref<1x125xi32, #tpu.memory_space<vmem>> -> memref<125xi32, #tpu.memory_space<vmem>>
    %dma_start3A_112 = arith.constant 0 : i32
    %dma_start3A_113 = arith.constant 0 : i32
    %dma_start3A_114 = tpu.memref_slice %arg2[%dma_start3A_112, %dma_start3A_113] : memref<10000x128xf32, #tpu.memory_space<hbm>> -> memref<10000x128xf32, #tpu.memory_space<hbm>>
    tpu.enqueue_indirect_dma source(%dma_start3A_114 : memref<10000x128xf32, #tpu.memory_space<hbm>>) target(%arg10 : memref<125x128xf32, #tpu.memory_space<vmem>>) offsets(%dma_start3A_111 : memref<125xi32, #tpu.memory_space<vmem>>) semaphore(%arg13 : memref<!tpu.dma_semaphore, #tpu.memory_space<semaphore_mem>>)
    %scan3A_115 = arith.constant 0 : i32
    %scan3A_116 = arith.constant 0 : i32
    %scan3A_117 = arith.constant 19 : i32
    %scan3A_118 = arith.addi %scan3A_116, %scan3A_117 : i32
    %scan3A_119 = arith.constant 1 : i32
    scf.for %scan3A_148 = %scan3A_116 to %scan3A_118 step %scan3A_119  : i32 {
      %dma_wait3A_149 = arith.constant 0 : i32
      %dma_wait3A_150 = arith.constant 0 : i32
      %dma_wait3A_151 = tpu.memref_slice %arg7[%dma_wait3A_149, %dma_wait3A_150] : memref<40x125xi32, #tpu.memory_space<vmem>> -> memref<1x125xi32, #tpu.memory_space<vmem>>
      %dma_wait3A_152 = tpu.memref_squeeze %dma_wait3A_151 : memref<1x125xi32, #tpu.memory_space<vmem>> -> memref<125xi32, #tpu.memory_space<vmem>>
      %dma_wait3A_153 = arith.constant 0 : i32
      %dma_wait3A_154 = arith.constant 0 : i32
      %dma_wait3A_155 = tpu.memref_slice %arg2[%dma_wait3A_153, %dma_wait3A_154] : memref<10000x128xf32, #tpu.memory_space<hbm>> -> memref<10000x128xf32, #tpu.memory_space<hbm>>
      tpu.wait_indirect_dma semaphore(%arg12 : memref<!tpu.dma_semaphore, #tpu.memory_space<semaphore_mem>>) src(%dma_wait3A_155 : memref<10000x128xf32, #tpu.memory_space<hbm>>) dst(%arg9 : memref<125x128xf32, #tpu.memory_space<vmem>>)
      %mul3A_156 = arith.constant 2 : i32
      %mul3A_157 = arith.muli %mul3A_156, %scan3A_148 : i32
      %add3A_158 = arith.constant 40 : i32
      %add3A_159 = arith.addi %add3A_158, %mul3A_157 : i32
      "tpu.region"() ({
        %run_scoped3A_193 = tpu.sem_alloc : memref<!tpu.dma_semaphore, #tpu.memory_space<semaphore_mem>>
        %dma_start3A_194 = arith.constant 0 : i32
        %dma_start3A_195 = tpu.memref_slice %arg8[%add3A_159, %dma_start3A_194] : memref<80x125xi32, #tpu.memory_space<vmem>> -> memref<1x125xi32, #tpu.memory_space<vmem>>
        %dma_start3A_196 = tpu.memref_squeeze %dma_start3A_195 : memref<1x125xi32, #tpu.memory_space<vmem>> -> memref<125xi32, #tpu.memory_space<vmem>>
        %dma_start3A_197 = arith.constant 0 : i32
        %dma_start3A_198 = arith.constant 0 : i32
        %dma_start3A_199 = tpu.memref_slice %arg11[%dma_start3A_197, %dma_start3A_198] : memref<10000x128xf32, #tpu.memory_space<vmem_shared>> -> memref<10000x128xf32, #tpu.memory_space<vmem_shared>>
        tpu.enqueue_indirect_dma source(%arg9 : memref<125x128xf32, #tpu.memory_space<vmem>>) target(%dma_start3A_199 : memref<10000x128xf32, #tpu.memory_space<vmem_shared>>) offsets(%dma_start3A_196 : memref<125xi32, #tpu.memory_space<vmem>>) semaphore(%run_scoped3A_193 : memref<!tpu.dma_semaphore, #tpu.memory_space<semaphore_mem>>) {add = true}
        %dma_wait3A_200 = arith.constant 0 : i32
        %dma_wait3A_201 = tpu.memref_slice %arg8[%add3A_159, %dma_wait3A_200] : memref<80x125xi32, #tpu.memory_space<vmem>> -> memref<1x125xi32, #tpu.memory_space<vmem>>
        %dma_wait3A_202 = tpu.memref_squeeze %dma_wait3A_201 : memref<1x125xi32, #tpu.memory_space<vmem>> -> memref<125xi32, #tpu.memory_space<vmem>>
        %dma_wait3A_203 = arith.constant 0 : i32
        %dma_wait3A_204 = arith.constant 0 : i32
        %dma_wait3A_205 = tpu.memref_slice %arg11[%dma_wait3A_203, %dma_wait3A_204] : memref<10000x128xf32, #tpu.memory_space<vmem_shared>> -> memref<10000x128xf32, #tpu.memory_space<vmem_shared>>
        tpu.wait_indirect_dma semaphore(%run_scoped3A_193 : memref<!tpu.dma_semaphore, #tpu.memory_space<semaphore_mem>>) src(%arg9 : memref<125x128xf32, #tpu.memory_space<vmem>>) dst(%dma_wait3A_205 : memref<10000x128xf32, #tpu.memory_space<vmem_shared>>)
        tpu.yield
      }) : () -> ()
      %mul3A_160 = arith.constant 2 : i32
      %mul3A_161 = arith.muli %mul3A_160, %scan3A_148 : i32
      %add3A_162 = arith.constant 2 : i32
      %add3A_163 = arith.addi %mul3A_161, %add3A_162 : i32
      %dma_start3A_164 = arith.constant 0 : i32
      %dma_start3A_165 = tpu.memref_slice %arg7[%add3A_163, %dma_start3A_164] : memref<40x125xi32, #tpu.memory_space<vmem>> -> memref<1x125xi32, #tpu.memory_space<vmem>>
      %dma_start3A_166 = tpu.memref_squeeze %dma_start3A_165 : memref<1x125xi32, #tpu.memory_space<vmem>> -> memref<125xi32, #tpu.memory_space<vmem>>
      %dma_start3A_167 = arith.constant 0 : i32
      %dma_start3A_168 = arith.constant 0 : i32
      %dma_start3A_169 = tpu.memref_slice %arg2[%dma_start3A_167, %dma_start3A_168] : memref<10000x128xf32, #tpu.memory_space<hbm>> -> memref<10000x128xf32, #tpu.memory_space<hbm>>
      tpu.enqueue_indirect_dma source(%dma_start3A_169 : memref<10000x128xf32, #tpu.memory_space<hbm>>) target(%arg9 : memref<125x128xf32, #tpu.memory_space<vmem>>) offsets(%dma_start3A_166 : memref<125xi32, #tpu.memory_space<vmem>>) semaphore(%arg12 : memref<!tpu.dma_semaphore, #tpu.memory_space<semaphore_mem>>)
      %dma_wait3A_170 = arith.constant 0 : i32
      %dma_wait3A_171 = arith.constant 0 : i32
      %dma_wait3A_172 = tpu.memref_slice %arg7[%dma_wait3A_170, %dma_wait3A_171] : memref<40x125xi32, #tpu.memory_space<vmem>> -> memref<1x125xi32, #tpu.memory_space<vmem>>
      %dma_wait3A_173 = tpu.memref_squeeze %dma_wait3A_172 : memref<1x125xi32, #tpu.memory_space<vmem>> -> memref<125xi32, #tpu.memory_space<vmem>>
      %dma_wait3A_174 = arith.constant 0 : i32
      %dma_wait3A_175 = arith.constant 0 : i32
      %dma_wait3A_176 = tpu.memref_slice %arg2[%dma_wait3A_174, %dma_wait3A_175] : memref<10000x128xf32, #tpu.memory_space<hbm>> -> memref<10000x128xf32, #tpu.memory_space<hbm>>
      tpu.wait_indirect_dma semaphore(%arg13 : memref<!tpu.dma_semaphore, #tpu.memory_space<semaphore_mem>>) src(%dma_wait3A_176 : memref<10000x128xf32, #tpu.memory_space<hbm>>) dst(%arg10 : memref<125x128xf32, #tpu.memory_space<vmem>>)
      %mul3A_177 = arith.constant 2 : i32
      %mul3A_178 = arith.muli %mul3A_177, %scan3A_148 : i32
      %add3A_179 = arith.constant 40 : i32
      %add3A_180 = arith.addi %add3A_179, %mul3A_178 : i32
      %add3A_181 = arith.constant 1 : i32
      %add3A_182 = arith.addi %add3A_180, %add3A_181 : i32
      "tpu.region"() ({
        %run_scoped3A_193 = tpu.sem_alloc : memref<!tpu.dma_semaphore, #tpu.memory_space<semaphore_mem>>
        %dma_start3A_194 = arith.constant 0 : i32
        %dma_start3A_195 = tpu.memref_slice %arg8[%add3A_182, %dma_start3A_194] : memref<80x125xi32, #tpu.memory_space<vmem>> -> memref<1x125xi32, #tpu.memory_space<vmem>>
        %dma_start3A_196 = tpu.memref_squeeze %dma_start3A_195 : memref<1x125xi32, #tpu.memory_space<vmem>> -> memref<125xi32, #tpu.memory_space<vmem>>
        %dma_start3A_197 = arith.constant 0 : i32
        %dma_start3A_198 = arith.constant 0 : i32
        %dma_start3A_199 = tpu.memref_slice %arg11[%dma_start3A_197, %dma_start3A_198] : memref<10000x128xf32, #tpu.memory_space<vmem_shared>> -> memref<10000x128xf32, #tpu.memory_space<vmem_shared>>
        tpu.enqueue_indirect_dma source(%arg10 : memref<125x128xf32, #tpu.memory_space<vmem>>) target(%dma_start3A_199 : memref<10000x128xf32, #tpu.memory_space<vmem_shared>>) offsets(%dma_start3A_196 : memref<125xi32, #tpu.memory_space<vmem>>) semaphore(%run_scoped3A_193 : memref<!tpu.dma_semaphore, #tpu.memory_space<semaphore_mem>>) {add = true}
        %dma_wait3A_200 = arith.constant 0 : i32
        %dma_wait3A_201 = tpu.memref_slice %arg8[%add3A_182, %dma_wait3A_200] : memref<80x125xi32, #tpu.memory_space<vmem>> -> memref<1x125xi32, #tpu.memory_space<vmem>>
        %dma_wait3A_202 = tpu.memref_squeeze %dma_wait3A_201 : memref<1x125xi32, #tpu.memory_space<vmem>> -> memref<125xi32, #tpu.memory_space<vmem>>
        %dma_wait3A_203 = arith.constant 0 : i32
        %dma_wait3A_204 = arith.constant 0 : i32
        %dma_wait3A_205 = tpu.memref_slice %arg11[%dma_wait3A_203, %dma_wait3A_204] : memref<10000x128xf32, #tpu.memory_space<vmem_shared>> -> memref<10000x128xf32, #tpu.memory_space<vmem_shared>>
        tpu.wait_indirect_dma semaphore(%run_scoped3A_193 : memref<!tpu.dma_semaphore, #tpu.memory_space<semaphore_mem>>) src(%arg10 : memref<125x128xf32, #tpu.memory_space<vmem>>) dst(%dma_wait3A_205 : memref<10000x128xf32, #tpu.memory_space<vmem_shared>>)
        tpu.yield
      }) : () -> ()
      %mul3A_183 = arith.constant 2 : i32
      %mul3A_184 = arith.muli %mul3A_183, %scan3A_148 : i32
      %add3A_185 = arith.constant 3 : i32
      %add3A_186 = arith.addi %mul3A_184, %add3A_185 : i32
      %dma_start3A_187 = arith.constant 0 : i32
      %dma_start3A_188 = tpu.memref_slice %arg7[%add3A_186, %dma_start3A_187] : memref<40x125xi32, #tpu.memory_space<vmem>> -> memref<1x125xi32, #tpu.memory_space<vmem>>
      %dma_start3A_189 = tpu.memref_squeeze %dma_start3A_188 : memref<1x125xi32, #tpu.memory_space<vmem>> -> memref<125xi32, #tpu.memory_space<vmem>>
      %dma_start3A_190 = arith.constant 0 : i32
      %dma_start3A_191 = arith.constant 0 : i32
      %dma_start3A_192 = tpu.memref_slice %arg2[%dma_start3A_190, %dma_start3A_191] : memref<10000x128xf32, #tpu.memory_space<hbm>> -> memref<10000x128xf32, #tpu.memory_space<hbm>>
      tpu.enqueue_indirect_dma source(%dma_start3A_192 : memref<10000x128xf32, #tpu.memory_space<hbm>>) target(%arg10 : memref<125x128xf32, #tpu.memory_space<vmem>>) offsets(%dma_start3A_189 : memref<125xi32, #tpu.memory_space<vmem>>) semaphore(%arg13 : memref<!tpu.dma_semaphore, #tpu.memory_space<semaphore_mem>>)
    }
    %scan3A_120 = arith.constant 19 : i32
    %dma_wait3A_121 = arith.constant 0 : i32
    %dma_wait3A_122 = arith.constant 0 : i32
    %dma_wait3A_123 = tpu.memref_slice %arg7[%dma_wait3A_121, %dma_wait3A_122] : memref<40x125xi32, #tpu.memory_space<vmem>> -> memref<1x125xi32, #tpu.memory_space<vmem>>
    %dma_wait3A_124 = tpu.memref_squeeze %dma_wait3A_123 : memref<1x125xi32, #tpu.memory_space<vmem>> -> memref<125xi32, #tpu.memory_space<vmem>>
    %dma_wait3A_125 = arith.constant 0 : i32
    %dma_wait3A_126 = arith.constant 0 : i32
    %dma_wait3A_127 = tpu.memref_slice %arg2[%dma_wait3A_125, %dma_wait3A_126] : memref<10000x128xf32, #tpu.memory_space<hbm>> -> memref<10000x128xf32, #tpu.memory_space<hbm>>
    tpu.wait_indirect_dma semaphore(%arg12 : memref<!tpu.dma_semaphore, #tpu.memory_space<semaphore_mem>>) src(%dma_wait3A_127 : memref<10000x128xf32, #tpu.memory_space<hbm>>) dst(%arg9 : memref<125x128xf32, #tpu.memory_space<vmem>>)
    %run_scoped3A_128 = arith.constant 78 : i32
    "tpu.region"() ({
      %run_scoped3A_148 = tpu.sem_alloc : memref<!tpu.dma_semaphore, #tpu.memory_space<semaphore_mem>>
      %dma_start3A_149 = arith.constant 0 : i32
      %dma_start3A_150 = tpu.memref_slice %arg8[%run_scoped3A_128, %dma_start3A_149] : memref<80x125xi32, #tpu.memory_space<vmem>> -> memref<1x125xi32, #tpu.memory_space<vmem>>
      %dma_start3A_151 = tpu.memref_squeeze %dma_start3A_150 : memref<1x125xi32, #tpu.memory_space<vmem>> -> memref<125xi32, #tpu.memory_space<vmem>>
      %dma_start3A_152 = arith.constant 0 : i32
      %dma_start3A_153 = arith.constant 0 : i32
      %dma_start3A_154 = tpu.memref_slice %arg11[%dma_start3A_152, %dma_start3A_153] : memref<10000x128xf32, #tpu.memory_space<vmem_shared>> -> memref<10000x128xf32, #tpu.memory_space<vmem_shared>>
      tpu.enqueue_indirect_dma source(%arg9 : memref<125x128xf32, #tpu.memory_space<vmem>>) target(%dma_start3A_154 : memref<10000x128xf32, #tpu.memory_space<vmem_shared>>) offsets(%dma_start3A_151 : memref<125xi32, #tpu.memory_space<vmem>>) semaphore(%run_scoped3A_148 : memref<!tpu.dma_semaphore, #tpu.memory_space<semaphore_mem>>) {add = true}
      %dma_wait3A_155 = arith.constant 0 : i32
      %dma_wait3A_156 = tpu.memref_slice %arg8[%run_scoped3A_128, %dma_wait3A_155] : memref<80x125xi32, #tpu.memory_space<vmem>> -> memref<1x125xi32, #tpu.memory_space<vmem>>
      %dma_wait3A_157 = tpu.memref_squeeze %dma_wait3A_156 : memref<1x125xi32, #tpu.memory_space<vmem>> -> memref<125xi32, #tpu.memory_space<vmem>>
      %dma_wait3A_158 = arith.constant 0 : i32
      %dma_wait3A_159 = arith.constant 0 : i32
      %dma_wait3A_160 = tpu.memref_slice %arg11[%dma_wait3A_158, %dma_wait3A_159] : memref<10000x128xf32, #tpu.memory_space<vmem_shared>> -> memref<10000x128xf32, #tpu.memory_space<vmem_shared>>
      tpu.wait_indirect_dma semaphore(%run_scoped3A_148 : memref<!tpu.dma_semaphore, #tpu.memory_space<semaphore_mem>>) src(%arg9 : memref<125x128xf32, #tpu.memory_space<vmem>>) dst(%dma_wait3A_160 : memref<10000x128xf32, #tpu.memory_space<vmem_shared>>)
      tpu.yield
    }) : () -> ()
    %dma_wait3A_129 = arith.constant 0 : i32
    %dma_wait3A_130 = arith.constant 0 : i32
    %dma_wait3A_131 = tpu.memref_slice %arg7[%dma_wait3A_129, %dma_wait3A_130] : memref<40x125xi32, #tpu.memory_space<vmem>> -> memref<1x125xi32, #tpu.memory_space<vmem>>
    %dma_wait3A_132 = tpu.memref_squeeze %dma_wait3A_131 : memref<1x125xi32, #tpu.memory_space<vmem>> -> memref<125xi32, #tpu.memory_space<vmem>>
    %dma_wait3A_133 = arith.constant 0 : i32
    %dma_wait3A_134 = arith.constant 0 : i32
    %dma_wait3A_135 = tpu.memref_slice %arg2[%dma_wait3A_133, %dma_wait3A_134] : memref<10000x128xf32, #tpu.memory_space<hbm>> -> memref<10000x128xf32, #tpu.memory_space<hbm>>
    tpu.wait_indirect_dma semaphore(%arg13 : memref<!tpu.dma_semaphore, #tpu.memory_space<semaphore_mem>>) src(%dma_wait3A_135 : memref<10000x128xf32, #tpu.memory_space<hbm>>) dst(%arg10 : memref<125x128xf32, #tpu.memory_space<vmem>>)
    %run_scoped3A_136 = arith.constant 79 : i32
    "tpu.region"() ({
      %run_scoped3A_148 = tpu.sem_alloc : memref<!tpu.dma_semaphore, #tpu.memory_space<semaphore_mem>>
      %dma_start3A_149 = arith.constant 0 : i32
      %dma_start3A_150 = tpu.memref_slice %arg8[%run_scoped3A_136, %dma_start3A_149] : memref<80x125xi32, #tpu.memory_space<vmem>> -> memref<1x125xi32, #tpu.memory_space<vmem>>
      %dma_start3A_151 = tpu.memref_squeeze %dma_start3A_150 : memref<1x125xi32, #tpu.memory_space<vmem>> -> memref<125xi32, #tpu.memory_space<vmem>>
      %dma_start3A_152 = arith.constant 0 : i32
      %dma_start3A_153 = arith.constant 0 : i32
      %dma_start3A_154 = tpu.memref_slice %arg11[%dma_start3A_152, %dma_start3A_153] : memref<10000x128xf32, #tpu.memory_space<vmem_shared>> -> memref<10000x128xf32, #tpu.memory_space<vmem_shared>>
      tpu.enqueue_indirect_dma source(%arg10 : memref<125x128xf32, #tpu.memory_space<vmem>>) target(%dma_start3A_154 : memref<10000x128xf32, #tpu.memory_space<vmem_shared>>) offsets(%dma_start3A_151 : memref<125xi32, #tpu.memory_space<vmem>>) semaphore(%run_scoped3A_148 : memref<!tpu.dma_semaphore, #tpu.memory_space<semaphore_mem>>) {add = true}
      %dma_wait3A_155 = arith.constant 0 : i32
      %dma_wait3A_156 = tpu.memref_slice %arg8[%run_scoped3A_136, %dma_wait3A_155] : memref<80x125xi32, #tpu.memory_space<vmem>> -> memref<1x125xi32, #tpu.memory_space<vmem>>
      %dma_wait3A_157 = tpu.memref_squeeze %dma_wait3A_156 : memref<1x125xi32, #tpu.memory_space<vmem>> -> memref<125xi32, #tpu.memory_space<vmem>>
      %dma_wait3A_158 = arith.constant 0 : i32
      %dma_wait3A_159 = arith.constant 0 : i32
      %dma_wait3A_160 = tpu.memref_slice %arg11[%dma_wait3A_158, %dma_wait3A_159] : memref<10000x128xf32, #tpu.memory_space<vmem_shared>> -> memref<10000x128xf32, #tpu.memory_space<vmem_shared>>
      tpu.wait_indirect_dma semaphore(%run_scoped3A_148 : memref<!tpu.dma_semaphore, #tpu.memory_space<semaphore_mem>>) src(%arg10 : memref<125x128xf32, #tpu.memory_space<vmem>>) dst(%dma_wait3A_160 : memref<10000x128xf32, #tpu.memory_space<vmem_shared>>)
      tpu.yield
    }) : () -> ()
    %barrier3A_137 = arith.constant 0 : index
    tpu.barrier barrier_id(%barrier3A_137)
    %lt3A_138 = arith.constant 15 : i32
    %lt3A_139 = arith.cmpi slt, %arg1, %lt3A_138 : i32
    %convert_element_type3A_140 = arith.extui %lt3A_139 : i1 to i32
    %cond3A_141 = arith.constant 0 : i32
    %cond3A_142 = arith.cmpi ne, %convert_element_type3A_140, %cond3A_141 : i32
    scf.if %cond3A_142 {
      %mul3A_148 = arith.constant 640 : i32
      %mul3A_149 = arith.muli %arg1, %mul3A_148 : i32
      %mul3A_150 = arith.constant 640 : i32
      %mul3A_151 = arith.muli %arg1, %mul3A_150 : i32
      "tpu.region"() ({
        %run_scoped3A_152 = tpu.sem_alloc : memref<!tpu.dma_semaphore, #tpu.memory_space<semaphore_mem>>
        %dma_start3A_153 = arith.constant 0 : i32
        %dma_start3A_154 = tpu.memref_slice %arg6[%arg0, %mul3A_151, %dma_start3A_153] : memref<2x10000x128xf32, #tpu.memory_space<hbm>> -> memref<1x640x128xf32, #tpu.memory_space<hbm>>
        %dma_start3A_155 = tpu.memref_squeeze %dma_start3A_154 : memref<1x640x128xf32, #tpu.memory_space<hbm>> -> memref<640x128xf32, #tpu.memory_space<hbm>>
        %dma_start3A_156 = arith.constant 0 : i32
        %dma_start3A_157 = tpu.memref_slice %arg11[%mul3A_149, %dma_start3A_156] : memref<10000x128xf32, #tpu.memory_space<vmem_shared>> -> memref<640x128xf32, #tpu.memory_space<vmem_shared>>
        tpu.enqueue_dma source(%dma_start3A_157 : memref<640x128xf32, #tpu.memory_space<vmem_shared>>) target(%dma_start3A_155 : memref<640x128xf32, #tpu.memory_space<hbm>>) target_semaphore(%run_scoped3A_152 : memref<!tpu.dma_semaphore, #tpu.memory_space<semaphore_mem>>)
        %dma_wait3A_158 = arith.constant 0 : i32
        %dma_wait3A_159 = tpu.memref_slice %arg6[%arg0, %mul3A_151, %dma_wait3A_158] : memref<2x10000x128xf32, #tpu.memory_space<hbm>> -> memref<1x640x128xf32, #tpu.memory_space<hbm>>
        %dma_wait3A_160 = tpu.memref_squeeze %dma_wait3A_159 : memref<1x640x128xf32, #tpu.memory_space<hbm>> -> memref<640x128xf32, #tpu.memory_space<hbm>>
        %dma_wait3A_161 = arith.constant 0 : i32
        %dma_wait3A_162 = tpu.memref_slice %arg11[%mul3A_149, %dma_wait3A_161] : memref<10000x128xf32, #tpu.memory_space<vmem_shared>> -> memref<640x128xf32, #tpu.memory_space<vmem_shared>>
        tpu.wait_dma2 semaphore(%run_scoped3A_152 : memref<!tpu.dma_semaphore, #tpu.memory_space<semaphore_mem>>) src(%dma_wait3A_162 : memref<640x128xf32, #tpu.memory_space<vmem_shared>>) dst(%dma_wait3A_160 : memref<640x128xf32, #tpu.memory_space<hbm>>)
        tpu.yield
      }) : () -> ()
    } else {
    }
    %eq3A_143 = arith.constant 15 : i32
    %eq3A_144 = arith.cmpi eq, %arg1, %eq3A_143 : i32
    %convert_element_type3A_145 = arith.extui %eq3A_144 : i1 to i32
    %cond3A_146 = arith.constant 0 : i32
    %cond3A_147 = arith.cmpi ne, %convert_element_type3A_145, %cond3A_146 : i32
    scf.if %cond3A_147 {
      "tpu.region"() ({
        %run_scoped3A_148 = tpu.sem_alloc : memref<!tpu.dma_semaphore, #tpu.memory_space<semaphore_mem>>
        %dma_start3A_149 = arith.constant 9600 : i32
        %dma_start3A_150 = arith.constant 0 : i32
        %dma_start3A_151 = tpu.memref_slice %arg6[%arg0, %dma_start3A_149, %dma_start3A_150] : memref<2x10000x128xf32, #tpu.memory_space<hbm>> -> memref<1x400x128xf32, #tpu.memory_space<hbm>>
        %dma_start3A_152 = tpu.memref_squeeze %dma_start3A_151 : memref<1x400x128xf32, #tpu.memory_space<hbm>> -> memref<400x128xf32, #tpu.memory_space<hbm>>
        %dma_start3A_153 = arith.constant 9600 : i32
        %dma_start3A_154 = arith.constant 0 : i32
        %dma_start3A_155 = tpu.memref_slice %arg11[%dma_start3A_153, %dma_start3A_154] : memref<10000x128xf32, #tpu.memory_space<vmem_shared>> -> memref<400x128xf32, #tpu.memory_space<vmem_shared>>
        tpu.enqueue_dma source(%dma_start3A_155 : memref<400x128xf32, #tpu.memory_space<vmem_shared>>) target(%dma_start3A_152 : memref<400x128xf32, #tpu.memory_space<hbm>>) target_semaphore(%run_scoped3A_148 : memref<!tpu.dma_semaphore, #tpu.memory_space<semaphore_mem>>)
        %dma_wait3A_156 = arith.constant 9600 : i32
        %dma_wait3A_157 = arith.constant 0 : i32
        %dma_wait3A_158 = tpu.memref_slice %arg6[%arg0, %dma_wait3A_156, %dma_wait3A_157] : memref<2x10000x128xf32, #tpu.memory_space<hbm>> -> memref<1x400x128xf32, #tpu.memory_space<hbm>>
        %dma_wait3A_159 = tpu.memref_squeeze %dma_wait3A_158 : memref<1x400x128xf32, #tpu.memory_space<hbm>> -> memref<400x128xf32, #tpu.memory_space<hbm>>
        %dma_wait3A_160 = arith.constant 9600 : i32
        %dma_wait3A_161 = arith.constant 0 : i32
        %dma_wait3A_162 = tpu.memref_slice %arg11[%dma_wait3A_160, %dma_wait3A_161] : memref<10000x128xf32, #tpu.memory_space<vmem_shared>> -> memref<400x128xf32, #tpu.memory_space<vmem_shared>>
        tpu.wait_dma2 semaphore(%run_scoped3A_148 : memref<!tpu.dma_semaphore, #tpu.memory_space<semaphore_mem>>) src(%dma_wait3A_162 : memref<400x128xf32, #tpu.memory_space<vmem_shared>>) dst(%dma_wait3A_159 : memref<400x128xf32, #tpu.memory_space<hbm>>)
        tpu.yield
      }) : () -> ()
    } else {
    }
    return
  }
}

#map = affine_map<(d0, d1) -> (0, 0)>
#map1 = affine_map<(d0, d1) -> (0, 0, 0)>
module attributes {stable_mosaic.version = 14 : i64} {
  func.func @agg_kernel(%arg0: i32, %arg1: i32, %arg2: memref<10000x128xf32, #tpu.memory_space<hbm>>, %arg3: memref<32x80x125xi32, #tpu.memory_space<hbm>>, %arg4: memref<32x80x125xi32, #tpu.memory_space<hbm>>, %arg5: memref<640x128xf32, #tpu.memory_space<hbm>>, %arg6: memref<2x10000x128xf32, #tpu.memory_space<hbm>>, %arg7: memref<40x125xi32, #tpu.memory_space<vmem>>, %arg8: memref<80x125xi32, #tpu.memory_space<vmem>>, %arg9: memref<125x128xf32, #tpu.memory_space<vmem>>, %arg10: memref<125x128xf32, #tpu.memory_space<vmem>>, %arg11: memref<10000x128xf32, #tpu.memory_space<vmem_shared>>, %arg12: memref<!tpu.dma_semaphore, #tpu.memory_space<semaphore_mem>>, %arg13: memref<!tpu.dma_semaphore, #tpu.memory_space<semaphore_mem>>, %arg14: memref<!tpu.dma_semaphore, #tpu.memory_space<semaphore_mem>>) attributes {dimension_semantics = [#tpu.dimension_semantics<core_parallel>, #tpu.dimension_semantics<subcore_parallel>], iteration_bounds = array<i64: 2, 16>, scalar_prefetch = 0 : i64, scratch_operands = 8 : i64, tpu.core_type = #tpu.core_type<sc_vector_subcore>, window_params = [{transform_indices = #map}, {transform_indices = #map1}, {transform_indices = #map1}, {transform_indices = #map}, {transform_indices = #map1}]} {
    %mul3A = arith.constant 16 : i32
    %mul3A_0 = arith.muli %arg0, %mul3A : i32
    %add3A = arith.addi %mul3A_0, %arg1 : i32
    %dma_start3A = arith.constant 0 : i32
    %dma_start3A_1 = arith.constant 0 : i32
    %dma_start3A_2 = tpu.memref_slice %arg3[%add3A, %dma_start3A, %dma_start3A_1] : memref<32x80x125xi32, #tpu.memory_space<hbm>> -> memref<1x40x125xi32, #tpu.memory_space<hbm>>
    %dma_start3A_3 = tpu.memref_squeeze %dma_start3A_2 : memref<1x40x125xi32, #tpu.memory_space<hbm>> -> memref<40x125xi32, #tpu.memory_space<hbm>>
    %dma_start3A_4 = arith.constant 0 : i32
    %dma_start3A_5 = arith.constant 0 : i32
    %dma_start3A_6 = tpu.memref_slice %arg3[%add3A, %dma_start3A_4, %dma_start3A_5] : memref<32x80x125xi32, #tpu.memory_space<hbm>> -> memref<1x40x125xi32, #tpu.memory_space<hbm>>
    %dma_start3A_7 = tpu.memref_squeeze %dma_start3A_6 : memref<1x40x125xi32, #tpu.memory_space<hbm>> -> memref<40x125xi32, #tpu.memory_space<hbm>>
    tpu.enqueue_dma source(%dma_start3A_7 : memref<40x125xi32, #tpu.memory_space<hbm>>) target(%arg7 : memref<40x125xi32, #tpu.memory_space<vmem>>) target_semaphore(%arg12 : memref<!tpu.dma_semaphore, #tpu.memory_space<semaphore_mem>>)
    %dma_start3A_8 = arith.constant 0 : i32
    %dma_start3A_9 = arith.constant 0 : i32
    %dma_start3A_10 = tpu.memref_slice %arg4[%add3A, %dma_start3A_8, %dma_start3A_9] : memref<32x80x125xi32, #tpu.memory_space<hbm>> -> memref<1x80x125xi32, #tpu.memory_space<hbm>>
    %dma_start3A_11 = tpu.memref_squeeze %dma_start3A_10 : memref<1x80x125xi32, #tpu.memory_space<hbm>> -> memref<80x125xi32, #tpu.memory_space<hbm>>
    %dma_start3A_12 = arith.constant 0 : i32
    %dma_start3A_13 = arith.constant 0 : i32
    %dma_start3A_14 = tpu.memref_slice %arg4[%add3A, %dma_start3A_12, %dma_start3A_13] : memref<32x80x125xi32, #tpu.memory_space<hbm>> -> memref<1x80x125xi32, #tpu.memory_space<hbm>>
    %dma_start3A_15 = tpu.memref_squeeze %dma_start3A_14 : memref<1x80x125xi32, #tpu.memory_space<hbm>> -> memref<80x125xi32, #tpu.memory_space<hbm>>
    tpu.enqueue_dma source(%dma_start3A_15 : memref<80x125xi32, #tpu.memory_space<hbm>>) target(%arg8 : memref<80x125xi32, #tpu.memory_space<vmem>>) target_semaphore(%arg14 : memref<!tpu.dma_semaphore, #tpu.memory_space<semaphore_mem>>)
    %eq3A = arith.constant 0 : i32
    %eq3A_16 = arith.cmpi eq, %arg0, %eq3A : i32
    %lt3A = arith.constant 15 : i32
    %lt3A_17 = arith.cmpi slt, %arg1, %lt3A : i32
    %and3A = arith.andi %eq3A_16, %lt3A_17 : i1
    %convert_element_type3A = arith.extui %and3A : i1 to i32
    %cond3A = arith.constant 0 : i32
    %cond3A_18 = arith.cmpi ne, %convert_element_type3A, %cond3A : i32
    scf.if %cond3A_18 {
      %mul3A_148 = arith.constant 640 : i32
      %mul3A_149 = arith.muli %arg1, %mul3A_148 : i32
      %mul3A_150 = arith.constant 640 : i32
      %mul3A_151 = arith.muli %arg1, %mul3A_150 : i32
      %dma_start3A_152 = arith.constant 0 : i32
      %dma_start3A_153 = tpu.memref_slice %arg11[%mul3A_151, %dma_start3A_152] : memref<10000x128xf32, #tpu.memory_space<vmem_shared>> -> memref<640x128xf32, #tpu.memory_space<vmem_shared>>
      %dma_start3A_154 = arith.constant 0 : i32
      %dma_start3A_155 = tpu.memref_slice %arg2[%mul3A_149, %dma_start3A_154] : memref<10000x128xf32, #tpu.memory_space<hbm>> -> memref<640x128xf32, #tpu.memory_space<hbm>>
      tpu.enqueue_dma source(%dma_start3A_155 : memref<640x128xf32, #tpu.memory_space<hbm>>) target(%dma_start3A_153 : memref<640x128xf32, #tpu.memory_space<vmem_shared>>) target_semaphore(%arg14 : memref<!tpu.dma_semaphore, #tpu.memory_space<semaphore_mem>>)
    } else {
    }
    %eq3A_19 = arith.constant 0 : i32
    %eq3A_20 = arith.cmpi eq, %arg0, %eq3A_19 : i32
    %eq3A_21 = arith.constant 15 : i32
    %eq3A_22 = arith.cmpi eq, %arg1, %eq3A_21 : i32
    %and3A_23 = arith.andi %eq3A_20, %eq3A_22 : i1
    %convert_element_type3A_24 = arith.extui %and3A_23 : i1 to i32
    %cond3A_25 = arith.constant 0 : i32
    %cond3A_26 = arith.cmpi ne, %convert_element_type3A_24, %cond3A_25 : i32
    scf.if %cond3A_26 {
      %dma_start3A_148 = arith.constant 9600 : i32
      %dma_start3A_149 = arith.constant 0 : i32
      %dma_start3A_150 = tpu.memref_slice %arg11[%dma_start3A_148, %dma_start3A_149] : memref<10000x128xf32, #tpu.memory_space<vmem_shared>> -> memref<400x128xf32, #tpu.memory_space<vmem_shared>>
      %dma_start3A_151 = arith.constant 9600 : i32
      %dma_start3A_152 = arith.constant 0 : i32
      %dma_start3A_153 = tpu.memref_slice %arg2[%dma_start3A_151, %dma_start3A_152] : memref<10000x128xf32, #tpu.memory_space<hbm>> -> memref<400x128xf32, #tpu.memory_space<hbm>>
      tpu.enqueue_dma source(%dma_start3A_153 : memref<400x128xf32, #tpu.memory_space<hbm>>) target(%dma_start3A_150 : memref<400x128xf32, #tpu.memory_space<vmem_shared>>) target_semaphore(%arg14 : memref<!tpu.dma_semaphore, #tpu.memory_space<semaphore_mem>>)
    } else {
    }
    %ne3A = arith.constant 0 : i32
    %ne3A_27 = arith.cmpi ne, %arg0, %ne3A : i32
    %lt3A_28 = arith.constant 15 : i32
    %lt3A_29 = arith.cmpi slt, %arg1, %lt3A_28 : i32
    %and3A_30 = arith.andi %ne3A_27, %lt3A_29 : i1
    %convert_element_type3A_31 = arith.extui %and3A_30 : i1 to i32
    %cond3A_32 = arith.constant 0 : i32
    %cond3A_33 = arith.cmpi ne, %convert_element_type3A_31, %cond3A_32 : i32
    scf.if %cond3A_33 {
      %mul3A_148 = arith.constant 640 : i32
      %mul3A_149 = arith.muli %arg1, %mul3A_148 : i32
      %dma_start3A_150 = arith.constant 0 : i32
      %dma_start3A_151 = tpu.memref_slice %arg11[%mul3A_149, %dma_start3A_150] : memref<10000x128xf32, #tpu.memory_space<vmem_shared>> -> memref<640x128xf32, #tpu.memory_space<vmem_shared>>
      tpu.enqueue_dma source(%arg5 : memref<640x128xf32, #tpu.memory_space<hbm>>) target(%dma_start3A_151 : memref<640x128xf32, #tpu.memory_space<vmem_shared>>) target_semaphore(%arg14 : memref<!tpu.dma_semaphore, #tpu.memory_space<semaphore_mem>>)
    } else {
    }
    %ne3A_34 = arith.constant 0 : i32
    %ne3A_35 = arith.cmpi ne, %arg0, %ne3A_34 : i32
    %eq3A_36 = arith.constant 15 : i32
    %eq3A_37 = arith.cmpi eq, %arg1, %eq3A_36 : i32
    %and3A_38 = arith.andi %ne3A_35, %eq3A_37 : i1
    %convert_element_type3A_39 = arith.extui %and3A_38 : i1 to i32
    %cond3A_40 = arith.constant 0 : i32
    %cond3A_41 = arith.cmpi ne, %convert_element_type3A_39, %cond3A_40 : i32
    scf.if %cond3A_41 {
      %dma_start3A_148 = arith.constant 9600 : i32
      %dma_start3A_149 = arith.constant 0 : i32
      %dma_start3A_150 = tpu.memref_slice %arg11[%dma_start3A_148, %dma_start3A_149] : memref<10000x128xf32, #tpu.memory_space<vmem_shared>> -> memref<400x128xf32, #tpu.memory_space<vmem_shared>>
      %dma_start3A_151 = arith.constant 0 : i32
      %dma_start3A_152 = arith.constant 0 : i32
      %dma_start3A_153 = tpu.memref_slice %arg5[%dma_start3A_151, %dma_start3A_152] : memref<640x128xf32, #tpu.memory_space<hbm>> -> memref<400x128xf32, #tpu.memory_space<hbm>>
      tpu.enqueue_dma source(%dma_start3A_153 : memref<400x128xf32, #tpu.memory_space<hbm>>) target(%dma_start3A_150 : memref<400x128xf32, #tpu.memory_space<vmem_shared>>) target_semaphore(%arg14 : memref<!tpu.dma_semaphore, #tpu.memory_space<semaphore_mem>>)
    } else {
    }
    %dma_wait3A = arith.constant 0 : i32
    %dma_wait3A_42 = arith.constant 0 : i32
    %dma_wait3A_43 = tpu.memref_slice %arg3[%add3A, %dma_wait3A, %dma_wait3A_42] : memref<32x80x125xi32, #tpu.memory_space<hbm>> -> memref<1x40x125xi32, #tpu.memory_space<hbm>>
    %dma_wait3A_44 = tpu.memref_squeeze %dma_wait3A_43 : memref<1x40x125xi32, #tpu.memory_space<hbm>> -> memref<40x125xi32, #tpu.memory_space<hbm>>
    %dma_wait3A_45 = arith.constant 0 : i32
    %dma_wait3A_46 = arith.constant 0 : i32
    %dma_wait3A_47 = tpu.memref_slice %arg3[%add3A, %dma_wait3A_45, %dma_wait3A_46] : memref<32x80x125xi32, #tpu.memory_space<hbm>> -> memref<1x40x125xi32, #tpu.memory_space<hbm>>
    %dma_wait3A_48 = tpu.memref_squeeze %dma_wait3A_47 : memref<1x40x125xi32, #tpu.memory_space<hbm>> -> memref<40x125xi32, #tpu.memory_space<hbm>>
    tpu.wait_dma2 semaphore(%arg12 : memref<!tpu.dma_semaphore, #tpu.memory_space<semaphore_mem>>) src(%dma_wait3A_48 : memref<40x125xi32, #tpu.memory_space<hbm>>) dst(%arg7 : memref<40x125xi32, #tpu.memory_space<vmem>>)
    %dma_start3A_49 = arith.constant 0 : i32
    %dma_start3A_50 = arith.constant 0 : i32
    %dma_start3A_51 = tpu.memref_slice %arg7[%dma_start3A_49, %dma_start3A_50] : memref<40x125xi32, #tpu.memory_space<vmem>> -> memref<1x125xi32, #tpu.memory_space<vmem>>
    %dma_start3A_52 = tpu.memref_squeeze %dma_start3A_51 : memref<1x125xi32, #tpu.memory_space<vmem>> -> memref<125xi32, #tpu.memory_space<vmem>>
    %dma_start3A_53 = arith.constant 0 : i32
    %dma_start3A_54 = arith.constant 0 : i32
    %dma_start3A_55 = tpu.memref_slice %arg2[%dma_start3A_53, %dma_start3A_54] : memref<10000x128xf32, #tpu.memory_space<hbm>> -> memref<10000x128xf32, #tpu.memory_space<hbm>>
    tpu.enqueue_indirect_dma source(%dma_start3A_55 : memref<10000x128xf32, #tpu.memory_space<hbm>>) target(%arg9 : memref<125x128xf32, #tpu.memory_space<vmem>>) offsets(%dma_start3A_52 : memref<125xi32, #tpu.memory_space<vmem>>) semaphore(%arg12 : memref<!tpu.dma_semaphore, #tpu.memory_space<semaphore_mem>>)
    %dma_start3A_56 = arith.constant 1 : i32
    %dma_start3A_57 = arith.constant 0 : i32
    %dma_start3A_58 = tpu.memref_slice %arg7[%dma_start3A_56, %dma_start3A_57] : memref<40x125xi32, #tpu.memory_space<vmem>> -> memref<1x125xi32, #tpu.memory_space<vmem>>
    %dma_start3A_59 = tpu.memref_squeeze %dma_start3A_58 : memref<1x125xi32, #tpu.memory_space<vmem>> -> memref<125xi32, #tpu.memory_space<vmem>>
    %dma_start3A_60 = arith.constant 0 : i32
    %dma_start3A_61 = arith.constant 0 : i32
    %dma_start3A_62 = tpu.memref_slice %arg2[%dma_start3A_60, %dma_start3A_61] : memref<10000x128xf32, #tpu.memory_space<hbm>> -> memref<10000x128xf32, #tpu.memory_space<hbm>>
    tpu.enqueue_indirect_dma source(%dma_start3A_62 : memref<10000x128xf32, #tpu.memory_space<hbm>>) target(%arg10 : memref<125x128xf32, #tpu.memory_space<vmem>>) offsets(%dma_start3A_59 : memref<125xi32, #tpu.memory_space<vmem>>) semaphore(%arg13 : memref<!tpu.dma_semaphore, #tpu.memory_space<semaphore_mem>>)
    %dma_wait3A_63 = arith.constant 0 : i32
    %dma_wait3A_64 = arith.constant 0 : i32
    %dma_wait3A_65 = tpu.memref_slice %arg4[%add3A, %dma_wait3A_63, %dma_wait3A_64] : memref<32x80x125xi32, #tpu.memory_space<hbm>> -> memref<1x80x125xi32, #tpu.memory_space<hbm>>
    %dma_wait3A_66 = tpu.memref_squeeze %dma_wait3A_65 : memref<1x80x125xi32, #tpu.memory_space<hbm>> -> memref<80x125xi32, #tpu.memory_space<hbm>>
    %dma_wait3A_67 = arith.constant 0 : i32
    %dma_wait3A_68 = arith.constant 0 : i32
    %dma_wait3A_69 = tpu.memref_slice %arg4[%add3A, %dma_wait3A_67, %dma_wait3A_68] : memref<32x80x125xi32, #tpu.memory_space<hbm>> -> memref<1x80x125xi32, #tpu.memory_space<hbm>>
    %dma_wait3A_70 = tpu.memref_squeeze %dma_wait3A_69 : memref<1x80x125xi32, #tpu.memory_space<hbm>> -> memref<80x125xi32, #tpu.memory_space<hbm>>
    tpu.wait_dma2 semaphore(%arg14 : memref<!tpu.dma_semaphore, #tpu.memory_space<semaphore_mem>>) src(%dma_wait3A_70 : memref<80x125xi32, #tpu.memory_space<hbm>>) dst(%arg8 : memref<80x125xi32, #tpu.memory_space<vmem>>)
    %lt3A_71 = arith.constant 15 : i32
    %lt3A_72 = arith.cmpi slt, %arg1, %lt3A_71 : i32
    %convert_element_type3A_73 = arith.extui %lt3A_72 : i1 to i32
    %cond3A_74 = arith.constant 0 : i32
    %cond3A_75 = arith.cmpi ne, %convert_element_type3A_73, %cond3A_74 : i32
    scf.if %cond3A_75 {
      %mul3A_148 = arith.constant 640 : i32
      %mul3A_149 = arith.muli %arg1, %mul3A_148 : i32
      %dma_wait3A_150 = arith.constant 0 : i32
      %dma_wait3A_151 = tpu.memref_slice %arg11[%mul3A_149, %dma_wait3A_150] : memref<10000x128xf32, #tpu.memory_space<vmem_shared>> -> memref<640x128xf32, #tpu.memory_space<vmem_shared>>
      tpu.wait_dma2 semaphore(%arg14 : memref<!tpu.dma_semaphore, #tpu.memory_space<semaphore_mem>>) src(%arg5 : memref<640x128xf32, #tpu.memory_space<hbm>>) dst(%dma_wait3A_151 : memref<640x128xf32, #tpu.memory_space<vmem_shared>>)
    } else {
    }
    %eq3A_76 = arith.constant 15 : i32
    %eq3A_77 = arith.cmpi eq, %arg1, %eq3A_76 : i32
    %convert_element_type3A_78 = arith.extui %eq3A_77 : i1 to i32
    %cond3A_79 = arith.constant 0 : i32
    %cond3A_80 = arith.cmpi ne, %convert_element_type3A_78, %cond3A_79 : i32
    scf.if %cond3A_80 {
      %dma_wait3A_148 = arith.constant 9600 : i32
      %dma_wait3A_149 = arith.constant 0 : i32
      %dma_wait3A_150 = tpu.memref_slice %arg11[%dma_wait3A_148, %dma_wait3A_149] : memref<10000x128xf32, #tpu.memory_space<vmem_shared>> -> memref<400x128xf32, #tpu.memory_space<vmem_shared>>
      %dma_wait3A_151 = arith.constant 0 : i32
      %dma_wait3A_152 = arith.constant 0 : i32
      %dma_wait3A_153 = tpu.memref_slice %arg5[%dma_wait3A_151, %dma_wait3A_152] : memref<640x128xf32, #tpu.memory_space<hbm>> -> memref<400x128xf32, #tpu.memory_space<hbm>>
      tpu.wait_dma2 semaphore(%arg14 : memref<!tpu.dma_semaphore, #tpu.memory_space<semaphore_mem>>) src(%dma_wait3A_153 : memref<400x128xf32, #tpu.memory_space<hbm>>) dst(%dma_wait3A_150 : memref<400x128xf32, #tpu.memory_space<vmem_shared>>)
    } else {
    }
    %barrier3A = arith.constant 0 : index
    tpu.barrier barrier_id(%barrier3A)
    %scan3A = arith.constant 0 : i32
    %scan3A_81 = arith.constant 0 : i32
    %scan3A_82 = arith.constant 19 : i32
    %scan3A_83 = arith.addi %scan3A_81, %scan3A_82 : i32
    %scan3A_84 = arith.constant 1 : i32
    scf.for %scan3A_148 = %scan3A_81 to %scan3A_83 step %scan3A_84  : i32 {
      %dma_wait3A_149 = arith.constant 0 : i32
      %dma_wait3A_150 = arith.constant 0 : i32
      %dma_wait3A_151 = tpu.memref_slice %arg7[%dma_wait3A_149, %dma_wait3A_150] : memref<40x125xi32, #tpu.memory_space<vmem>> -> memref<1x125xi32, #tpu.memory_space<vmem>>
      %dma_wait3A_152 = tpu.memref_squeeze %dma_wait3A_151 : memref<1x125xi32, #tpu.memory_space<vmem>> -> memref<125xi32, #tpu.memory_space<vmem>>
      %dma_wait3A_153 = arith.constant 0 : i32
      %dma_wait3A_154 = arith.constant 0 : i32
      %dma_wait3A_155 = tpu.memref_slice %arg2[%dma_wait3A_153, %dma_wait3A_154] : memref<10000x128xf32, #tpu.memory_space<hbm>> -> memref<10000x128xf32, #tpu.memory_space<hbm>>
      tpu.wait_indirect_dma semaphore(%arg12 : memref<!tpu.dma_semaphore, #tpu.memory_space<semaphore_mem>>) src(%dma_wait3A_155 : memref<10000x128xf32, #tpu.memory_space<hbm>>) dst(%arg9 : memref<125x128xf32, #tpu.memory_space<vmem>>)
      %mul3A_156 = arith.constant 2 : i32
      %mul3A_157 = arith.muli %mul3A_156, %scan3A_148 : i32
      %add3A_158 = arith.constant 0 : i32
      %add3A_159 = arith.addi %add3A_158, %mul3A_157 : i32
      "tpu.region"() ({
        %run_scoped3A_193 = tpu.sem_alloc : memref<!tpu.dma_semaphore, #tpu.memory_space<semaphore_mem>>
        %dma_start3A_194 = arith.constant 0 : i32
        %dma_start3A_195 = tpu.memref_slice %arg8[%add3A_159, %dma_start3A_194] : memref<80x125xi32, #tpu.memory_space<vmem>> -> memref<1x125xi32, #tpu.memory_space<vmem>>
        %dma_start3A_196 = tpu.memref_squeeze %dma_start3A_195 : memref<1x125xi32, #tpu.memory_space<vmem>> -> memref<125xi32, #tpu.memory_space<vmem>>
        %dma_start3A_197 = arith.constant 0 : i32
        %dma_start3A_198 = arith.constant 0 : i32
        %dma_start3A_199 = tpu.memref_slice %arg11[%dma_start3A_197, %dma_start3A_198] : memref<10000x128xf32, #tpu.memory_space<vmem_shared>> -> memref<10000x128xf32, #tpu.memory_space<vmem_shared>>
        tpu.enqueue_indirect_dma source(%arg9 : memref<125x128xf32, #tpu.memory_space<vmem>>) target(%dma_start3A_199 : memref<10000x128xf32, #tpu.memory_space<vmem_shared>>) offsets(%dma_start3A_196 : memref<125xi32, #tpu.memory_space<vmem>>) semaphore(%run_scoped3A_193 : memref<!tpu.dma_semaphore, #tpu.memory_space<semaphore_mem>>) {add = true}
        %dma_wait3A_200 = arith.constant 0 : i32
        %dma_wait3A_201 = tpu.memref_slice %arg8[%add3A_159, %dma_wait3A_200] : memref<80x125xi32, #tpu.memory_space<vmem>> -> memref<1x125xi32, #tpu.memory_space<vmem>>
        %dma_wait3A_202 = tpu.memref_squeeze %dma_wait3A_201 : memref<1x125xi32, #tpu.memory_space<vmem>> -> memref<125xi32, #tpu.memory_space<vmem>>
        %dma_wait3A_203 = arith.constant 0 : i32
        %dma_wait3A_204 = arith.constant 0 : i32
        %dma_wait3A_205 = tpu.memref_slice %arg11[%dma_wait3A_203, %dma_wait3A_204] : memref<10000x128xf32, #tpu.memory_space<vmem_shared>> -> memref<10000x128xf32, #tpu.memory_space<vmem_shared>>
        tpu.wait_indirect_dma semaphore(%run_scoped3A_193 : memref<!tpu.dma_semaphore, #tpu.memory_space<semaphore_mem>>) src(%arg9 : memref<125x128xf32, #tpu.memory_space<vmem>>) dst(%dma_wait3A_205 : memref<10000x128xf32, #tpu.memory_space<vmem_shared>>)
        tpu.yield
      }) : () -> ()
      %mul3A_160 = arith.constant 2 : i32
      %mul3A_161 = arith.muli %mul3A_160, %scan3A_148 : i32
      %add3A_162 = arith.constant 2 : i32
      %add3A_163 = arith.addi %mul3A_161, %add3A_162 : i32
      %dma_start3A_164 = arith.constant 0 : i32
      %dma_start3A_165 = tpu.memref_slice %arg7[%add3A_163, %dma_start3A_164] : memref<40x125xi32, #tpu.memory_space<vmem>> -> memref<1x125xi32, #tpu.memory_space<vmem>>
      %dma_start3A_166 = tpu.memref_squeeze %dma_start3A_165 : memref<1x125xi32, #tpu.memory_space<vmem>> -> memref<125xi32, #tpu.memory_space<vmem>>
      %dma_start3A_167 = arith.constant 0 : i32
      %dma_start3A_168 = arith.constant 0 : i32
      %dma_start3A_169 = tpu.memref_slice %arg2[%dma_start3A_167, %dma_start3A_168] : memref<10000x128xf32, #tpu.memory_space<hbm>> -> memref<10000x128xf32, #tpu.memory_space<hbm>>
      tpu.enqueue_indirect_dma source(%dma_start3A_169 : memref<10000x128xf32, #tpu.memory_space<hbm>>) target(%arg9 : memref<125x128xf32, #tpu.memory_space<vmem>>) offsets(%dma_start3A_166 : memref<125xi32, #tpu.memory_space<vmem>>) semaphore(%arg12 : memref<!tpu.dma_semaphore, #tpu.memory_space<semaphore_mem>>)
      %dma_wait3A_170 = arith.constant 0 : i32
      %dma_wait3A_171 = arith.constant 0 : i32
      %dma_wait3A_172 = tpu.memref_slice %arg7[%dma_wait3A_170, %dma_wait3A_171] : memref<40x125xi32, #tpu.memory_space<vmem>> -> memref<1x125xi32, #tpu.memory_space<vmem>>
      %dma_wait3A_173 = tpu.memref_squeeze %dma_wait3A_172 : memref<1x125xi32, #tpu.memory_space<vmem>> -> memref<125xi32, #tpu.memory_space<vmem>>
      %dma_wait3A_174 = arith.constant 0 : i32
      %dma_wait3A_175 = arith.constant 0 : i32
      %dma_wait3A_176 = tpu.memref_slice %arg2[%dma_wait3A_174, %dma_wait3A_175] : memref<10000x128xf32, #tpu.memory_space<hbm>> -> memref<10000x128xf32, #tpu.memory_space<hbm>>
      tpu.wait_indirect_dma semaphore(%arg13 : memref<!tpu.dma_semaphore, #tpu.memory_space<semaphore_mem>>) src(%dma_wait3A_176 : memref<10000x128xf32, #tpu.memory_space<hbm>>) dst(%arg10 : memref<125x128xf32, #tpu.memory_space<vmem>>)
      %mul3A_177 = arith.constant 2 : i32
      %mul3A_178 = arith.muli %mul3A_177, %scan3A_148 : i32
      %add3A_179 = arith.constant 0 : i32
      %add3A_180 = arith.addi %add3A_179, %mul3A_178 : i32
      %add3A_181 = arith.constant 1 : i32
      %add3A_182 = arith.addi %add3A_180, %add3A_181 : i32
      "tpu.region"() ({
        %run_scoped3A_193 = tpu.sem_alloc : memref<!tpu.dma_semaphore, #tpu.memory_space<semaphore_mem>>
        %dma_start3A_194 = arith.constant 0 : i32
        %dma_start3A_195 = tpu.memref_slice %arg8[%add3A_182, %dma_start3A_194] : memref<80x125xi32, #tpu.memory_space<vmem>> -> memref<1x125xi32, #tpu.memory_space<vmem>>
        %dma_start3A_196 = tpu.memref_squeeze %dma_start3A_195 : memref<1x125xi32, #tpu.memory_space<vmem>> -> memref<125xi32, #tpu.memory_space<vmem>>
        %dma_start3A_197 = arith.constant 0 : i32
        %dma_start3A_198 = arith.constant 0 : i32
        %dma_start3A_199 = tpu.memref_slice %arg11[%dma_start3A_197, %dma_start3A_198] : memref<10000x128xf32, #tpu.memory_space<vmem_shared>> -> memref<10000x128xf32, #tpu.memory_space<vmem_shared>>
        tpu.enqueue_indirect_dma source(%arg10 : memref<125x128xf32, #tpu.memory_space<vmem>>) target(%dma_start3A_199 : memref<10000x128xf32, #tpu.memory_space<vmem_shared>>) offsets(%dma_start3A_196 : memref<125xi32, #tpu.memory_space<vmem>>) semaphore(%run_scoped3A_193 : memref<!tpu.dma_semaphore, #tpu.memory_space<semaphore_mem>>) {add = true}
        %dma_wait3A_200 = arith.constant 0 : i32
        %dma_wait3A_201 = tpu.memref_slice %arg8[%add3A_182, %dma_wait3A_200] : memref<80x125xi32, #tpu.memory_space<vmem>> -> memref<1x125xi32, #tpu.memory_space<vmem>>
        %dma_wait3A_202 = tpu.memref_squeeze %dma_wait3A_201 : memref<1x125xi32, #tpu.memory_space<vmem>> -> memref<125xi32, #tpu.memory_space<vmem>>
        %dma_wait3A_203 = arith.constant 0 : i32
        %dma_wait3A_204 = arith.constant 0 : i32
        %dma_wait3A_205 = tpu.memref_slice %arg11[%dma_wait3A_203, %dma_wait3A_204] : memref<10000x128xf32, #tpu.memory_space<vmem_shared>> -> memref<10000x128xf32, #tpu.memory_space<vmem_shared>>
        tpu.wait_indirect_dma semaphore(%run_scoped3A_193 : memref<!tpu.dma_semaphore, #tpu.memory_space<semaphore_mem>>) src(%arg10 : memref<125x128xf32, #tpu.memory_space<vmem>>) dst(%dma_wait3A_205 : memref<10000x128xf32, #tpu.memory_space<vmem_shared>>)
        tpu.yield
      }) : () -> ()
      %mul3A_183 = arith.constant 2 : i32
      %mul3A_184 = arith.muli %mul3A_183, %scan3A_148 : i32
      %add3A_185 = arith.constant 3 : i32
      %add3A_186 = arith.addi %mul3A_184, %add3A_185 : i32
      %dma_start3A_187 = arith.constant 0 : i32
      %dma_start3A_188 = tpu.memref_slice %arg7[%add3A_186, %dma_start3A_187] : memref<40x125xi32, #tpu.memory_space<vmem>> -> memref<1x125xi32, #tpu.memory_space<vmem>>
      %dma_start3A_189 = tpu.memref_squeeze %dma_start3A_188 : memref<1x125xi32, #tpu.memory_space<vmem>> -> memref<125xi32, #tpu.memory_space<vmem>>
      %dma_start3A_190 = arith.constant 0 : i32
      %dma_start3A_191 = arith.constant 0 : i32
      %dma_start3A_192 = tpu.memref_slice %arg2[%dma_start3A_190, %dma_start3A_191] : memref<10000x128xf32, #tpu.memory_space<hbm>> -> memref<10000x128xf32, #tpu.memory_space<hbm>>
      tpu.enqueue_indirect_dma source(%dma_start3A_192 : memref<10000x128xf32, #tpu.memory_space<hbm>>) target(%arg10 : memref<125x128xf32, #tpu.memory_space<vmem>>) offsets(%dma_start3A_189 : memref<125xi32, #tpu.memory_space<vmem>>) semaphore(%arg13 : memref<!tpu.dma_semaphore, #tpu.memory_space<semaphore_mem>>)
    }
    %scan3A_85 = arith.constant 19 : i32
    %dma_wait3A_86 = arith.constant 0 : i32
    %dma_wait3A_87 = arith.constant 0 : i32
    %dma_wait3A_88 = tpu.memref_slice %arg7[%dma_wait3A_86, %dma_wait3A_87] : memref<40x125xi32, #tpu.memory_space<vmem>> -> memref<1x125xi32, #tpu.memory_space<vmem>>
    %dma_wait3A_89 = tpu.memref_squeeze %dma_wait3A_88 : memref<1x125xi32, #tpu.memory_space<vmem>> -> memref<125xi32, #tpu.memory_space<vmem>>
    %dma_wait3A_90 = arith.constant 0 : i32
    %dma_wait3A_91 = arith.constant 0 : i32
    %dma_wait3A_92 = tpu.memref_slice %arg2[%dma_wait3A_90, %dma_wait3A_91] : memref<10000x128xf32, #tpu.memory_space<hbm>> -> memref<10000x128xf32, #tpu.memory_space<hbm>>
    tpu.wait_indirect_dma semaphore(%arg12 : memref<!tpu.dma_semaphore, #tpu.memory_space<semaphore_mem>>) src(%dma_wait3A_92 : memref<10000x128xf32, #tpu.memory_space<hbm>>) dst(%arg9 : memref<125x128xf32, #tpu.memory_space<vmem>>)
    %run_scoped3A = arith.constant 38 : i32
    "tpu.region"() ({
      %run_scoped3A_148 = tpu.sem_alloc : memref<!tpu.dma_semaphore, #tpu.memory_space<semaphore_mem>>
      %dma_start3A_149 = arith.constant 0 : i32
      %dma_start3A_150 = tpu.memref_slice %arg8[%run_scoped3A, %dma_start3A_149] : memref<80x125xi32, #tpu.memory_space<vmem>> -> memref<1x125xi32, #tpu.memory_space<vmem>>
      %dma_start3A_151 = tpu.memref_squeeze %dma_start3A_150 : memref<1x125xi32, #tpu.memory_space<vmem>> -> memref<125xi32, #tpu.memory_space<vmem>>
      %dma_start3A_152 = arith.constant 0 : i32
      %dma_start3A_153 = arith.constant 0 : i32
      %dma_start3A_154 = tpu.memref_slice %arg11[%dma_start3A_152, %dma_start3A_153] : memref<10000x128xf32, #tpu.memory_space<vmem_shared>> -> memref<10000x128xf32, #tpu.memory_space<vmem_shared>>
      tpu.enqueue_indirect_dma source(%arg9 : memref<125x128xf32, #tpu.memory_space<vmem>>) target(%dma_start3A_154 : memref<10000x128xf32, #tpu.memory_space<vmem_shared>>) offsets(%dma_start3A_151 : memref<125xi32, #tpu.memory_space<vmem>>) semaphore(%run_scoped3A_148 : memref<!tpu.dma_semaphore, #tpu.memory_space<semaphore_mem>>) {add = true}
      %dma_wait3A_155 = arith.constant 0 : i32
      %dma_wait3A_156 = tpu.memref_slice %arg8[%run_scoped3A, %dma_wait3A_155] : memref<80x125xi32, #tpu.memory_space<vmem>> -> memref<1x125xi32, #tpu.memory_space<vmem>>
      %dma_wait3A_157 = tpu.memref_squeeze %dma_wait3A_156 : memref<1x125xi32, #tpu.memory_space<vmem>> -> memref<125xi32, #tpu.memory_space<vmem>>
      %dma_wait3A_158 = arith.constant 0 : i32
      %dma_wait3A_159 = arith.constant 0 : i32
      %dma_wait3A_160 = tpu.memref_slice %arg11[%dma_wait3A_158, %dma_wait3A_159] : memref<10000x128xf32, #tpu.memory_space<vmem_shared>> -> memref<10000x128xf32, #tpu.memory_space<vmem_shared>>
      tpu.wait_indirect_dma semaphore(%run_scoped3A_148 : memref<!tpu.dma_semaphore, #tpu.memory_space<semaphore_mem>>) src(%arg9 : memref<125x128xf32, #tpu.memory_space<vmem>>) dst(%dma_wait3A_160 : memref<10000x128xf32, #tpu.memory_space<vmem_shared>>)
      tpu.yield
    }) : () -> ()
    %dma_wait3A_93 = arith.constant 0 : i32
    %dma_wait3A_94 = arith.constant 0 : i32
    %dma_wait3A_95 = tpu.memref_slice %arg7[%dma_wait3A_93, %dma_wait3A_94] : memref<40x125xi32, #tpu.memory_space<vmem>> -> memref<1x125xi32, #tpu.memory_space<vmem>>
    %dma_wait3A_96 = tpu.memref_squeeze %dma_wait3A_95 : memref<1x125xi32, #tpu.memory_space<vmem>> -> memref<125xi32, #tpu.memory_space<vmem>>
    %dma_wait3A_97 = arith.constant 0 : i32
    %dma_wait3A_98 = arith.constant 0 : i32
    %dma_wait3A_99 = tpu.memref_slice %arg2[%dma_wait3A_97, %dma_wait3A_98] : memref<10000x128xf32, #tpu.memory_space<hbm>> -> memref<10000x128xf32, #tpu.memory_space<hbm>>
    tpu.wait_indirect_dma semaphore(%arg13 : memref<!tpu.dma_semaphore, #tpu.memory_space<semaphore_mem>>) src(%dma_wait3A_99 : memref<10000x128xf32, #tpu.memory_space<hbm>>) dst(%arg10 : memref<125x128xf32, #tpu.memory_space<vmem>>)
    %run_scoped3A_100 = arith.constant 39 : i32
    "tpu.region"() ({
      %run_scoped3A_148 = tpu.sem_alloc : memref<!tpu.dma_semaphore, #tpu.memory_space<semaphore_mem>>
      %dma_start3A_149 = arith.constant 0 : i32
      %dma_start3A_150 = tpu.memref_slice %arg8[%run_scoped3A_100, %dma_start3A_149] : memref<80x125xi32, #tpu.memory_space<vmem>> -> memref<1x125xi32, #tpu.memory_space<vmem>>
      %dma_start3A_151 = tpu.memref_squeeze %dma_start3A_150 : memref<1x125xi32, #tpu.memory_space<vmem>> -> memref<125xi32, #tpu.memory_space<vmem>>
      %dma_start3A_152 = arith.constant 0 : i32
      %dma_start3A_153 = arith.constant 0 : i32
      %dma_start3A_154 = tpu.memref_slice %arg11[%dma_start3A_152, %dma_start3A_153] : memref<10000x128xf32, #tpu.memory_space<vmem_shared>> -> memref<10000x128xf32, #tpu.memory_space<vmem_shared>>
      tpu.enqueue_indirect_dma source(%arg10 : memref<125x128xf32, #tpu.memory_space<vmem>>) target(%dma_start3A_154 : memref<10000x128xf32, #tpu.memory_space<vmem_shared>>) offsets(%dma_start3A_151 : memref<125xi32, #tpu.memory_space<vmem>>) semaphore(%run_scoped3A_148 : memref<!tpu.dma_semaphore, #tpu.memory_space<semaphore_mem>>) {add = true}
      %dma_wait3A_155 = arith.constant 0 : i32
      %dma_wait3A_156 = tpu.memref_slice %arg8[%run_scoped3A_100, %dma_wait3A_155] : memref<80x125xi32, #tpu.memory_space<vmem>> -> memref<1x125xi32, #tpu.memory_space<vmem>>
      %dma_wait3A_157 = tpu.memref_squeeze %dma_wait3A_156 : memref<1x125xi32, #tpu.memory_space<vmem>> -> memref<125xi32, #tpu.memory_space<vmem>>
      %dma_wait3A_158 = arith.constant 0 : i32
      %dma_wait3A_159 = arith.constant 0 : i32
      %dma_wait3A_160 = tpu.memref_slice %arg11[%dma_wait3A_158, %dma_wait3A_159] : memref<10000x128xf32, #tpu.memory_space<vmem_shared>> -> memref<10000x128xf32, #tpu.memory_space<vmem_shared>>
      tpu.wait_indirect_dma semaphore(%run_scoped3A_148 : memref<!tpu.dma_semaphore, #tpu.memory_space<semaphore_mem>>) src(%arg10 : memref<125x128xf32, #tpu.memory_space<vmem>>) dst(%dma_wait3A_160 : memref<10000x128xf32, #tpu.memory_space<vmem_shared>>)
      tpu.yield
    }) : () -> ()
    "tpu.region"() ({
      %run_scoped3A_148 = tpu.sem_alloc : memref<!tpu.dma_semaphore, #tpu.memory_space<semaphore_mem>>
      %dma_start3A_149 = arith.constant 40 : i32
      %dma_start3A_150 = arith.constant 0 : i32
      %dma_start3A_151 = tpu.memref_slice %arg3[%add3A, %dma_start3A_149, %dma_start3A_150] : memref<32x80x125xi32, #tpu.memory_space<hbm>> -> memref<1x40x125xi32, #tpu.memory_space<hbm>>
      %dma_start3A_152 = tpu.memref_squeeze %dma_start3A_151 : memref<1x40x125xi32, #tpu.memory_space<hbm>> -> memref<40x125xi32, #tpu.memory_space<hbm>>
      %dma_start3A_153 = arith.constant 40 : i32
      %dma_start3A_154 = arith.constant 0 : i32
      %dma_start3A_155 = tpu.memref_slice %arg3[%add3A, %dma_start3A_153, %dma_start3A_154] : memref<32x80x125xi32, #tpu.memory_space<hbm>> -> memref<1x40x125xi32, #tpu.memory_space<hbm>>
      %dma_start3A_156 = tpu.memref_squeeze %dma_start3A_155 : memref<1x40x125xi32, #tpu.memory_space<hbm>> -> memref<40x125xi32, #tpu.memory_space<hbm>>
      tpu.enqueue_dma source(%dma_start3A_156 : memref<40x125xi32, #tpu.memory_space<hbm>>) target(%arg7 : memref<40x125xi32, #tpu.memory_space<vmem>>) target_semaphore(%run_scoped3A_148 : memref<!tpu.dma_semaphore, #tpu.memory_space<semaphore_mem>>)
      %dma_wait3A_157 = arith.constant 40 : i32
      %dma_wait3A_158 = arith.constant 0 : i32
      %dma_wait3A_159 = tpu.memref_slice %arg3[%add3A, %dma_wait3A_157, %dma_wait3A_158] : memref<32x80x125xi32, #tpu.memory_space<hbm>> -> memref<1x40x125xi32, #tpu.memory_space<hbm>>
      %dma_wait3A_160 = tpu.memref_squeeze %dma_wait3A_159 : memref<1x40x125xi32, #tpu.memory_space<hbm>> -> memref<40x125xi32, #tpu.memory_space<hbm>>
      %dma_wait3A_161 = arith.constant 40 : i32
      %dma_wait3A_162 = arith.constant 0 : i32
      %dma_wait3A_163 = tpu.memref_slice %arg3[%add3A, %dma_wait3A_161, %dma_wait3A_162] : memref<32x80x125xi32, #tpu.memory_space<hbm>> -> memref<1x40x125xi32, #tpu.memory_space<hbm>>
      %dma_wait3A_164 = tpu.memref_squeeze %dma_wait3A_163 : memref<1x40x125xi32, #tpu.memory_space<hbm>> -> memref<40x125xi32, #tpu.memory_space<hbm>>
      tpu.wait_dma2 semaphore(%run_scoped3A_148 : memref<!tpu.dma_semaphore, #tpu.memory_space<semaphore_mem>>) src(%dma_wait3A_164 : memref<40x125xi32, #tpu.memory_space<hbm>>) dst(%arg7 : memref<40x125xi32, #tpu.memory_space<vmem>>)
      tpu.yield
    }) : () -> ()
    %dma_start3A_101 = arith.constant 0 : i32
    %dma_start3A_102 = arith.constant 0 : i32
    %dma_start3A_103 = tpu.memref_slice %arg7[%dma_start3A_101, %dma_start3A_102] : memref<40x125xi32, #tpu.memory_space<vmem>> -> memref<1x125xi32, #tpu.memory_space<vmem>>
    %dma_start3A_104 = tpu.memref_squeeze %dma_start3A_103 : memref<1x125xi32, #tpu.memory_space<vmem>> -> memref<125xi32, #tpu.memory_space<vmem>>
    %dma_start3A_105 = arith.constant 0 : i32
    %dma_start3A_106 = arith.constant 0 : i32
    %dma_start3A_107 = tpu.memref_slice %arg2[%dma_start3A_105, %dma_start3A_106] : memref<10000x128xf32, #tpu.memory_space<hbm>> -> memref<10000x128xf32, #tpu.memory_space<hbm>>
    tpu.enqueue_indirect_dma source(%dma_start3A_107 : memref<10000x128xf32, #tpu.memory_space<hbm>>) target(%arg9 : memref<125x128xf32, #tpu.memory_space<vmem>>) offsets(%dma_start3A_104 : memref<125xi32, #tpu.memory_space<vmem>>) semaphore(%arg12 : memref<!tpu.dma_semaphore, #tpu.memory_space<semaphore_mem>>)
    %dma_start3A_108 = arith.constant 1 : i32
    %dma_start3A_109 = arith.constant 0 : i32
    %dma_start3A_110 = tpu.memref_slice %arg7[%dma_start3A_108, %dma_start3A_109] : memref<40x125xi32, #tpu.memory_space<vmem>> -> memref<1x125xi32, #tpu.memory_space<vmem>>
    %dma_start3A_111 = tpu.memref_squeeze %dma_start3A_110 : memref<1x125xi32, #tpu.memory_space<vmem>> -> memref<125xi32, #tpu.memory_space<vmem>>
    %dma_start3A_112 = arith.constant 0 : i32
    %dma_start3A_113 = arith.constant 0 : i32
    %dma_start3A_114 = tpu.memref_slice %arg2[%dma_start3A_112, %dma_start3A_113] : memref<10000x128xf32, #tpu.memory_space<hbm>> -> memref<10000x128xf32, #tpu.memory_space<hbm>>
    tpu.enqueue_indirect_dma source(%dma_start3A_114 : memref<10000x128xf32, #tpu.memory_space<hbm>>) target(%arg10 : memref<125x128xf32, #tpu.memory_space<vmem>>) offsets(%dma_start3A_111 : memref<125xi32, #tpu.memory_space<vmem>>) semaphore(%arg13 : memref<!tpu.dma_semaphore, #tpu.memory_space<semaphore_mem>>)
    %scan3A_115 = arith.constant 0 : i32
    %scan3A_116 = arith.constant 0 : i32
    %scan3A_117 = arith.constant 19 : i32
    %scan3A_118 = arith.addi %scan3A_116, %scan3A_117 : i32
    %scan3A_119 = arith.constant 1 : i32
    scf.for %scan3A_148 = %scan3A_116 to %scan3A_118 step %scan3A_119  : i32 {
      %dma_wait3A_149 = arith.constant 0 : i32
      %dma_wait3A_150 = arith.constant 0 : i32
      %dma_wait3A_151 = tpu.memref_slice %arg7[%dma_wait3A_149, %dma_wait3A_150] : memref<40x125xi32, #tpu.memory_space<vmem>> -> memref<1x125xi32, #tpu.memory_space<vmem>>
      %dma_wait3A_152 = tpu.memref_squeeze %dma_wait3A_151 : memref<1x125xi32, #tpu.memory_space<vmem>> -> memref<125xi32, #tpu.memory_space<vmem>>
      %dma_wait3A_153 = arith.constant 0 : i32
      %dma_wait3A_154 = arith.constant 0 : i32
      %dma_wait3A_155 = tpu.memref_slice %arg2[%dma_wait3A_153, %dma_wait3A_154] : memref<10000x128xf32, #tpu.memory_space<hbm>> -> memref<10000x128xf32, #tpu.memory_space<hbm>>
      tpu.wait_indirect_dma semaphore(%arg12 : memref<!tpu.dma_semaphore, #tpu.memory_space<semaphore_mem>>) src(%dma_wait3A_155 : memref<10000x128xf32, #tpu.memory_space<hbm>>) dst(%arg9 : memref<125x128xf32, #tpu.memory_space<vmem>>)
      %mul3A_156 = arith.constant 2 : i32
      %mul3A_157 = arith.muli %mul3A_156, %scan3A_148 : i32
      %add3A_158 = arith.constant 40 : i32
      %add3A_159 = arith.addi %add3A_158, %mul3A_157 : i32
      "tpu.region"() ({
        %run_scoped3A_193 = tpu.sem_alloc : memref<!tpu.dma_semaphore, #tpu.memory_space<semaphore_mem>>
        %dma_start3A_194 = arith.constant 0 : i32
        %dma_start3A_195 = tpu.memref_slice %arg8[%add3A_159, %dma_start3A_194] : memref<80x125xi32, #tpu.memory_space<vmem>> -> memref<1x125xi32, #tpu.memory_space<vmem>>
        %dma_start3A_196 = tpu.memref_squeeze %dma_start3A_195 : memref<1x125xi32, #tpu.memory_space<vmem>> -> memref<125xi32, #tpu.memory_space<vmem>>
        %dma_start3A_197 = arith.constant 0 : i32
        %dma_start3A_198 = arith.constant 0 : i32
        %dma_start3A_199 = tpu.memref_slice %arg11[%dma_start3A_197, %dma_start3A_198] : memref<10000x128xf32, #tpu.memory_space<vmem_shared>> -> memref<10000x128xf32, #tpu.memory_space<vmem_shared>>
        tpu.enqueue_indirect_dma source(%arg9 : memref<125x128xf32, #tpu.memory_space<vmem>>) target(%dma_start3A_199 : memref<10000x128xf32, #tpu.memory_space<vmem_shared>>) offsets(%dma_start3A_196 : memref<125xi32, #tpu.memory_space<vmem>>) semaphore(%run_scoped3A_193 : memref<!tpu.dma_semaphore, #tpu.memory_space<semaphore_mem>>) {add = true}
        %dma_wait3A_200 = arith.constant 0 : i32
        %dma_wait3A_201 = tpu.memref_slice %arg8[%add3A_159, %dma_wait3A_200] : memref<80x125xi32, #tpu.memory_space<vmem>> -> memref<1x125xi32, #tpu.memory_space<vmem>>
        %dma_wait3A_202 = tpu.memref_squeeze %dma_wait3A_201 : memref<1x125xi32, #tpu.memory_space<vmem>> -> memref<125xi32, #tpu.memory_space<vmem>>
        %dma_wait3A_203 = arith.constant 0 : i32
        %dma_wait3A_204 = arith.constant 0 : i32
        %dma_wait3A_205 = tpu.memref_slice %arg11[%dma_wait3A_203, %dma_wait3A_204] : memref<10000x128xf32, #tpu.memory_space<vmem_shared>> -> memref<10000x128xf32, #tpu.memory_space<vmem_shared>>
        tpu.wait_indirect_dma semaphore(%run_scoped3A_193 : memref<!tpu.dma_semaphore, #tpu.memory_space<semaphore_mem>>) src(%arg9 : memref<125x128xf32, #tpu.memory_space<vmem>>) dst(%dma_wait3A_205 : memref<10000x128xf32, #tpu.memory_space<vmem_shared>>)
        tpu.yield
      }) : () -> ()
      %mul3A_160 = arith.constant 2 : i32
      %mul3A_161 = arith.muli %mul3A_160, %scan3A_148 : i32
      %add3A_162 = arith.constant 2 : i32
      %add3A_163 = arith.addi %mul3A_161, %add3A_162 : i32
      %dma_start3A_164 = arith.constant 0 : i32
      %dma_start3A_165 = tpu.memref_slice %arg7[%add3A_163, %dma_start3A_164] : memref<40x125xi32, #tpu.memory_space<vmem>> -> memref<1x125xi32, #tpu.memory_space<vmem>>
      %dma_start3A_166 = tpu.memref_squeeze %dma_start3A_165 : memref<1x125xi32, #tpu.memory_space<vmem>> -> memref<125xi32, #tpu.memory_space<vmem>>
      %dma_start3A_167 = arith.constant 0 : i32
      %dma_start3A_168 = arith.constant 0 : i32
      %dma_start3A_169 = tpu.memref_slice %arg2[%dma_start3A_167, %dma_start3A_168] : memref<10000x128xf32, #tpu.memory_space<hbm>> -> memref<10000x128xf32, #tpu.memory_space<hbm>>
      tpu.enqueue_indirect_dma source(%dma_start3A_169 : memref<10000x128xf32, #tpu.memory_space<hbm>>) target(%arg9 : memref<125x128xf32, #tpu.memory_space<vmem>>) offsets(%dma_start3A_166 : memref<125xi32, #tpu.memory_space<vmem>>) semaphore(%arg12 : memref<!tpu.dma_semaphore, #tpu.memory_space<semaphore_mem>>)
      %dma_wait3A_170 = arith.constant 0 : i32
      %dma_wait3A_171 = arith.constant 0 : i32
      %dma_wait3A_172 = tpu.memref_slice %arg7[%dma_wait3A_170, %dma_wait3A_171] : memref<40x125xi32, #tpu.memory_space<vmem>> -> memref<1x125xi32, #tpu.memory_space<vmem>>
      %dma_wait3A_173 = tpu.memref_squeeze %dma_wait3A_172 : memref<1x125xi32, #tpu.memory_space<vmem>> -> memref<125xi32, #tpu.memory_space<vmem>>
      %dma_wait3A_174 = arith.constant 0 : i32
      %dma_wait3A_175 = arith.constant 0 : i32
      %dma_wait3A_176 = tpu.memref_slice %arg2[%dma_wait3A_174, %dma_wait3A_175] : memref<10000x128xf32, #tpu.memory_space<hbm>> -> memref<10000x128xf32, #tpu.memory_space<hbm>>
      tpu.wait_indirect_dma semaphore(%arg13 : memref<!tpu.dma_semaphore, #tpu.memory_space<semaphore_mem>>) src(%dma_wait3A_176 : memref<10000x128xf32, #tpu.memory_space<hbm>>) dst(%arg10 : memref<125x128xf32, #tpu.memory_space<vmem>>)
      %mul3A_177 = arith.constant 2 : i32
      %mul3A_178 = arith.muli %mul3A_177, %scan3A_148 : i32
      %add3A_179 = arith.constant 40 : i32
      %add3A_180 = arith.addi %add3A_179, %mul3A_178 : i32
      %add3A_181 = arith.constant 1 : i32
      %add3A_182 = arith.addi %add3A_180, %add3A_181 : i32
      "tpu.region"() ({
        %run_scoped3A_193 = tpu.sem_alloc : memref<!tpu.dma_semaphore, #tpu.memory_space<semaphore_mem>>
        %dma_start3A_194 = arith.constant 0 : i32
        %dma_start3A_195 = tpu.memref_slice %arg8[%add3A_182, %dma_start3A_194] : memref<80x125xi32, #tpu.memory_space<vmem>> -> memref<1x125xi32, #tpu.memory_space<vmem>>
        %dma_start3A_196 = tpu.memref_squeeze %dma_start3A_195 : memref<1x125xi32, #tpu.memory_space<vmem>> -> memref<125xi32, #tpu.memory_space<vmem>>
        %dma_start3A_197 = arith.constant 0 : i32
        %dma_start3A_198 = arith.constant 0 : i32
        %dma_start3A_199 = tpu.memref_slice %arg11[%dma_start3A_197, %dma_start3A_198] : memref<10000x128xf32, #tpu.memory_space<vmem_shared>> -> memref<10000x128xf32, #tpu.memory_space<vmem_shared>>
        tpu.enqueue_indirect_dma source(%arg10 : memref<125x128xf32, #tpu.memory_space<vmem>>) target(%dma_start3A_199 : memref<10000x128xf32, #tpu.memory_space<vmem_shared>>) offsets(%dma_start3A_196 : memref<125xi32, #tpu.memory_space<vmem>>) semaphore(%run_scoped3A_193 : memref<!tpu.dma_semaphore, #tpu.memory_space<semaphore_mem>>) {add = true}
        %dma_wait3A_200 = arith.constant 0 : i32
        %dma_wait3A_201 = tpu.memref_slice %arg8[%add3A_182, %dma_wait3A_200] : memref<80x125xi32, #tpu.memory_space<vmem>> -> memref<1x125xi32, #tpu.memory_space<vmem>>
        %dma_wait3A_202 = tpu.memref_squeeze %dma_wait3A_201 : memref<1x125xi32, #tpu.memory_space<vmem>> -> memref<125xi32, #tpu.memory_space<vmem>>
        %dma_wait3A_203 = arith.constant 0 : i32
        %dma_wait3A_204 = arith.constant 0 : i32
        %dma_wait3A_205 = tpu.memref_slice %arg11[%dma_wait3A_203, %dma_wait3A_204] : memref<10000x128xf32, #tpu.memory_space<vmem_shared>> -> memref<10000x128xf32, #tpu.memory_space<vmem_shared>>
        tpu.wait_indirect_dma semaphore(%run_scoped3A_193 : memref<!tpu.dma_semaphore, #tpu.memory_space<semaphore_mem>>) src(%arg10 : memref<125x128xf32, #tpu.memory_space<vmem>>) dst(%dma_wait3A_205 : memref<10000x128xf32, #tpu.memory_space<vmem_shared>>)
        tpu.yield
      }) : () -> ()
      %mul3A_183 = arith.constant 2 : i32
      %mul3A_184 = arith.muli %mul3A_183, %scan3A_148 : i32
      %add3A_185 = arith.constant 3 : i32
      %add3A_186 = arith.addi %mul3A_184, %add3A_185 : i32
      %dma_start3A_187 = arith.constant 0 : i32
      %dma_start3A_188 = tpu.memref_slice %arg7[%add3A_186, %dma_start3A_187] : memref<40x125xi32, #tpu.memory_space<vmem>> -> memref<1x125xi32, #tpu.memory_space<vmem>>
      %dma_start3A_189 = tpu.memref_squeeze %dma_start3A_188 : memref<1x125xi32, #tpu.memory_space<vmem>> -> memref<125xi32, #tpu.memory_space<vmem>>
      %dma_start3A_190 = arith.constant 0 : i32
      %dma_start3A_191 = arith.constant 0 : i32
      %dma_start3A_192 = tpu.memref_slice %arg2[%dma_start3A_190, %dma_start3A_191] : memref<10000x128xf32, #tpu.memory_space<hbm>> -> memref<10000x128xf32, #tpu.memory_space<hbm>>
      tpu.enqueue_indirect_dma source(%dma_start3A_192 : memref<10000x128xf32, #tpu.memory_space<hbm>>) target(%arg10 : memref<125x128xf32, #tpu.memory_space<vmem>>) offsets(%dma_start3A_189 : memref<125xi32, #tpu.memory_space<vmem>>) semaphore(%arg13 : memref<!tpu.dma_semaphore, #tpu.memory_space<semaphore_mem>>)
    }
    %scan3A_120 = arith.constant 19 : i32
    %dma_wait3A_121 = arith.constant 0 : i32
    %dma_wait3A_122 = arith.constant 0 : i32
    %dma_wait3A_123 = tpu.memref_slice %arg7[%dma_wait3A_121, %dma_wait3A_122] : memref<40x125xi32, #tpu.memory_space<vmem>> -> memref<1x125xi32, #tpu.memory_space<vmem>>
    %dma_wait3A_124 = tpu.memref_squeeze %dma_wait3A_123 : memref<1x125xi32, #tpu.memory_space<vmem>> -> memref<125xi32, #tpu.memory_space<vmem>>
    %dma_wait3A_125 = arith.constant 0 : i32
    %dma_wait3A_126 = arith.constant 0 : i32
    %dma_wait3A_127 = tpu.memref_slice %arg2[%dma_wait3A_125, %dma_wait3A_126] : memref<10000x128xf32, #tpu.memory_space<hbm>> -> memref<10000x128xf32, #tpu.memory_space<hbm>>
    tpu.wait_indirect_dma semaphore(%arg12 : memref<!tpu.dma_semaphore, #tpu.memory_space<semaphore_mem>>) src(%dma_wait3A_127 : memref<10000x128xf32, #tpu.memory_space<hbm>>) dst(%arg9 : memref<125x128xf32, #tpu.memory_space<vmem>>)
    %run_scoped3A_128 = arith.constant 78 : i32
    "tpu.region"() ({
      %run_scoped3A_148 = tpu.sem_alloc : memref<!tpu.dma_semaphore, #tpu.memory_space<semaphore_mem>>
      %dma_start3A_149 = arith.constant 0 : i32
      %dma_start3A_150 = tpu.memref_slice %arg8[%run_scoped3A_128, %dma_start3A_149] : memref<80x125xi32, #tpu.memory_space<vmem>> -> memref<1x125xi32, #tpu.memory_space<vmem>>
      %dma_start3A_151 = tpu.memref_squeeze %dma_start3A_150 : memref<1x125xi32, #tpu.memory_space<vmem>> -> memref<125xi32, #tpu.memory_space<vmem>>
      %dma_start3A_152 = arith.constant 0 : i32
      %dma_start3A_153 = arith.constant 0 : i32
      %dma_start3A_154 = tpu.memref_slice %arg11[%dma_start3A_152, %dma_start3A_153] : memref<10000x128xf32, #tpu.memory_space<vmem_shared>> -> memref<10000x128xf32, #tpu.memory_space<vmem_shared>>
      tpu.enqueue_indirect_dma source(%arg9 : memref<125x128xf32, #tpu.memory_space<vmem>>) target(%dma_start3A_154 : memref<10000x128xf32, #tpu.memory_space<vmem_shared>>) offsets(%dma_start3A_151 : memref<125xi32, #tpu.memory_space<vmem>>) semaphore(%run_scoped3A_148 : memref<!tpu.dma_semaphore, #tpu.memory_space<semaphore_mem>>) {add = true}
      %dma_wait3A_155 = arith.constant 0 : i32
      %dma_wait3A_156 = tpu.memref_slice %arg8[%run_scoped3A_128, %dma_wait3A_155] : memref<80x125xi32, #tpu.memory_space<vmem>> -> memref<1x125xi32, #tpu.memory_space<vmem>>
      %dma_wait3A_157 = tpu.memref_squeeze %dma_wait3A_156 : memref<1x125xi32, #tpu.memory_space<vmem>> -> memref<125xi32, #tpu.memory_space<vmem>>
      %dma_wait3A_158 = arith.constant 0 : i32
      %dma_wait3A_159 = arith.constant 0 : i32
      %dma_wait3A_160 = tpu.memref_slice %arg11[%dma_wait3A_158, %dma_wait3A_159] : memref<10000x128xf32, #tpu.memory_space<vmem_shared>> -> memref<10000x128xf32, #tpu.memory_space<vmem_shared>>
      tpu.wait_indirect_dma semaphore(%run_scoped3A_148 : memref<!tpu.dma_semaphore, #tpu.memory_space<semaphore_mem>>) src(%arg9 : memref<125x128xf32, #tpu.memory_space<vmem>>) dst(%dma_wait3A_160 : memref<10000x128xf32, #tpu.memory_space<vmem_shared>>)
      tpu.yield
    }) : () -> ()
    %dma_wait3A_129 = arith.constant 0 : i32
    %dma_wait3A_130 = arith.constant 0 : i32
    %dma_wait3A_131 = tpu.memref_slice %arg7[%dma_wait3A_129, %dma_wait3A_130] : memref<40x125xi32, #tpu.memory_space<vmem>> -> memref<1x125xi32, #tpu.memory_space<vmem>>
    %dma_wait3A_132 = tpu.memref_squeeze %dma_wait3A_131 : memref<1x125xi32, #tpu.memory_space<vmem>> -> memref<125xi32, #tpu.memory_space<vmem>>
    %dma_wait3A_133 = arith.constant 0 : i32
    %dma_wait3A_134 = arith.constant 0 : i32
    %dma_wait3A_135 = tpu.memref_slice %arg2[%dma_wait3A_133, %dma_wait3A_134] : memref<10000x128xf32, #tpu.memory_space<hbm>> -> memref<10000x128xf32, #tpu.memory_space<hbm>>
    tpu.wait_indirect_dma semaphore(%arg13 : memref<!tpu.dma_semaphore, #tpu.memory_space<semaphore_mem>>) src(%dma_wait3A_135 : memref<10000x128xf32, #tpu.memory_space<hbm>>) dst(%arg10 : memref<125x128xf32, #tpu.memory_space<vmem>>)
    %run_scoped3A_136 = arith.constant 79 : i32
    "tpu.region"() ({
      %run_scoped3A_148 = tpu.sem_alloc : memref<!tpu.dma_semaphore, #tpu.memory_space<semaphore_mem>>
      %dma_start3A_149 = arith.constant 0 : i32
      %dma_start3A_150 = tpu.memref_slice %arg8[%run_scoped3A_136, %dma_start3A_149] : memref<80x125xi32, #tpu.memory_space<vmem>> -> memref<1x125xi32, #tpu.memory_space<vmem>>
      %dma_start3A_151 = tpu.memref_squeeze %dma_start3A_150 : memref<1x125xi32, #tpu.memory_space<vmem>> -> memref<125xi32, #tpu.memory_space<vmem>>
      %dma_start3A_152 = arith.constant 0 : i32
      %dma_start3A_153 = arith.constant 0 : i32
      %dma_start3A_154 = tpu.memref_slice %arg11[%dma_start3A_152, %dma_start3A_153] : memref<10000x128xf32, #tpu.memory_space<vmem_shared>> -> memref<10000x128xf32, #tpu.memory_space<vmem_shared>>
      tpu.enqueue_indirect_dma source(%arg10 : memref<125x128xf32, #tpu.memory_space<vmem>>) target(%dma_start3A_154 : memref<10000x128xf32, #tpu.memory_space<vmem_shared>>) offsets(%dma_start3A_151 : memref<125xi32, #tpu.memory_space<vmem>>) semaphore(%run_scoped3A_148 : memref<!tpu.dma_semaphore, #tpu.memory_space<semaphore_mem>>) {add = true}
      %dma_wait3A_155 = arith.constant 0 : i32
      %dma_wait3A_156 = tpu.memref_slice %arg8[%run_scoped3A_136, %dma_wait3A_155] : memref<80x125xi32, #tpu.memory_space<vmem>> -> memref<1x125xi32, #tpu.memory_space<vmem>>
      %dma_wait3A_157 = tpu.memref_squeeze %dma_wait3A_156 : memref<1x125xi32, #tpu.memory_space<vmem>> -> memref<125xi32, #tpu.memory_space<vmem>>
      %dma_wait3A_158 = arith.constant 0 : i32
      %dma_wait3A_159 = arith.constant 0 : i32
      %dma_wait3A_160 = tpu.memref_slice %arg11[%dma_wait3A_158, %dma_wait3A_159] : memref<10000x128xf32, #tpu.memory_space<vmem_shared>> -> memref<10000x128xf32, #tpu.memory_space<vmem_shared>>
      tpu.wait_indirect_dma semaphore(%run_scoped3A_148 : memref<!tpu.dma_semaphore, #tpu.memory_space<semaphore_mem>>) src(%arg10 : memref<125x128xf32, #tpu.memory_space<vmem>>) dst(%dma_wait3A_160 : memref<10000x128xf32, #tpu.memory_space<vmem_shared>>)
      tpu.yield
    }) : () -> ()
    %barrier3A_137 = arith.constant 0 : index
    tpu.barrier barrier_id(%barrier3A_137)
    %lt3A_138 = arith.constant 15 : i32
    %lt3A_139 = arith.cmpi slt, %arg1, %lt3A_138 : i32
    %convert_element_type3A_140 = arith.extui %lt3A_139 : i1 to i32
    %cond3A_141 = arith.constant 0 : i32
    %cond3A_142 = arith.cmpi ne, %convert_element_type3A_140, %cond3A_141 : i32
    scf.if %cond3A_142 {
      %mul3A_148 = arith.constant 640 : i32
      %mul3A_149 = arith.muli %arg1, %mul3A_148 : i32
      %mul3A_150 = arith.constant 640 : i32
      %mul3A_151 = arith.muli %arg1, %mul3A_150 : i32
      "tpu.region"() ({
        %run_scoped3A_152 = tpu.sem_alloc : memref<!tpu.dma_semaphore, #tpu.memory_space<semaphore_mem>>
        %dma_start3A_153 = arith.constant 0 : i32
        %dma_start3A_154 = tpu.memref_slice %arg6[%arg0, %mul3A_151, %dma_start3A_153] : memref<2x10000x128xf32, #tpu.memory_space<hbm>> -> memref<1x640x128xf32, #tpu.memory_space<hbm>>
        %dma_start3A_155 = tpu.memref_squeeze %dma_start3A_154 : memref<1x640x128xf32, #tpu.memory_space<hbm>> -> memref<640x128xf32, #tpu.memory_space<hbm>>
        %dma_start3A_156 = arith.constant 0 : i32
        %dma_start3A_157 = tpu.memref_slice %arg11[%mul3A_149, %dma_start3A_156] : memref<10000x128xf32, #tpu.memory_space<vmem_shared>> -> memref<640x128xf32, #tpu.memory_space<vmem_shared>>
        tpu.enqueue_dma source(%dma_start3A_157 : memref<640x128xf32, #tpu.memory_space<vmem_shared>>) target(%dma_start3A_155 : memref<640x128xf32, #tpu.memory_space<hbm>>) target_semaphore(%run_scoped3A_152 : memref<!tpu.dma_semaphore, #tpu.memory_space<semaphore_mem>>)
        %dma_wait3A_158 = arith.constant 0 : i32
        %dma_wait3A_159 = tpu.memref_slice %arg6[%arg0, %mul3A_151, %dma_wait3A_158] : memref<2x10000x128xf32, #tpu.memory_space<hbm>> -> memref<1x640x128xf32, #tpu.memory_space<hbm>>
        %dma_wait3A_160 = tpu.memref_squeeze %dma_wait3A_159 : memref<1x640x128xf32, #tpu.memory_space<hbm>> -> memref<640x128xf32, #tpu.memory_space<hbm>>
        %dma_wait3A_161 = arith.constant 0 : i32
        %dma_wait3A_162 = tpu.memref_slice %arg11[%mul3A_149, %dma_wait3A_161] : memref<10000x128xf32, #tpu.memory_space<vmem_shared>> -> memref<640x128xf32, #tpu.memory_space<vmem_shared>>
        tpu.wait_dma2 semaphore(%run_scoped3A_152 : memref<!tpu.dma_semaphore, #tpu.memory_space<semaphore_mem>>) src(%dma_wait3A_162 : memref<640x128xf32, #tpu.memory_space<vmem_shared>>) dst(%dma_wait3A_160 : memref<640x128xf32, #tpu.memory_space<hbm>>)
        tpu.yield
      }) : () -> ()
    } else {
    }
    %eq3A_143 = arith.constant 15 : i32
    %eq3A_144 = arith.cmpi eq, %arg1, %eq3A_143 : i32
    %convert_element_type3A_145 = arith.extui %eq3A_144 : i1 to i32
    %cond3A_146 = arith.constant 0 : i32
    %cond3A_147 = arith.cmpi ne, %convert_element_type3A_145, %cond3A_146 : i32
    scf.if %cond3A_147 {
      "tpu.region"() ({
        %run_scoped3A_148 = tpu.sem_alloc : memref<!tpu.dma_semaphore, #tpu.memory_space<semaphore_mem>>
        %dma_start3A_149 = arith.constant 9600 : i32
        %dma_start3A_150 = arith.constant 0 : i32
        %dma_start3A_151 = tpu.memref_slice %arg6[%arg0, %dma_start3A_149, %dma_start3A_150] : memref<2x10000x128xf32, #tpu.memory_space<hbm>> -> memref<1x400x128xf32, #tpu.memory_space<hbm>>
        %dma_start3A_152 = tpu.memref_squeeze %dma_start3A_151 : memref<1x400x128xf32, #tpu.memory_space<hbm>> -> memref<400x128xf32, #tpu.memory_space<hbm>>
        %dma_start3A_153 = arith.constant 9600 : i32
        %dma_start3A_154 = arith.constant 0 : i32
        %dma_start3A_155 = tpu.memref_slice %arg11[%dma_start3A_153, %dma_start3A_154] : memref<10000x128xf32, #tpu.memory_space<vmem_shared>> -> memref<400x128xf32, #tpu.memory_space<vmem_shared>>
        tpu.enqueue_dma source(%dma_start3A_155 : memref<400x128xf32, #tpu.memory_space<vmem_shared>>) target(%dma_start3A_152 : memref<400x128xf32, #tpu.memory_space<hbm>>) target_semaphore(%run_scoped3A_148 : memref<!tpu.dma_semaphore, #tpu.memory_space<semaphore_mem>>)
        %dma_wait3A_156 = arith.constant 9600 : i32
        %dma_wait3A_157 = arith.constant 0 : i32
        %dma_wait3A_158 = tpu.memref_slice %arg6[%arg0, %dma_wait3A_156, %dma_wait3A_157] : memref<2x10000x128xf32, #tpu.memory_space<hbm>> -> memref<1x400x128xf32, #tpu.memory_space<hbm>>
        %dma_wait3A_159 = tpu.memref_squeeze %dma_wait3A_158 : memref<1x400x128xf32, #tpu.memory_space<hbm>> -> memref<400x128xf32, #tpu.memory_space<hbm>>
        %dma_wait3A_160 = arith.constant 9600 : i32
        %dma_wait3A_161 = arith.constant 0 : i32
        %dma_wait3A_162 = tpu.memref_slice %arg11[%dma_wait3A_160, %dma_wait3A_161] : memref<10000x128xf32, #tpu.memory_space<vmem_shared>> -> memref<400x128xf32, #tpu.memory_space<vmem_shared>>
        tpu.wait_dma2 semaphore(%run_scoped3A_148 : memref<!tpu.dma_semaphore, #tpu.memory_space<semaphore_mem>>) src(%dma_wait3A_162 : memref<400x128xf32, #tpu.memory_space<vmem_shared>>) dst(%dma_wait3A_159 : memref<400x128xf32, #tpu.memory_space<hbm>>)
        tpu.yield
      }) : () -> ()
    } else {
    }
    return
  }
}

#map = affine_map<(d0, d1) -> (0, 0)>
#map1 = affine_map<(d0, d1) -> (0, 0, 0)>
module attributes {stable_mosaic.version = 14 : i64} {
  func.func @agg_kernel(%arg0: i32, %arg1: i32, %arg2: memref<10000x128xf32, #tpu.memory_space<hbm>>, %arg3: memref<32x80x125xi32, #tpu.memory_space<hbm>>, %arg4: memref<32x80x125xi32, #tpu.memory_space<hbm>>, %arg5: memref<640x128xf32, #tpu.memory_space<hbm>>, %arg6: memref<2x10000x128xf32, #tpu.memory_space<hbm>>, %arg7: memref<40x125xi32, #tpu.memory_space<vmem>>, %arg8: memref<80x125xi32, #tpu.memory_space<vmem>>, %arg9: memref<125x128xf32, #tpu.memory_space<vmem>>, %arg10: memref<125x128xf32, #tpu.memory_space<vmem>>, %arg11: memref<10000x128xf32, #tpu.memory_space<vmem_shared>>, %arg12: memref<!tpu.dma_semaphore, #tpu.memory_space<semaphore_mem>>, %arg13: memref<!tpu.dma_semaphore, #tpu.memory_space<semaphore_mem>>, %arg14: memref<!tpu.dma_semaphore, #tpu.memory_space<semaphore_mem>>) attributes {dimension_semantics = [#tpu.dimension_semantics<core_parallel>, #tpu.dimension_semantics<subcore_parallel>], iteration_bounds = array<i64: 2, 16>, scalar_prefetch = 0 : i64, scratch_operands = 8 : i64, tpu.core_type = #tpu.core_type<sc_vector_subcore>, window_params = [{transform_indices = #map}, {transform_indices = #map1}, {transform_indices = #map1}, {transform_indices = #map}, {transform_indices = #map1}]} {
    %mul3A = arith.constant 16 : i32
    %mul3A_0 = arith.muli %arg0, %mul3A : i32
    %add3A = arith.addi %mul3A_0, %arg1 : i32
    %dma_start3A = arith.constant 0 : i32
    %dma_start3A_1 = arith.constant 0 : i32
    %dma_start3A_2 = tpu.memref_slice %arg3[%add3A, %dma_start3A, %dma_start3A_1] : memref<32x80x125xi32, #tpu.memory_space<hbm>> -> memref<1x40x125xi32, #tpu.memory_space<hbm>>
    %dma_start3A_3 = tpu.memref_squeeze %dma_start3A_2 : memref<1x40x125xi32, #tpu.memory_space<hbm>> -> memref<40x125xi32, #tpu.memory_space<hbm>>
    %dma_start3A_4 = arith.constant 0 : i32
    %dma_start3A_5 = arith.constant 0 : i32
    %dma_start3A_6 = tpu.memref_slice %arg3[%add3A, %dma_start3A_4, %dma_start3A_5] : memref<32x80x125xi32, #tpu.memory_space<hbm>> -> memref<1x40x125xi32, #tpu.memory_space<hbm>>
    %dma_start3A_7 = tpu.memref_squeeze %dma_start3A_6 : memref<1x40x125xi32, #tpu.memory_space<hbm>> -> memref<40x125xi32, #tpu.memory_space<hbm>>
    tpu.enqueue_dma source(%dma_start3A_7 : memref<40x125xi32, #tpu.memory_space<hbm>>) target(%arg7 : memref<40x125xi32, #tpu.memory_space<vmem>>) target_semaphore(%arg12 : memref<!tpu.dma_semaphore, #tpu.memory_space<semaphore_mem>>)
    %dma_start3A_8 = arith.constant 0 : i32
    %dma_start3A_9 = arith.constant 0 : i32
    %dma_start3A_10 = tpu.memref_slice %arg4[%add3A, %dma_start3A_8, %dma_start3A_9] : memref<32x80x125xi32, #tpu.memory_space<hbm>> -> memref<1x80x125xi32, #tpu.memory_space<hbm>>
    %dma_start3A_11 = tpu.memref_squeeze %dma_start3A_10 : memref<1x80x125xi32, #tpu.memory_space<hbm>> -> memref<80x125xi32, #tpu.memory_space<hbm>>
    %dma_start3A_12 = arith.constant 0 : i32
    %dma_start3A_13 = arith.constant 0 : i32
    %dma_start3A_14 = tpu.memref_slice %arg4[%add3A, %dma_start3A_12, %dma_start3A_13] : memref<32x80x125xi32, #tpu.memory_space<hbm>> -> memref<1x80x125xi32, #tpu.memory_space<hbm>>
    %dma_start3A_15 = tpu.memref_squeeze %dma_start3A_14 : memref<1x80x125xi32, #tpu.memory_space<hbm>> -> memref<80x125xi32, #tpu.memory_space<hbm>>
    tpu.enqueue_dma source(%dma_start3A_15 : memref<80x125xi32, #tpu.memory_space<hbm>>) target(%arg8 : memref<80x125xi32, #tpu.memory_space<vmem>>) target_semaphore(%arg14 : memref<!tpu.dma_semaphore, #tpu.memory_space<semaphore_mem>>)
    %eq3A = arith.constant 0 : i32
    %eq3A_16 = arith.cmpi eq, %arg0, %eq3A : i32
    %lt3A = arith.constant 15 : i32
    %lt3A_17 = arith.cmpi slt, %arg1, %lt3A : i32
    %and3A = arith.andi %eq3A_16, %lt3A_17 : i1
    %convert_element_type3A = arith.extui %and3A : i1 to i32
    %cond3A = arith.constant 0 : i32
    %cond3A_18 = arith.cmpi ne, %convert_element_type3A, %cond3A : i32
    scf.if %cond3A_18 {
      %mul3A_148 = arith.constant 640 : i32
      %mul3A_149 = arith.muli %arg1, %mul3A_148 : i32
      %mul3A_150 = arith.constant 640 : i32
      %mul3A_151 = arith.muli %arg1, %mul3A_150 : i32
      %dma_start3A_152 = arith.constant 0 : i32
      %dma_start3A_153 = tpu.memref_slice %arg11[%mul3A_151, %dma_start3A_152] : memref<10000x128xf32, #tpu.memory_space<vmem_shared>> -> memref<640x128xf32, #tpu.memory_space<vmem_shared>>
      %dma_start3A_154 = arith.constant 0 : i32
      %dma_start3A_155 = tpu.memref_slice %arg2[%mul3A_149, %dma_start3A_154] : memref<10000x128xf32, #tpu.memory_space<hbm>> -> memref<640x128xf32, #tpu.memory_space<hbm>>
      tpu.enqueue_dma source(%dma_start3A_155 : memref<640x128xf32, #tpu.memory_space<hbm>>) target(%dma_start3A_153 : memref<640x128xf32, #tpu.memory_space<vmem_shared>>) target_semaphore(%arg14 : memref<!tpu.dma_semaphore, #tpu.memory_space<semaphore_mem>>)
    } else {
    }
    %eq3A_19 = arith.constant 0 : i32
    %eq3A_20 = arith.cmpi eq, %arg0, %eq3A_19 : i32
    %eq3A_21 = arith.constant 15 : i32
    %eq3A_22 = arith.cmpi eq, %arg1, %eq3A_21 : i32
    %and3A_23 = arith.andi %eq3A_20, %eq3A_22 : i1
    %convert_element_type3A_24 = arith.extui %and3A_23 : i1 to i32
    %cond3A_25 = arith.constant 0 : i32
    %cond3A_26 = arith.cmpi ne, %convert_element_type3A_24, %cond3A_25 : i32
    scf.if %cond3A_26 {
      %dma_start3A_148 = arith.constant 9600 : i32
      %dma_start3A_149 = arith.constant 0 : i32
      %dma_start3A_150 = tpu.memref_slice %arg11[%dma_start3A_148, %dma_start3A_149] : memref<10000x128xf32, #tpu.memory_space<vmem_shared>> -> memref<400x128xf32, #tpu.memory_space<vmem_shared>>
      %dma_start3A_151 = arith.constant 9600 : i32
      %dma_start3A_152 = arith.constant 0 : i32
      %dma_start3A_153 = tpu.memref_slice %arg2[%dma_start3A_151, %dma_start3A_152] : memref<10000x128xf32, #tpu.memory_space<hbm>> -> memref<400x128xf32, #tpu.memory_space<hbm>>
      tpu.enqueue_dma source(%dma_start3A_153 : memref<400x128xf32, #tpu.memory_space<hbm>>) target(%dma_start3A_150 : memref<400x128xf32, #tpu.memory_space<vmem_shared>>) target_semaphore(%arg14 : memref<!tpu.dma_semaphore, #tpu.memory_space<semaphore_mem>>)
    } else {
    }
    %ne3A = arith.constant 0 : i32
    %ne3A_27 = arith.cmpi ne, %arg0, %ne3A : i32
    %lt3A_28 = arith.constant 15 : i32
    %lt3A_29 = arith.cmpi slt, %arg1, %lt3A_28 : i32
    %and3A_30 = arith.andi %ne3A_27, %lt3A_29 : i1
    %convert_element_type3A_31 = arith.extui %and3A_30 : i1 to i32
    %cond3A_32 = arith.constant 0 : i32
    %cond3A_33 = arith.cmpi ne, %convert_element_type3A_31, %cond3A_32 : i32
    scf.if %cond3A_33 {
      %mul3A_148 = arith.constant 640 : i32
      %mul3A_149 = arith.muli %arg1, %mul3A_148 : i32
      %dma_start3A_150 = arith.constant 0 : i32
      %dma_start3A_151 = tpu.memref_slice %arg11[%mul3A_149, %dma_start3A_150] : memref<10000x128xf32, #tpu.memory_space<vmem_shared>> -> memref<640x128xf32, #tpu.memory_space<vmem_shared>>
      tpu.enqueue_dma source(%arg5 : memref<640x128xf32, #tpu.memory_space<hbm>>) target(%dma_start3A_151 : memref<640x128xf32, #tpu.memory_space<vmem_shared>>) target_semaphore(%arg14 : memref<!tpu.dma_semaphore, #tpu.memory_space<semaphore_mem>>)
    } else {
    }
    %ne3A_34 = arith.constant 0 : i32
    %ne3A_35 = arith.cmpi ne, %arg0, %ne3A_34 : i32
    %eq3A_36 = arith.constant 15 : i32
    %eq3A_37 = arith.cmpi eq, %arg1, %eq3A_36 : i32
    %and3A_38 = arith.andi %ne3A_35, %eq3A_37 : i1
    %convert_element_type3A_39 = arith.extui %and3A_38 : i1 to i32
    %cond3A_40 = arith.constant 0 : i32
    %cond3A_41 = arith.cmpi ne, %convert_element_type3A_39, %cond3A_40 : i32
    scf.if %cond3A_41 {
      %dma_start3A_148 = arith.constant 9600 : i32
      %dma_start3A_149 = arith.constant 0 : i32
      %dma_start3A_150 = tpu.memref_slice %arg11[%dma_start3A_148, %dma_start3A_149] : memref<10000x128xf32, #tpu.memory_space<vmem_shared>> -> memref<400x128xf32, #tpu.memory_space<vmem_shared>>
      %dma_start3A_151 = arith.constant 0 : i32
      %dma_start3A_152 = arith.constant 0 : i32
      %dma_start3A_153 = tpu.memref_slice %arg5[%dma_start3A_151, %dma_start3A_152] : memref<640x128xf32, #tpu.memory_space<hbm>> -> memref<400x128xf32, #tpu.memory_space<hbm>>
      tpu.enqueue_dma source(%dma_start3A_153 : memref<400x128xf32, #tpu.memory_space<hbm>>) target(%dma_start3A_150 : memref<400x128xf32, #tpu.memory_space<vmem_shared>>) target_semaphore(%arg14 : memref<!tpu.dma_semaphore, #tpu.memory_space<semaphore_mem>>)
    } else {
    }
    %dma_wait3A = arith.constant 0 : i32
    %dma_wait3A_42 = arith.constant 0 : i32
    %dma_wait3A_43 = tpu.memref_slice %arg3[%add3A, %dma_wait3A, %dma_wait3A_42] : memref<32x80x125xi32, #tpu.memory_space<hbm>> -> memref<1x40x125xi32, #tpu.memory_space<hbm>>
    %dma_wait3A_44 = tpu.memref_squeeze %dma_wait3A_43 : memref<1x40x125xi32, #tpu.memory_space<hbm>> -> memref<40x125xi32, #tpu.memory_space<hbm>>
    %dma_wait3A_45 = arith.constant 0 : i32
    %dma_wait3A_46 = arith.constant 0 : i32
    %dma_wait3A_47 = tpu.memref_slice %arg3[%add3A, %dma_wait3A_45, %dma_wait3A_46] : memref<32x80x125xi32, #tpu.memory_space<hbm>> -> memref<1x40x125xi32, #tpu.memory_space<hbm>>
    %dma_wait3A_48 = tpu.memref_squeeze %dma_wait3A_47 : memref<1x40x125xi32, #tpu.memory_space<hbm>> -> memref<40x125xi32, #tpu.memory_space<hbm>>
    tpu.wait_dma2 semaphore(%arg12 : memref<!tpu.dma_semaphore, #tpu.memory_space<semaphore_mem>>) src(%dma_wait3A_48 : memref<40x125xi32, #tpu.memory_space<hbm>>) dst(%arg7 : memref<40x125xi32, #tpu.memory_space<vmem>>)
    %dma_start3A_49 = arith.constant 0 : i32
    %dma_start3A_50 = arith.constant 0 : i32
    %dma_start3A_51 = tpu.memref_slice %arg7[%dma_start3A_49, %dma_start3A_50] : memref<40x125xi32, #tpu.memory_space<vmem>> -> memref<1x125xi32, #tpu.memory_space<vmem>>
    %dma_start3A_52 = tpu.memref_squeeze %dma_start3A_51 : memref<1x125xi32, #tpu.memory_space<vmem>> -> memref<125xi32, #tpu.memory_space<vmem>>
    %dma_start3A_53 = arith.constant 0 : i32
    %dma_start3A_54 = arith.constant 0 : i32
    %dma_start3A_55 = tpu.memref_slice %arg2[%dma_start3A_53, %dma_start3A_54] : memref<10000x128xf32, #tpu.memory_space<hbm>> -> memref<10000x128xf32, #tpu.memory_space<hbm>>
    tpu.enqueue_indirect_dma source(%dma_start3A_55 : memref<10000x128xf32, #tpu.memory_space<hbm>>) target(%arg9 : memref<125x128xf32, #tpu.memory_space<vmem>>) offsets(%dma_start3A_52 : memref<125xi32, #tpu.memory_space<vmem>>) semaphore(%arg12 : memref<!tpu.dma_semaphore, #tpu.memory_space<semaphore_mem>>)
    %dma_start3A_56 = arith.constant 1 : i32
    %dma_start3A_57 = arith.constant 0 : i32
    %dma_start3A_58 = tpu.memref_slice %arg7[%dma_start3A_56, %dma_start3A_57] : memref<40x125xi32, #tpu.memory_space<vmem>> -> memref<1x125xi32, #tpu.memory_space<vmem>>
    %dma_start3A_59 = tpu.memref_squeeze %dma_start3A_58 : memref<1x125xi32, #tpu.memory_space<vmem>> -> memref<125xi32, #tpu.memory_space<vmem>>
    %dma_start3A_60 = arith.constant 0 : i32
    %dma_start3A_61 = arith.constant 0 : i32
    %dma_start3A_62 = tpu.memref_slice %arg2[%dma_start3A_60, %dma_start3A_61] : memref<10000x128xf32, #tpu.memory_space<hbm>> -> memref<10000x128xf32, #tpu.memory_space<hbm>>
    tpu.enqueue_indirect_dma source(%dma_start3A_62 : memref<10000x128xf32, #tpu.memory_space<hbm>>) target(%arg10 : memref<125x128xf32, #tpu.memory_space<vmem>>) offsets(%dma_start3A_59 : memref<125xi32, #tpu.memory_space<vmem>>) semaphore(%arg13 : memref<!tpu.dma_semaphore, #tpu.memory_space<semaphore_mem>>)
    %dma_wait3A_63 = arith.constant 0 : i32
    %dma_wait3A_64 = arith.constant 0 : i32
    %dma_wait3A_65 = tpu.memref_slice %arg4[%add3A, %dma_wait3A_63, %dma_wait3A_64] : memref<32x80x125xi32, #tpu.memory_space<hbm>> -> memref<1x80x125xi32, #tpu.memory_space<hbm>>
    %dma_wait3A_66 = tpu.memref_squeeze %dma_wait3A_65 : memref<1x80x125xi32, #tpu.memory_space<hbm>> -> memref<80x125xi32, #tpu.memory_space<hbm>>
    %dma_wait3A_67 = arith.constant 0 : i32
    %dma_wait3A_68 = arith.constant 0 : i32
    %dma_wait3A_69 = tpu.memref_slice %arg4[%add3A, %dma_wait3A_67, %dma_wait3A_68] : memref<32x80x125xi32, #tpu.memory_space<hbm>> -> memref<1x80x125xi32, #tpu.memory_space<hbm>>
    %dma_wait3A_70 = tpu.memref_squeeze %dma_wait3A_69 : memref<1x80x125xi32, #tpu.memory_space<hbm>> -> memref<80x125xi32, #tpu.memory_space<hbm>>
    tpu.wait_dma2 semaphore(%arg14 : memref<!tpu.dma_semaphore, #tpu.memory_space<semaphore_mem>>) src(%dma_wait3A_70 : memref<80x125xi32, #tpu.memory_space<hbm>>) dst(%arg8 : memref<80x125xi32, #tpu.memory_space<vmem>>)
    %lt3A_71 = arith.constant 15 : i32
    %lt3A_72 = arith.cmpi slt, %arg1, %lt3A_71 : i32
    %convert_element_type3A_73 = arith.extui %lt3A_72 : i1 to i32
    %cond3A_74 = arith.constant 0 : i32
    %cond3A_75 = arith.cmpi ne, %convert_element_type3A_73, %cond3A_74 : i32
    scf.if %cond3A_75 {
      %mul3A_148 = arith.constant 640 : i32
      %mul3A_149 = arith.muli %arg1, %mul3A_148 : i32
      %dma_wait3A_150 = arith.constant 0 : i32
      %dma_wait3A_151 = tpu.memref_slice %arg11[%mul3A_149, %dma_wait3A_150] : memref<10000x128xf32, #tpu.memory_space<vmem_shared>> -> memref<640x128xf32, #tpu.memory_space<vmem_shared>>
      tpu.wait_dma2 semaphore(%arg14 : memref<!tpu.dma_semaphore, #tpu.memory_space<semaphore_mem>>) src(%arg5 : memref<640x128xf32, #tpu.memory_space<hbm>>) dst(%dma_wait3A_151 : memref<640x128xf32, #tpu.memory_space<vmem_shared>>)
    } else {
    }
    %eq3A_76 = arith.constant 15 : i32
    %eq3A_77 = arith.cmpi eq, %arg1, %eq3A_76 : i32
    %convert_element_type3A_78 = arith.extui %eq3A_77 : i1 to i32
    %cond3A_79 = arith.constant 0 : i32
    %cond3A_80 = arith.cmpi ne, %convert_element_type3A_78, %cond3A_79 : i32
    scf.if %cond3A_80 {
      %dma_wait3A_148 = arith.constant 9600 : i32
      %dma_wait3A_149 = arith.constant 0 : i32
      %dma_wait3A_150 = tpu.memref_slice %arg11[%dma_wait3A_148, %dma_wait3A_149] : memref<10000x128xf32, #tpu.memory_space<vmem_shared>> -> memref<400x128xf32, #tpu.memory_space<vmem_shared>>
      %dma_wait3A_151 = arith.constant 0 : i32
      %dma_wait3A_152 = arith.constant 0 : i32
      %dma_wait3A_153 = tpu.memref_slice %arg5[%dma_wait3A_151, %dma_wait3A_152] : memref<640x128xf32, #tpu.memory_space<hbm>> -> memref<400x128xf32, #tpu.memory_space<hbm>>
      tpu.wait_dma2 semaphore(%arg14 : memref<!tpu.dma_semaphore, #tpu.memory_space<semaphore_mem>>) src(%dma_wait3A_153 : memref<400x128xf32, #tpu.memory_space<hbm>>) dst(%dma_wait3A_150 : memref<400x128xf32, #tpu.memory_space<vmem_shared>>)
    } else {
    }
    %barrier3A = arith.constant 0 : index
    tpu.barrier barrier_id(%barrier3A)
    %scan3A = arith.constant 0 : i32
    %scan3A_81 = arith.constant 0 : i32
    %scan3A_82 = arith.constant 19 : i32
    %scan3A_83 = arith.addi %scan3A_81, %scan3A_82 : i32
    %scan3A_84 = arith.constant 1 : i32
    scf.for %scan3A_148 = %scan3A_81 to %scan3A_83 step %scan3A_84  : i32 {
      %dma_wait3A_149 = arith.constant 0 : i32
      %dma_wait3A_150 = arith.constant 0 : i32
      %dma_wait3A_151 = tpu.memref_slice %arg7[%dma_wait3A_149, %dma_wait3A_150] : memref<40x125xi32, #tpu.memory_space<vmem>> -> memref<1x125xi32, #tpu.memory_space<vmem>>
      %dma_wait3A_152 = tpu.memref_squeeze %dma_wait3A_151 : memref<1x125xi32, #tpu.memory_space<vmem>> -> memref<125xi32, #tpu.memory_space<vmem>>
      %dma_wait3A_153 = arith.constant 0 : i32
      %dma_wait3A_154 = arith.constant 0 : i32
      %dma_wait3A_155 = tpu.memref_slice %arg2[%dma_wait3A_153, %dma_wait3A_154] : memref<10000x128xf32, #tpu.memory_space<hbm>> -> memref<10000x128xf32, #tpu.memory_space<hbm>>
      tpu.wait_indirect_dma semaphore(%arg12 : memref<!tpu.dma_semaphore, #tpu.memory_space<semaphore_mem>>) src(%dma_wait3A_155 : memref<10000x128xf32, #tpu.memory_space<hbm>>) dst(%arg9 : memref<125x128xf32, #tpu.memory_space<vmem>>)
      %mul3A_156 = arith.constant 2 : i32
      %mul3A_157 = arith.muli %mul3A_156, %scan3A_148 : i32
      %add3A_158 = arith.constant 0 : i32
      %add3A_159 = arith.addi %add3A_158, %mul3A_157 : i32
      "tpu.region"() ({
        %run_scoped3A_193 = tpu.sem_alloc : memref<!tpu.dma_semaphore, #tpu.memory_space<semaphore_mem>>
        %dma_start3A_194 = arith.constant 0 : i32
        %dma_start3A_195 = tpu.memref_slice %arg8[%add3A_159, %dma_start3A_194] : memref<80x125xi32, #tpu.memory_space<vmem>> -> memref<1x125xi32, #tpu.memory_space<vmem>>
        %dma_start3A_196 = tpu.memref_squeeze %dma_start3A_195 : memref<1x125xi32, #tpu.memory_space<vmem>> -> memref<125xi32, #tpu.memory_space<vmem>>
        %dma_start3A_197 = arith.constant 0 : i32
        %dma_start3A_198 = arith.constant 0 : i32
        %dma_start3A_199 = tpu.memref_slice %arg11[%dma_start3A_197, %dma_start3A_198] : memref<10000x128xf32, #tpu.memory_space<vmem_shared>> -> memref<10000x128xf32, #tpu.memory_space<vmem_shared>>
        tpu.enqueue_indirect_dma source(%arg9 : memref<125x128xf32, #tpu.memory_space<vmem>>) target(%dma_start3A_199 : memref<10000x128xf32, #tpu.memory_space<vmem_shared>>) offsets(%dma_start3A_196 : memref<125xi32, #tpu.memory_space<vmem>>) semaphore(%run_scoped3A_193 : memref<!tpu.dma_semaphore, #tpu.memory_space<semaphore_mem>>) {add = true}
        %dma_wait3A_200 = arith.constant 0 : i32
        %dma_wait3A_201 = tpu.memref_slice %arg8[%add3A_159, %dma_wait3A_200] : memref<80x125xi32, #tpu.memory_space<vmem>> -> memref<1x125xi32, #tpu.memory_space<vmem>>
        %dma_wait3A_202 = tpu.memref_squeeze %dma_wait3A_201 : memref<1x125xi32, #tpu.memory_space<vmem>> -> memref<125xi32, #tpu.memory_space<vmem>>
        %dma_wait3A_203 = arith.constant 0 : i32
        %dma_wait3A_204 = arith.constant 0 : i32
        %dma_wait3A_205 = tpu.memref_slice %arg11[%dma_wait3A_203, %dma_wait3A_204] : memref<10000x128xf32, #tpu.memory_space<vmem_shared>> -> memref<10000x128xf32, #tpu.memory_space<vmem_shared>>
        tpu.wait_indirect_dma semaphore(%run_scoped3A_193 : memref<!tpu.dma_semaphore, #tpu.memory_space<semaphore_mem>>) src(%arg9 : memref<125x128xf32, #tpu.memory_space<vmem>>) dst(%dma_wait3A_205 : memref<10000x128xf32, #tpu.memory_space<vmem_shared>>)
        tpu.yield
      }) : () -> ()
      %mul3A_160 = arith.constant 2 : i32
      %mul3A_161 = arith.muli %mul3A_160, %scan3A_148 : i32
      %add3A_162 = arith.constant 2 : i32
      %add3A_163 = arith.addi %mul3A_161, %add3A_162 : i32
      %dma_start3A_164 = arith.constant 0 : i32
      %dma_start3A_165 = tpu.memref_slice %arg7[%add3A_163, %dma_start3A_164] : memref<40x125xi32, #tpu.memory_space<vmem>> -> memref<1x125xi32, #tpu.memory_space<vmem>>
      %dma_start3A_166 = tpu.memref_squeeze %dma_start3A_165 : memref<1x125xi32, #tpu.memory_space<vmem>> -> memref<125xi32, #tpu.memory_space<vmem>>
      %dma_start3A_167 = arith.constant 0 : i32
      %dma_start3A_168 = arith.constant 0 : i32
      %dma_start3A_169 = tpu.memref_slice %arg2[%dma_start3A_167, %dma_start3A_168] : memref<10000x128xf32, #tpu.memory_space<hbm>> -> memref<10000x128xf32, #tpu.memory_space<hbm>>
      tpu.enqueue_indirect_dma source(%dma_start3A_169 : memref<10000x128xf32, #tpu.memory_space<hbm>>) target(%arg9 : memref<125x128xf32, #tpu.memory_space<vmem>>) offsets(%dma_start3A_166 : memref<125xi32, #tpu.memory_space<vmem>>) semaphore(%arg12 : memref<!tpu.dma_semaphore, #tpu.memory_space<semaphore_mem>>)
      %dma_wait3A_170 = arith.constant 0 : i32
      %dma_wait3A_171 = arith.constant 0 : i32
      %dma_wait3A_172 = tpu.memref_slice %arg7[%dma_wait3A_170, %dma_wait3A_171] : memref<40x125xi32, #tpu.memory_space<vmem>> -> memref<1x125xi32, #tpu.memory_space<vmem>>
      %dma_wait3A_173 = tpu.memref_squeeze %dma_wait3A_172 : memref<1x125xi32, #tpu.memory_space<vmem>> -> memref<125xi32, #tpu.memory_space<vmem>>
      %dma_wait3A_174 = arith.constant 0 : i32
      %dma_wait3A_175 = arith.constant 0 : i32
      %dma_wait3A_176 = tpu.memref_slice %arg2[%dma_wait3A_174, %dma_wait3A_175] : memref<10000x128xf32, #tpu.memory_space<hbm>> -> memref<10000x128xf32, #tpu.memory_space<hbm>>
      tpu.wait_indirect_dma semaphore(%arg13 : memref<!tpu.dma_semaphore, #tpu.memory_space<semaphore_mem>>) src(%dma_wait3A_176 : memref<10000x128xf32, #tpu.memory_space<hbm>>) dst(%arg10 : memref<125x128xf32, #tpu.memory_space<vmem>>)
      %mul3A_177 = arith.constant 2 : i32
      %mul3A_178 = arith.muli %mul3A_177, %scan3A_148 : i32
      %add3A_179 = arith.constant 0 : i32
      %add3A_180 = arith.addi %add3A_179, %mul3A_178 : i32
      %add3A_181 = arith.constant 1 : i32
      %add3A_182 = arith.addi %add3A_180, %add3A_181 : i32
      "tpu.region"() ({
        %run_scoped3A_193 = tpu.sem_alloc : memref<!tpu.dma_semaphore, #tpu.memory_space<semaphore_mem>>
        %dma_start3A_194 = arith.constant 0 : i32
        %dma_start3A_195 = tpu.memref_slice %arg8[%add3A_182, %dma_start3A_194] : memref<80x125xi32, #tpu.memory_space<vmem>> -> memref<1x125xi32, #tpu.memory_space<vmem>>
        %dma_start3A_196 = tpu.memref_squeeze %dma_start3A_195 : memref<1x125xi32, #tpu.memory_space<vmem>> -> memref<125xi32, #tpu.memory_space<vmem>>
        %dma_start3A_197 = arith.constant 0 : i32
        %dma_start3A_198 = arith.constant 0 : i32
        %dma_start3A_199 = tpu.memref_slice %arg11[%dma_start3A_197, %dma_start3A_198] : memref<10000x128xf32, #tpu.memory_space<vmem_shared>> -> memref<10000x128xf32, #tpu.memory_space<vmem_shared>>
        tpu.enqueue_indirect_dma source(%arg10 : memref<125x128xf32, #tpu.memory_space<vmem>>) target(%dma_start3A_199 : memref<10000x128xf32, #tpu.memory_space<vmem_shared>>) offsets(%dma_start3A_196 : memref<125xi32, #tpu.memory_space<vmem>>) semaphore(%run_scoped3A_193 : memref<!tpu.dma_semaphore, #tpu.memory_space<semaphore_mem>>) {add = true}
        %dma_wait3A_200 = arith.constant 0 : i32
        %dma_wait3A_201 = tpu.memref_slice %arg8[%add3A_182, %dma_wait3A_200] : memref<80x125xi32, #tpu.memory_space<vmem>> -> memref<1x125xi32, #tpu.memory_space<vmem>>
        %dma_wait3A_202 = tpu.memref_squeeze %dma_wait3A_201 : memref<1x125xi32, #tpu.memory_space<vmem>> -> memref<125xi32, #tpu.memory_space<vmem>>
        %dma_wait3A_203 = arith.constant 0 : i32
        %dma_wait3A_204 = arith.constant 0 : i32
        %dma_wait3A_205 = tpu.memref_slice %arg11[%dma_wait3A_203, %dma_wait3A_204] : memref<10000x128xf32, #tpu.memory_space<vmem_shared>> -> memref<10000x128xf32, #tpu.memory_space<vmem_shared>>
        tpu.wait_indirect_dma semaphore(%run_scoped3A_193 : memref<!tpu.dma_semaphore, #tpu.memory_space<semaphore_mem>>) src(%arg10 : memref<125x128xf32, #tpu.memory_space<vmem>>) dst(%dma_wait3A_205 : memref<10000x128xf32, #tpu.memory_space<vmem_shared>>)
        tpu.yield
      }) : () -> ()
      %mul3A_183 = arith.constant 2 : i32
      %mul3A_184 = arith.muli %mul3A_183, %scan3A_148 : i32
      %add3A_185 = arith.constant 3 : i32
      %add3A_186 = arith.addi %mul3A_184, %add3A_185 : i32
      %dma_start3A_187 = arith.constant 0 : i32
      %dma_start3A_188 = tpu.memref_slice %arg7[%add3A_186, %dma_start3A_187] : memref<40x125xi32, #tpu.memory_space<vmem>> -> memref<1x125xi32, #tpu.memory_space<vmem>>
      %dma_start3A_189 = tpu.memref_squeeze %dma_start3A_188 : memref<1x125xi32, #tpu.memory_space<vmem>> -> memref<125xi32, #tpu.memory_space<vmem>>
      %dma_start3A_190 = arith.constant 0 : i32
      %dma_start3A_191 = arith.constant 0 : i32
      %dma_start3A_192 = tpu.memref_slice %arg2[%dma_start3A_190, %dma_start3A_191] : memref<10000x128xf32, #tpu.memory_space<hbm>> -> memref<10000x128xf32, #tpu.memory_space<hbm>>
      tpu.enqueue_indirect_dma source(%dma_start3A_192 : memref<10000x128xf32, #tpu.memory_space<hbm>>) target(%arg10 : memref<125x128xf32, #tpu.memory_space<vmem>>) offsets(%dma_start3A_189 : memref<125xi32, #tpu.memory_space<vmem>>) semaphore(%arg13 : memref<!tpu.dma_semaphore, #tpu.memory_space<semaphore_mem>>)
    }
    %scan3A_85 = arith.constant 19 : i32
    %dma_wait3A_86 = arith.constant 0 : i32
    %dma_wait3A_87 = arith.constant 0 : i32
    %dma_wait3A_88 = tpu.memref_slice %arg7[%dma_wait3A_86, %dma_wait3A_87] : memref<40x125xi32, #tpu.memory_space<vmem>> -> memref<1x125xi32, #tpu.memory_space<vmem>>
    %dma_wait3A_89 = tpu.memref_squeeze %dma_wait3A_88 : memref<1x125xi32, #tpu.memory_space<vmem>> -> memref<125xi32, #tpu.memory_space<vmem>>
    %dma_wait3A_90 = arith.constant 0 : i32
    %dma_wait3A_91 = arith.constant 0 : i32
    %dma_wait3A_92 = tpu.memref_slice %arg2[%dma_wait3A_90, %dma_wait3A_91] : memref<10000x128xf32, #tpu.memory_space<hbm>> -> memref<10000x128xf32, #tpu.memory_space<hbm>>
    tpu.wait_indirect_dma semaphore(%arg12 : memref<!tpu.dma_semaphore, #tpu.memory_space<semaphore_mem>>) src(%dma_wait3A_92 : memref<10000x128xf32, #tpu.memory_space<hbm>>) dst(%arg9 : memref<125x128xf32, #tpu.memory_space<vmem>>)
    %run_scoped3A = arith.constant 38 : i32
    "tpu.region"() ({
      %run_scoped3A_148 = tpu.sem_alloc : memref<!tpu.dma_semaphore, #tpu.memory_space<semaphore_mem>>
      %dma_start3A_149 = arith.constant 0 : i32
      %dma_start3A_150 = tpu.memref_slice %arg8[%run_scoped3A, %dma_start3A_149] : memref<80x125xi32, #tpu.memory_space<vmem>> -> memref<1x125xi32, #tpu.memory_space<vmem>>
      %dma_start3A_151 = tpu.memref_squeeze %dma_start3A_150 : memref<1x125xi32, #tpu.memory_space<vmem>> -> memref<125xi32, #tpu.memory_space<vmem>>
      %dma_start3A_152 = arith.constant 0 : i32
      %dma_start3A_153 = arith.constant 0 : i32
      %dma_start3A_154 = tpu.memref_slice %arg11[%dma_start3A_152, %dma_start3A_153] : memref<10000x128xf32, #tpu.memory_space<vmem_shared>> -> memref<10000x128xf32, #tpu.memory_space<vmem_shared>>
      tpu.enqueue_indirect_dma source(%arg9 : memref<125x128xf32, #tpu.memory_space<vmem>>) target(%dma_start3A_154 : memref<10000x128xf32, #tpu.memory_space<vmem_shared>>) offsets(%dma_start3A_151 : memref<125xi32, #tpu.memory_space<vmem>>) semaphore(%run_scoped3A_148 : memref<!tpu.dma_semaphore, #tpu.memory_space<semaphore_mem>>) {add = true}
      %dma_wait3A_155 = arith.constant 0 : i32
      %dma_wait3A_156 = tpu.memref_slice %arg8[%run_scoped3A, %dma_wait3A_155] : memref<80x125xi32, #tpu.memory_space<vmem>> -> memref<1x125xi32, #tpu.memory_space<vmem>>
      %dma_wait3A_157 = tpu.memref_squeeze %dma_wait3A_156 : memref<1x125xi32, #tpu.memory_space<vmem>> -> memref<125xi32, #tpu.memory_space<vmem>>
      %dma_wait3A_158 = arith.constant 0 : i32
      %dma_wait3A_159 = arith.constant 0 : i32
      %dma_wait3A_160 = tpu.memref_slice %arg11[%dma_wait3A_158, %dma_wait3A_159] : memref<10000x128xf32, #tpu.memory_space<vmem_shared>> -> memref<10000x128xf32, #tpu.memory_space<vmem_shared>>
      tpu.wait_indirect_dma semaphore(%run_scoped3A_148 : memref<!tpu.dma_semaphore, #tpu.memory_space<semaphore_mem>>) src(%arg9 : memref<125x128xf32, #tpu.memory_space<vmem>>) dst(%dma_wait3A_160 : memref<10000x128xf32, #tpu.memory_space<vmem_shared>>)
      tpu.yield
    }) : () -> ()
    %dma_wait3A_93 = arith.constant 0 : i32
    %dma_wait3A_94 = arith.constant 0 : i32
    %dma_wait3A_95 = tpu.memref_slice %arg7[%dma_wait3A_93, %dma_wait3A_94] : memref<40x125xi32, #tpu.memory_space<vmem>> -> memref<1x125xi32, #tpu.memory_space<vmem>>
    %dma_wait3A_96 = tpu.memref_squeeze %dma_wait3A_95 : memref<1x125xi32, #tpu.memory_space<vmem>> -> memref<125xi32, #tpu.memory_space<vmem>>
    %dma_wait3A_97 = arith.constant 0 : i32
    %dma_wait3A_98 = arith.constant 0 : i32
    %dma_wait3A_99 = tpu.memref_slice %arg2[%dma_wait3A_97, %dma_wait3A_98] : memref<10000x128xf32, #tpu.memory_space<hbm>> -> memref<10000x128xf32, #tpu.memory_space<hbm>>
    tpu.wait_indirect_dma semaphore(%arg13 : memref<!tpu.dma_semaphore, #tpu.memory_space<semaphore_mem>>) src(%dma_wait3A_99 : memref<10000x128xf32, #tpu.memory_space<hbm>>) dst(%arg10 : memref<125x128xf32, #tpu.memory_space<vmem>>)
    %run_scoped3A_100 = arith.constant 39 : i32
    "tpu.region"() ({
      %run_scoped3A_148 = tpu.sem_alloc : memref<!tpu.dma_semaphore, #tpu.memory_space<semaphore_mem>>
      %dma_start3A_149 = arith.constant 0 : i32
      %dma_start3A_150 = tpu.memref_slice %arg8[%run_scoped3A_100, %dma_start3A_149] : memref<80x125xi32, #tpu.memory_space<vmem>> -> memref<1x125xi32, #tpu.memory_space<vmem>>
      %dma_start3A_151 = tpu.memref_squeeze %dma_start3A_150 : memref<1x125xi32, #tpu.memory_space<vmem>> -> memref<125xi32, #tpu.memory_space<vmem>>
      %dma_start3A_152 = arith.constant 0 : i32
      %dma_start3A_153 = arith.constant 0 : i32
      %dma_start3A_154 = tpu.memref_slice %arg11[%dma_start3A_152, %dma_start3A_153] : memref<10000x128xf32, #tpu.memory_space<vmem_shared>> -> memref<10000x128xf32, #tpu.memory_space<vmem_shared>>
      tpu.enqueue_indirect_dma source(%arg10 : memref<125x128xf32, #tpu.memory_space<vmem>>) target(%dma_start3A_154 : memref<10000x128xf32, #tpu.memory_space<vmem_shared>>) offsets(%dma_start3A_151 : memref<125xi32, #tpu.memory_space<vmem>>) semaphore(%run_scoped3A_148 : memref<!tpu.dma_semaphore, #tpu.memory_space<semaphore_mem>>) {add = true}
      %dma_wait3A_155 = arith.constant 0 : i32
      %dma_wait3A_156 = tpu.memref_slice %arg8[%run_scoped3A_100, %dma_wait3A_155] : memref<80x125xi32, #tpu.memory_space<vmem>> -> memref<1x125xi32, #tpu.memory_space<vmem>>
      %dma_wait3A_157 = tpu.memref_squeeze %dma_wait3A_156 : memref<1x125xi32, #tpu.memory_space<vmem>> -> memref<125xi32, #tpu.memory_space<vmem>>
      %dma_wait3A_158 = arith.constant 0 : i32
      %dma_wait3A_159 = arith.constant 0 : i32
      %dma_wait3A_160 = tpu.memref_slice %arg11[%dma_wait3A_158, %dma_wait3A_159] : memref<10000x128xf32, #tpu.memory_space<vmem_shared>> -> memref<10000x128xf32, #tpu.memory_space<vmem_shared>>
      tpu.wait_indirect_dma semaphore(%run_scoped3A_148 : memref<!tpu.dma_semaphore, #tpu.memory_space<semaphore_mem>>) src(%arg10 : memref<125x128xf32, #tpu.memory_space<vmem>>) dst(%dma_wait3A_160 : memref<10000x128xf32, #tpu.memory_space<vmem_shared>>)
      tpu.yield
    }) : () -> ()
    "tpu.region"() ({
      %run_scoped3A_148 = tpu.sem_alloc : memref<!tpu.dma_semaphore, #tpu.memory_space<semaphore_mem>>
      %dma_start3A_149 = arith.constant 40 : i32
      %dma_start3A_150 = arith.constant 0 : i32
      %dma_start3A_151 = tpu.memref_slice %arg3[%add3A, %dma_start3A_149, %dma_start3A_150] : memref<32x80x125xi32, #tpu.memory_space<hbm>> -> memref<1x40x125xi32, #tpu.memory_space<hbm>>
      %dma_start3A_152 = tpu.memref_squeeze %dma_start3A_151 : memref<1x40x125xi32, #tpu.memory_space<hbm>> -> memref<40x125xi32, #tpu.memory_space<hbm>>
      %dma_start3A_153 = arith.constant 40 : i32
      %dma_start3A_154 = arith.constant 0 : i32
      %dma_start3A_155 = tpu.memref_slice %arg3[%add3A, %dma_start3A_153, %dma_start3A_154] : memref<32x80x125xi32, #tpu.memory_space<hbm>> -> memref<1x40x125xi32, #tpu.memory_space<hbm>>
      %dma_start3A_156 = tpu.memref_squeeze %dma_start3A_155 : memref<1x40x125xi32, #tpu.memory_space<hbm>> -> memref<40x125xi32, #tpu.memory_space<hbm>>
      tpu.enqueue_dma source(%dma_start3A_156 : memref<40x125xi32, #tpu.memory_space<hbm>>) target(%arg7 : memref<40x125xi32, #tpu.memory_space<vmem>>) target_semaphore(%run_scoped3A_148 : memref<!tpu.dma_semaphore, #tpu.memory_space<semaphore_mem>>)
      %dma_wait3A_157 = arith.constant 40 : i32
      %dma_wait3A_158 = arith.constant 0 : i32
      %dma_wait3A_159 = tpu.memref_slice %arg3[%add3A, %dma_wait3A_157, %dma_wait3A_158] : memref<32x80x125xi32, #tpu.memory_space<hbm>> -> memref<1x40x125xi32, #tpu.memory_space<hbm>>
      %dma_wait3A_160 = tpu.memref_squeeze %dma_wait3A_159 : memref<1x40x125xi32, #tpu.memory_space<hbm>> -> memref<40x125xi32, #tpu.memory_space<hbm>>
      %dma_wait3A_161 = arith.constant 40 : i32
      %dma_wait3A_162 = arith.constant 0 : i32
      %dma_wait3A_163 = tpu.memref_slice %arg3[%add3A, %dma_wait3A_161, %dma_wait3A_162] : memref<32x80x125xi32, #tpu.memory_space<hbm>> -> memref<1x40x125xi32, #tpu.memory_space<hbm>>
      %dma_wait3A_164 = tpu.memref_squeeze %dma_wait3A_163 : memref<1x40x125xi32, #tpu.memory_space<hbm>> -> memref<40x125xi32, #tpu.memory_space<hbm>>
      tpu.wait_dma2 semaphore(%run_scoped3A_148 : memref<!tpu.dma_semaphore, #tpu.memory_space<semaphore_mem>>) src(%dma_wait3A_164 : memref<40x125xi32, #tpu.memory_space<hbm>>) dst(%arg7 : memref<40x125xi32, #tpu.memory_space<vmem>>)
      tpu.yield
    }) : () -> ()
    %dma_start3A_101 = arith.constant 0 : i32
    %dma_start3A_102 = arith.constant 0 : i32
    %dma_start3A_103 = tpu.memref_slice %arg7[%dma_start3A_101, %dma_start3A_102] : memref<40x125xi32, #tpu.memory_space<vmem>> -> memref<1x125xi32, #tpu.memory_space<vmem>>
    %dma_start3A_104 = tpu.memref_squeeze %dma_start3A_103 : memref<1x125xi32, #tpu.memory_space<vmem>> -> memref<125xi32, #tpu.memory_space<vmem>>
    %dma_start3A_105 = arith.constant 0 : i32
    %dma_start3A_106 = arith.constant 0 : i32
    %dma_start3A_107 = tpu.memref_slice %arg2[%dma_start3A_105, %dma_start3A_106] : memref<10000x128xf32, #tpu.memory_space<hbm>> -> memref<10000x128xf32, #tpu.memory_space<hbm>>
    tpu.enqueue_indirect_dma source(%dma_start3A_107 : memref<10000x128xf32, #tpu.memory_space<hbm>>) target(%arg9 : memref<125x128xf32, #tpu.memory_space<vmem>>) offsets(%dma_start3A_104 : memref<125xi32, #tpu.memory_space<vmem>>) semaphore(%arg12 : memref<!tpu.dma_semaphore, #tpu.memory_space<semaphore_mem>>)
    %dma_start3A_108 = arith.constant 1 : i32
    %dma_start3A_109 = arith.constant 0 : i32
    %dma_start3A_110 = tpu.memref_slice %arg7[%dma_start3A_108, %dma_start3A_109] : memref<40x125xi32, #tpu.memory_space<vmem>> -> memref<1x125xi32, #tpu.memory_space<vmem>>
    %dma_start3A_111 = tpu.memref_squeeze %dma_start3A_110 : memref<1x125xi32, #tpu.memory_space<vmem>> -> memref<125xi32, #tpu.memory_space<vmem>>
    %dma_start3A_112 = arith.constant 0 : i32
    %dma_start3A_113 = arith.constant 0 : i32
    %dma_start3A_114 = tpu.memref_slice %arg2[%dma_start3A_112, %dma_start3A_113] : memref<10000x128xf32, #tpu.memory_space<hbm>> -> memref<10000x128xf32, #tpu.memory_space<hbm>>
    tpu.enqueue_indirect_dma source(%dma_start3A_114 : memref<10000x128xf32, #tpu.memory_space<hbm>>) target(%arg10 : memref<125x128xf32, #tpu.memory_space<vmem>>) offsets(%dma_start3A_111 : memref<125xi32, #tpu.memory_space<vmem>>) semaphore(%arg13 : memref<!tpu.dma_semaphore, #tpu.memory_space<semaphore_mem>>)
    %scan3A_115 = arith.constant 0 : i32
    %scan3A_116 = arith.constant 0 : i32
    %scan3A_117 = arith.constant 19 : i32
    %scan3A_118 = arith.addi %scan3A_116, %scan3A_117 : i32
    %scan3A_119 = arith.constant 1 : i32
    scf.for %scan3A_148 = %scan3A_116 to %scan3A_118 step %scan3A_119  : i32 {
      %dma_wait3A_149 = arith.constant 0 : i32
      %dma_wait3A_150 = arith.constant 0 : i32
      %dma_wait3A_151 = tpu.memref_slice %arg7[%dma_wait3A_149, %dma_wait3A_150] : memref<40x125xi32, #tpu.memory_space<vmem>> -> memref<1x125xi32, #tpu.memory_space<vmem>>
      %dma_wait3A_152 = tpu.memref_squeeze %dma_wait3A_151 : memref<1x125xi32, #tpu.memory_space<vmem>> -> memref<125xi32, #tpu.memory_space<vmem>>
      %dma_wait3A_153 = arith.constant 0 : i32
      %dma_wait3A_154 = arith.constant 0 : i32
      %dma_wait3A_155 = tpu.memref_slice %arg2[%dma_wait3A_153, %dma_wait3A_154] : memref<10000x128xf32, #tpu.memory_space<hbm>> -> memref<10000x128xf32, #tpu.memory_space<hbm>>
      tpu.wait_indirect_dma semaphore(%arg12 : memref<!tpu.dma_semaphore, #tpu.memory_space<semaphore_mem>>) src(%dma_wait3A_155 : memref<10000x128xf32, #tpu.memory_space<hbm>>) dst(%arg9 : memref<125x128xf32, #tpu.memory_space<vmem>>)
      %mul3A_156 = arith.constant 2 : i32
      %mul3A_157 = arith.muli %mul3A_156, %scan3A_148 : i32
      %add3A_158 = arith.constant 40 : i32
      %add3A_159 = arith.addi %add3A_158, %mul3A_157 : i32
      "tpu.region"() ({
        %run_scoped3A_193 = tpu.sem_alloc : memref<!tpu.dma_semaphore, #tpu.memory_space<semaphore_mem>>
        %dma_start3A_194 = arith.constant 0 : i32
        %dma_start3A_195 = tpu.memref_slice %arg8[%add3A_159, %dma_start3A_194] : memref<80x125xi32, #tpu.memory_space<vmem>> -> memref<1x125xi32, #tpu.memory_space<vmem>>
        %dma_start3A_196 = tpu.memref_squeeze %dma_start3A_195 : memref<1x125xi32, #tpu.memory_space<vmem>> -> memref<125xi32, #tpu.memory_space<vmem>>
        %dma_start3A_197 = arith.constant 0 : i32
        %dma_start3A_198 = arith.constant 0 : i32
        %dma_start3A_199 = tpu.memref_slice %arg11[%dma_start3A_197, %dma_start3A_198] : memref<10000x128xf32, #tpu.memory_space<vmem_shared>> -> memref<10000x128xf32, #tpu.memory_space<vmem_shared>>
        tpu.enqueue_indirect_dma source(%arg9 : memref<125x128xf32, #tpu.memory_space<vmem>>) target(%dma_start3A_199 : memref<10000x128xf32, #tpu.memory_space<vmem_shared>>) offsets(%dma_start3A_196 : memref<125xi32, #tpu.memory_space<vmem>>) semaphore(%run_scoped3A_193 : memref<!tpu.dma_semaphore, #tpu.memory_space<semaphore_mem>>) {add = true}
        %dma_wait3A_200 = arith.constant 0 : i32
        %dma_wait3A_201 = tpu.memref_slice %arg8[%add3A_159, %dma_wait3A_200] : memref<80x125xi32, #tpu.memory_space<vmem>> -> memref<1x125xi32, #tpu.memory_space<vmem>>
        %dma_wait3A_202 = tpu.memref_squeeze %dma_wait3A_201 : memref<1x125xi32, #tpu.memory_space<vmem>> -> memref<125xi32, #tpu.memory_space<vmem>>
        %dma_wait3A_203 = arith.constant 0 : i32
        %dma_wait3A_204 = arith.constant 0 : i32
        %dma_wait3A_205 = tpu.memref_slice %arg11[%dma_wait3A_203, %dma_wait3A_204] : memref<10000x128xf32, #tpu.memory_space<vmem_shared>> -> memref<10000x128xf32, #tpu.memory_space<vmem_shared>>
        tpu.wait_indirect_dma semaphore(%run_scoped3A_193 : memref<!tpu.dma_semaphore, #tpu.memory_space<semaphore_mem>>) src(%arg9 : memref<125x128xf32, #tpu.memory_space<vmem>>) dst(%dma_wait3A_205 : memref<10000x128xf32, #tpu.memory_space<vmem_shared>>)
        tpu.yield
      }) : () -> ()
      %mul3A_160 = arith.constant 2 : i32
      %mul3A_161 = arith.muli %mul3A_160, %scan3A_148 : i32
      %add3A_162 = arith.constant 2 : i32
      %add3A_163 = arith.addi %mul3A_161, %add3A_162 : i32
      %dma_start3A_164 = arith.constant 0 : i32
      %dma_start3A_165 = tpu.memref_slice %arg7[%add3A_163, %dma_start3A_164] : memref<40x125xi32, #tpu.memory_space<vmem>> -> memref<1x125xi32, #tpu.memory_space<vmem>>
      %dma_start3A_166 = tpu.memref_squeeze %dma_start3A_165 : memref<1x125xi32, #tpu.memory_space<vmem>> -> memref<125xi32, #tpu.memory_space<vmem>>
      %dma_start3A_167 = arith.constant 0 : i32
      %dma_start3A_168 = arith.constant 0 : i32
      %dma_start3A_169 = tpu.memref_slice %arg2[%dma_start3A_167, %dma_start3A_168] : memref<10000x128xf32, #tpu.memory_space<hbm>> -> memref<10000x128xf32, #tpu.memory_space<hbm>>
      tpu.enqueue_indirect_dma source(%dma_start3A_169 : memref<10000x128xf32, #tpu.memory_space<hbm>>) target(%arg9 : memref<125x128xf32, #tpu.memory_space<vmem>>) offsets(%dma_start3A_166 : memref<125xi32, #tpu.memory_space<vmem>>) semaphore(%arg12 : memref<!tpu.dma_semaphore, #tpu.memory_space<semaphore_mem>>)
      %dma_wait3A_170 = arith.constant 0 : i32
      %dma_wait3A_171 = arith.constant 0 : i32
      %dma_wait3A_172 = tpu.memref_slice %arg7[%dma_wait3A_170, %dma_wait3A_171] : memref<40x125xi32, #tpu.memory_space<vmem>> -> memref<1x125xi32, #tpu.memory_space<vmem>>
      %dma_wait3A_173 = tpu.memref_squeeze %dma_wait3A_172 : memref<1x125xi32, #tpu.memory_space<vmem>> -> memref<125xi32, #tpu.memory_space<vmem>>
      %dma_wait3A_174 = arith.constant 0 : i32
      %dma_wait3A_175 = arith.constant 0 : i32
      %dma_wait3A_176 = tpu.memref_slice %arg2[%dma_wait3A_174, %dma_wait3A_175] : memref<10000x128xf32, #tpu.memory_space<hbm>> -> memref<10000x128xf32, #tpu.memory_space<hbm>>
      tpu.wait_indirect_dma semaphore(%arg13 : memref<!tpu.dma_semaphore, #tpu.memory_space<semaphore_mem>>) src(%dma_wait3A_176 : memref<10000x128xf32, #tpu.memory_space<hbm>>) dst(%arg10 : memref<125x128xf32, #tpu.memory_space<vmem>>)
      %mul3A_177 = arith.constant 2 : i32
      %mul3A_178 = arith.muli %mul3A_177, %scan3A_148 : i32
      %add3A_179 = arith.constant 40 : i32
      %add3A_180 = arith.addi %add3A_179, %mul3A_178 : i32
      %add3A_181 = arith.constant 1 : i32
      %add3A_182 = arith.addi %add3A_180, %add3A_181 : i32
      "tpu.region"() ({
        %run_scoped3A_193 = tpu.sem_alloc : memref<!tpu.dma_semaphore, #tpu.memory_space<semaphore_mem>>
        %dma_start3A_194 = arith.constant 0 : i32
        %dma_start3A_195 = tpu.memref_slice %arg8[%add3A_182, %dma_start3A_194] : memref<80x125xi32, #tpu.memory_space<vmem>> -> memref<1x125xi32, #tpu.memory_space<vmem>>
        %dma_start3A_196 = tpu.memref_squeeze %dma_start3A_195 : memref<1x125xi32, #tpu.memory_space<vmem>> -> memref<125xi32, #tpu.memory_space<vmem>>
        %dma_start3A_197 = arith.constant 0 : i32
        %dma_start3A_198 = arith.constant 0 : i32
        %dma_start3A_199 = tpu.memref_slice %arg11[%dma_start3A_197, %dma_start3A_198] : memref<10000x128xf32, #tpu.memory_space<vmem_shared>> -> memref<10000x128xf32, #tpu.memory_space<vmem_shared>>
        tpu.enqueue_indirect_dma source(%arg10 : memref<125x128xf32, #tpu.memory_space<vmem>>) target(%dma_start3A_199 : memref<10000x128xf32, #tpu.memory_space<vmem_shared>>) offsets(%dma_start3A_196 : memref<125xi32, #tpu.memory_space<vmem>>) semaphore(%run_scoped3A_193 : memref<!tpu.dma_semaphore, #tpu.memory_space<semaphore_mem>>) {add = true}
        %dma_wait3A_200 = arith.constant 0 : i32
        %dma_wait3A_201 = tpu.memref_slice %arg8[%add3A_182, %dma_wait3A_200] : memref<80x125xi32, #tpu.memory_space<vmem>> -> memref<1x125xi32, #tpu.memory_space<vmem>>
        %dma_wait3A_202 = tpu.memref_squeeze %dma_wait3A_201 : memref<1x125xi32, #tpu.memory_space<vmem>> -> memref<125xi32, #tpu.memory_space<vmem>>
        %dma_wait3A_203 = arith.constant 0 : i32
        %dma_wait3A_204 = arith.constant 0 : i32
        %dma_wait3A_205 = tpu.memref_slice %arg11[%dma_wait3A_203, %dma_wait3A_204] : memref<10000x128xf32, #tpu.memory_space<vmem_shared>> -> memref<10000x128xf32, #tpu.memory_space<vmem_shared>>
        tpu.wait_indirect_dma semaphore(%run_scoped3A_193 : memref<!tpu.dma_semaphore, #tpu.memory_space<semaphore_mem>>) src(%arg10 : memref<125x128xf32, #tpu.memory_space<vmem>>) dst(%dma_wait3A_205 : memref<10000x128xf32, #tpu.memory_space<vmem_shared>>)
        tpu.yield
      }) : () -> ()
      %mul3A_183 = arith.constant 2 : i32
      %mul3A_184 = arith.muli %mul3A_183, %scan3A_148 : i32
      %add3A_185 = arith.constant 3 : i32
      %add3A_186 = arith.addi %mul3A_184, %add3A_185 : i32
      %dma_start3A_187 = arith.constant 0 : i32
      %dma_start3A_188 = tpu.memref_slice %arg7[%add3A_186, %dma_start3A_187] : memref<40x125xi32, #tpu.memory_space<vmem>> -> memref<1x125xi32, #tpu.memory_space<vmem>>
      %dma_start3A_189 = tpu.memref_squeeze %dma_start3A_188 : memref<1x125xi32, #tpu.memory_space<vmem>> -> memref<125xi32, #tpu.memory_space<vmem>>
      %dma_start3A_190 = arith.constant 0 : i32
      %dma_start3A_191 = arith.constant 0 : i32
      %dma_start3A_192 = tpu.memref_slice %arg2[%dma_start3A_190, %dma_start3A_191] : memref<10000x128xf32, #tpu.memory_space<hbm>> -> memref<10000x128xf32, #tpu.memory_space<hbm>>
      tpu.enqueue_indirect_dma source(%dma_start3A_192 : memref<10000x128xf32, #tpu.memory_space<hbm>>) target(%arg10 : memref<125x128xf32, #tpu.memory_space<vmem>>) offsets(%dma_start3A_189 : memref<125xi32, #tpu.memory_space<vmem>>) semaphore(%arg13 : memref<!tpu.dma_semaphore, #tpu.memory_space<semaphore_mem>>)
    }
    %scan3A_120 = arith.constant 19 : i32
    %dma_wait3A_121 = arith.constant 0 : i32
    %dma_wait3A_122 = arith.constant 0 : i32
    %dma_wait3A_123 = tpu.memref_slice %arg7[%dma_wait3A_121, %dma_wait3A_122] : memref<40x125xi32, #tpu.memory_space<vmem>> -> memref<1x125xi32, #tpu.memory_space<vmem>>
    %dma_wait3A_124 = tpu.memref_squeeze %dma_wait3A_123 : memref<1x125xi32, #tpu.memory_space<vmem>> -> memref<125xi32, #tpu.memory_space<vmem>>
    %dma_wait3A_125 = arith.constant 0 : i32
    %dma_wait3A_126 = arith.constant 0 : i32
    %dma_wait3A_127 = tpu.memref_slice %arg2[%dma_wait3A_125, %dma_wait3A_126] : memref<10000x128xf32, #tpu.memory_space<hbm>> -> memref<10000x128xf32, #tpu.memory_space<hbm>>
    tpu.wait_indirect_dma semaphore(%arg12 : memref<!tpu.dma_semaphore, #tpu.memory_space<semaphore_mem>>) src(%dma_wait3A_127 : memref<10000x128xf32, #tpu.memory_space<hbm>>) dst(%arg9 : memref<125x128xf32, #tpu.memory_space<vmem>>)
    %run_scoped3A_128 = arith.constant 78 : i32
    "tpu.region"() ({
      %run_scoped3A_148 = tpu.sem_alloc : memref<!tpu.dma_semaphore, #tpu.memory_space<semaphore_mem>>
      %dma_start3A_149 = arith.constant 0 : i32
      %dma_start3A_150 = tpu.memref_slice %arg8[%run_scoped3A_128, %dma_start3A_149] : memref<80x125xi32, #tpu.memory_space<vmem>> -> memref<1x125xi32, #tpu.memory_space<vmem>>
      %dma_start3A_151 = tpu.memref_squeeze %dma_start3A_150 : memref<1x125xi32, #tpu.memory_space<vmem>> -> memref<125xi32, #tpu.memory_space<vmem>>
      %dma_start3A_152 = arith.constant 0 : i32
      %dma_start3A_153 = arith.constant 0 : i32
      %dma_start3A_154 = tpu.memref_slice %arg11[%dma_start3A_152, %dma_start3A_153] : memref<10000x128xf32, #tpu.memory_space<vmem_shared>> -> memref<10000x128xf32, #tpu.memory_space<vmem_shared>>
      tpu.enqueue_indirect_dma source(%arg9 : memref<125x128xf32, #tpu.memory_space<vmem>>) target(%dma_start3A_154 : memref<10000x128xf32, #tpu.memory_space<vmem_shared>>) offsets(%dma_start3A_151 : memref<125xi32, #tpu.memory_space<vmem>>) semaphore(%run_scoped3A_148 : memref<!tpu.dma_semaphore, #tpu.memory_space<semaphore_mem>>) {add = true}
      %dma_wait3A_155 = arith.constant 0 : i32
      %dma_wait3A_156 = tpu.memref_slice %arg8[%run_scoped3A_128, %dma_wait3A_155] : memref<80x125xi32, #tpu.memory_space<vmem>> -> memref<1x125xi32, #tpu.memory_space<vmem>>
      %dma_wait3A_157 = tpu.memref_squeeze %dma_wait3A_156 : memref<1x125xi32, #tpu.memory_space<vmem>> -> memref<125xi32, #tpu.memory_space<vmem>>
      %dma_wait3A_158 = arith.constant 0 : i32
      %dma_wait3A_159 = arith.constant 0 : i32
      %dma_wait3A_160 = tpu.memref_slice %arg11[%dma_wait3A_158, %dma_wait3A_159] : memref<10000x128xf32, #tpu.memory_space<vmem_shared>> -> memref<10000x128xf32, #tpu.memory_space<vmem_shared>>
      tpu.wait_indirect_dma semaphore(%run_scoped3A_148 : memref<!tpu.dma_semaphore, #tpu.memory_space<semaphore_mem>>) src(%arg9 : memref<125x128xf32, #tpu.memory_space<vmem>>) dst(%dma_wait3A_160 : memref<10000x128xf32, #tpu.memory_space<vmem_shared>>)
      tpu.yield
    }) : () -> ()
    %dma_wait3A_129 = arith.constant 0 : i32
    %dma_wait3A_130 = arith.constant 0 : i32
    %dma_wait3A_131 = tpu.memref_slice %arg7[%dma_wait3A_129, %dma_wait3A_130] : memref<40x125xi32, #tpu.memory_space<vmem>> -> memref<1x125xi32, #tpu.memory_space<vmem>>
    %dma_wait3A_132 = tpu.memref_squeeze %dma_wait3A_131 : memref<1x125xi32, #tpu.memory_space<vmem>> -> memref<125xi32, #tpu.memory_space<vmem>>
    %dma_wait3A_133 = arith.constant 0 : i32
    %dma_wait3A_134 = arith.constant 0 : i32
    %dma_wait3A_135 = tpu.memref_slice %arg2[%dma_wait3A_133, %dma_wait3A_134] : memref<10000x128xf32, #tpu.memory_space<hbm>> -> memref<10000x128xf32, #tpu.memory_space<hbm>>
    tpu.wait_indirect_dma semaphore(%arg13 : memref<!tpu.dma_semaphore, #tpu.memory_space<semaphore_mem>>) src(%dma_wait3A_135 : memref<10000x128xf32, #tpu.memory_space<hbm>>) dst(%arg10 : memref<125x128xf32, #tpu.memory_space<vmem>>)
    %run_scoped3A_136 = arith.constant 79 : i32
    "tpu.region"() ({
      %run_scoped3A_148 = tpu.sem_alloc : memref<!tpu.dma_semaphore, #tpu.memory_space<semaphore_mem>>
      %dma_start3A_149 = arith.constant 0 : i32
      %dma_start3A_150 = tpu.memref_slice %arg8[%run_scoped3A_136, %dma_start3A_149] : memref<80x125xi32, #tpu.memory_space<vmem>> -> memref<1x125xi32, #tpu.memory_space<vmem>>
      %dma_start3A_151 = tpu.memref_squeeze %dma_start3A_150 : memref<1x125xi32, #tpu.memory_space<vmem>> -> memref<125xi32, #tpu.memory_space<vmem>>
      %dma_start3A_152 = arith.constant 0 : i32
      %dma_start3A_153 = arith.constant 0 : i32
      %dma_start3A_154 = tpu.memref_slice %arg11[%dma_start3A_152, %dma_start3A_153] : memref<10000x128xf32, #tpu.memory_space<vmem_shared>> -> memref<10000x128xf32, #tpu.memory_space<vmem_shared>>
      tpu.enqueue_indirect_dma source(%arg10 : memref<125x128xf32, #tpu.memory_space<vmem>>) target(%dma_start3A_154 : memref<10000x128xf32, #tpu.memory_space<vmem_shared>>) offsets(%dma_start3A_151 : memref<125xi32, #tpu.memory_space<vmem>>) semaphore(%run_scoped3A_148 : memref<!tpu.dma_semaphore, #tpu.memory_space<semaphore_mem>>) {add = true}
      %dma_wait3A_155 = arith.constant 0 : i32
      %dma_wait3A_156 = tpu.memref_slice %arg8[%run_scoped3A_136, %dma_wait3A_155] : memref<80x125xi32, #tpu.memory_space<vmem>> -> memref<1x125xi32, #tpu.memory_space<vmem>>
      %dma_wait3A_157 = tpu.memref_squeeze %dma_wait3A_156 : memref<1x125xi32, #tpu.memory_space<vmem>> -> memref<125xi32, #tpu.memory_space<vmem>>
      %dma_wait3A_158 = arith.constant 0 : i32
      %dma_wait3A_159 = arith.constant 0 : i32
      %dma_wait3A_160 = tpu.memref_slice %arg11[%dma_wait3A_158, %dma_wait3A_159] : memref<10000x128xf32, #tpu.memory_space<vmem_shared>> -> memref<10000x128xf32, #tpu.memory_space<vmem_shared>>
      tpu.wait_indirect_dma semaphore(%run_scoped3A_148 : memref<!tpu.dma_semaphore, #tpu.memory_space<semaphore_mem>>) src(%arg10 : memref<125x128xf32, #tpu.memory_space<vmem>>) dst(%dma_wait3A_160 : memref<10000x128xf32, #tpu.memory_space<vmem_shared>>)
      tpu.yield
    }) : () -> ()
    %barrier3A_137 = arith.constant 0 : index
    tpu.barrier barrier_id(%barrier3A_137)
    %lt3A_138 = arith.constant 15 : i32
    %lt3A_139 = arith.cmpi slt, %arg1, %lt3A_138 : i32
    %convert_element_type3A_140 = arith.extui %lt3A_139 : i1 to i32
    %cond3A_141 = arith.constant 0 : i32
    %cond3A_142 = arith.cmpi ne, %convert_element_type3A_140, %cond3A_141 : i32
    scf.if %cond3A_142 {
      %mul3A_148 = arith.constant 640 : i32
      %mul3A_149 = arith.muli %arg1, %mul3A_148 : i32
      %mul3A_150 = arith.constant 640 : i32
      %mul3A_151 = arith.muli %arg1, %mul3A_150 : i32
      "tpu.region"() ({
        %run_scoped3A_152 = tpu.sem_alloc : memref<!tpu.dma_semaphore, #tpu.memory_space<semaphore_mem>>
        %dma_start3A_153 = arith.constant 0 : i32
        %dma_start3A_154 = tpu.memref_slice %arg6[%arg0, %mul3A_151, %dma_start3A_153] : memref<2x10000x128xf32, #tpu.memory_space<hbm>> -> memref<1x640x128xf32, #tpu.memory_space<hbm>>
        %dma_start3A_155 = tpu.memref_squeeze %dma_start3A_154 : memref<1x640x128xf32, #tpu.memory_space<hbm>> -> memref<640x128xf32, #tpu.memory_space<hbm>>
        %dma_start3A_156 = arith.constant 0 : i32
        %dma_start3A_157 = tpu.memref_slice %arg11[%mul3A_149, %dma_start3A_156] : memref<10000x128xf32, #tpu.memory_space<vmem_shared>> -> memref<640x128xf32, #tpu.memory_space<vmem_shared>>
        tpu.enqueue_dma source(%dma_start3A_157 : memref<640x128xf32, #tpu.memory_space<vmem_shared>>) target(%dma_start3A_155 : memref<640x128xf32, #tpu.memory_space<hbm>>) target_semaphore(%run_scoped3A_152 : memref<!tpu.dma_semaphore, #tpu.memory_space<semaphore_mem>>)
        %dma_wait3A_158 = arith.constant 0 : i32
        %dma_wait3A_159 = tpu.memref_slice %arg6[%arg0, %mul3A_151, %dma_wait3A_158] : memref<2x10000x128xf32, #tpu.memory_space<hbm>> -> memref<1x640x128xf32, #tpu.memory_space<hbm>>
        %dma_wait3A_160 = tpu.memref_squeeze %dma_wait3A_159 : memref<1x640x128xf32, #tpu.memory_space<hbm>> -> memref<640x128xf32, #tpu.memory_space<hbm>>
        %dma_wait3A_161 = arith.constant 0 : i32
        %dma_wait3A_162 = tpu.memref_slice %arg11[%mul3A_149, %dma_wait3A_161] : memref<10000x128xf32, #tpu.memory_space<vmem_shared>> -> memref<640x128xf32, #tpu.memory_space<vmem_shared>>
        tpu.wait_dma2 semaphore(%run_scoped3A_152 : memref<!tpu.dma_semaphore, #tpu.memory_space<semaphore_mem>>) src(%dma_wait3A_162 : memref<640x128xf32, #tpu.memory_space<vmem_shared>>) dst(%dma_wait3A_160 : memref<640x128xf32, #tpu.memory_space<hbm>>)
        tpu.yield
      }) : () -> ()
    } else {
    }
    %eq3A_143 = arith.constant 15 : i32
    %eq3A_144 = arith.cmpi eq, %arg1, %eq3A_143 : i32
    %convert_element_type3A_145 = arith.extui %eq3A_144 : i1 to i32
    %cond3A_146 = arith.constant 0 : i32
    %cond3A_147 = arith.cmpi ne, %convert_element_type3A_145, %cond3A_146 : i32
    scf.if %cond3A_147 {
      "tpu.region"() ({
        %run_scoped3A_148 = tpu.sem_alloc : memref<!tpu.dma_semaphore, #tpu.memory_space<semaphore_mem>>
        %dma_start3A_149 = arith.constant 9600 : i32
        %dma_start3A_150 = arith.constant 0 : i32
        %dma_start3A_151 = tpu.memref_slice %arg6[%arg0, %dma_start3A_149, %dma_start3A_150] : memref<2x10000x128xf32, #tpu.memory_space<hbm>> -> memref<1x400x128xf32, #tpu.memory_space<hbm>>
        %dma_start3A_152 = tpu.memref_squeeze %dma_start3A_151 : memref<1x400x128xf32, #tpu.memory_space<hbm>> -> memref<400x128xf32, #tpu.memory_space<hbm>>
        %dma_start3A_153 = arith.constant 9600 : i32
        %dma_start3A_154 = arith.constant 0 : i32
        %dma_start3A_155 = tpu.memref_slice %arg11[%dma_start3A_153, %dma_start3A_154] : memref<10000x128xf32, #tpu.memory_space<vmem_shared>> -> memref<400x128xf32, #tpu.memory_space<vmem_shared>>
        tpu.enqueue_dma source(%dma_start3A_155 : memref<400x128xf32, #tpu.memory_space<vmem_shared>>) target(%dma_start3A_152 : memref<400x128xf32, #tpu.memory_space<hbm>>) target_semaphore(%run_scoped3A_148 : memref<!tpu.dma_semaphore, #tpu.memory_space<semaphore_mem>>)
        %dma_wait3A_156 = arith.constant 9600 : i32
        %dma_wait3A_157 = arith.constant 0 : i32
        %dma_wait3A_158 = tpu.memref_slice %arg6[%arg0, %dma_wait3A_156, %dma_wait3A_157] : memref<2x10000x128xf32, #tpu.memory_space<hbm>> -> memref<1x400x128xf32, #tpu.memory_space<hbm>>
        %dma_wait3A_159 = tpu.memref_squeeze %dma_wait3A_158 : memref<1x400x128xf32, #tpu.memory_space<hbm>> -> memref<400x128xf32, #tpu.memory_space<hbm>>
        %dma_wait3A_160 = arith.constant 9600 : i32
        %dma_wait3A_161 = arith.constant 0 : i32
        %dma_wait3A_162 = tpu.memref_slice %arg11[%dma_wait3A_160, %dma_wait3A_161] : memref<10000x128xf32, #tpu.memory_space<vmem_shared>> -> memref<400x128xf32, #tpu.memory_space<vmem_shared>>
        tpu.wait_dma2 semaphore(%run_scoped3A_148 : memref<!tpu.dma_semaphore, #tpu.memory_space<semaphore_mem>>) src(%dma_wait3A_162 : memref<400x128xf32, #tpu.memory_space<vmem_shared>>) dst(%dma_wait3A_159 : memref<400x128xf32, #tpu.memory_space<hbm>>)
        tpu.yield
      }) : () -> ()
    } else {
    }
    return
  }
}

module attributes {stable_mosaic.version = 14 : i64} {
  func.func @_mlp_body(%arg0: i32, %arg1: memref<2x2000x128xf32, #tpu.memory_space<vmem>>, %arg2: memref<128x128xf32, #tpu.memory_space<vmem>>, %arg3: memref<1x128xf32, #tpu.memory_space<vmem>>, %arg4: memref<128x128xf32, #tpu.memory_space<vmem>>, %arg5: memref<1x128xf32, #tpu.memory_space<vmem>>, %arg6: memref<2000x128xf32, #tpu.memory_space<vmem>>) attributes {dimension_semantics = [#tpu.dimension_semantics<arbitrary>], iteration_bounds = array<i64: 5>, scalar_prefetch = 0 : i64, scratch_operands = 0 : i64, tpu.core_type = #tpu.core_type<tc>, window_params = [{transform_indices = @transform_0, window_bounds = array<i64: 2, 2000, 128>}, {pipeline_mode = #tpu.pipeline_mode<synchronous>, transform_indices = @transform_1, window_bounds = array<i64: 128, 128>}, {pipeline_mode = #tpu.pipeline_mode<synchronous>, transform_indices = @transform_2, window_bounds = array<i64: 1, 128>}, {pipeline_mode = #tpu.pipeline_mode<synchronous>, transform_indices = @transform_3, window_bounds = array<i64: 128, 128>}, {pipeline_mode = #tpu.pipeline_mode<synchronous>, transform_indices = @transform_4, window_bounds = array<i64: 1, 128>}, {transform_indices = @transform_5, window_bounds = array<i64: 2000, 128>}]} {
    %get3A = arith.constant 0 : index
    %get3A_0 = arith.constant 0 : index
    %get3A_1 = arith.constant 0 : index
    %get3A_2 = vector.load %arg1[%get3A, %get3A_0, %get3A_1] : memref<2x2000x128xf32, #tpu.memory_space<vmem>>, vector<1x2000x128xf32>
    %get3A_3 = vector.shape_cast %get3A_2 : vector<1x2000x128xf32> to vector<2000x128xf32>
    %get3A_4 = arith.constant 1 : index
    %get3A_5 = arith.constant 0 : index
    %get3A_6 = arith.constant 0 : index
    %get3A_7 = vector.load %arg1[%get3A_4, %get3A_5, %get3A_6] : memref<2x2000x128xf32, #tpu.memory_space<vmem>>, vector<1x2000x128xf32>
    %get3A_8 = vector.shape_cast %get3A_7 : vector<1x2000x128xf32> to vector<2000x128xf32>
    %add3A = arith.addf %get3A_3, %get3A_8 : vector<2000x128xf32>
    %get3A_9 = arith.constant 0 : index
    %get3A_10 = arith.constant 0 : index
    %get3A_11 = vector.load %arg2[%get3A_9, %get3A_10] : memref<128x128xf32, #tpu.memory_space<vmem>>, vector<128x128xf32>
    %dot_general3A = arith.constant dense<0.000000e+00> : vector<2000x128xf32>
    %dot_general3A_12 = tpu.matmul %add3A, %get3A_11, %dot_general3A {dimension_numbers = #tpu.dot_dimension_numbers<[1], [0], [0], [1], [0, 0, 1, 1], [], []>, transpose_lhs_hint = false} : vector<2000x128xf32>, vector<128x128xf32>, vector<2000x128xf32> -> vector<2000x128xf32>
    %get3A_13 = arith.constant 0 : index
    %get3A_14 = arith.constant 0 : index
    %get3A_15 = vector.load %arg3[%get3A_13, %get3A_14] : memref<1x128xf32, #tpu.memory_space<vmem>>, vector<1x128xf32>
    %add3A_16 = vector.broadcast %get3A_15 : vector<1x128xf32> to vector<2000x128xf32>
    %add3A_17 = arith.addf %dot_general3A_12, %add3A_16 : vector<2000x128xf32>
    %max3A = arith.constant 0.000000e+00 : f32
    %max3A_18 = vector.broadcast %max3A : f32 to vector<2000x128xf32>
    %max3A_19 = arith.maximumf %add3A_17, %max3A_18 : vector<2000x128xf32>
    %get3A_20 = arith.constant 0 : index
    %get3A_21 = arith.constant 0 : index
    %get3A_22 = vector.load %arg4[%get3A_20, %get3A_21] : memref<128x128xf32, #tpu.memory_space<vmem>>, vector<128x128xf32>
    %dot_general3A_23 = arith.constant dense<0.000000e+00> : vector<2000x128xf32>
    %dot_general3A_24 = tpu.matmul %max3A_19, %get3A_22, %dot_general3A_23 {dimension_numbers = #tpu.dot_dimension_numbers<[1], [0], [0], [1], [0, 0, 1, 1], [], []>, transpose_lhs_hint = false} : vector<2000x128xf32>, vector<128x128xf32>, vector<2000x128xf32> -> vector<2000x128xf32>
    %get3A_25 = arith.constant 0 : index
    %get3A_26 = arith.constant 0 : index
    %get3A_27 = vector.load %arg5[%get3A_25, %get3A_26] : memref<1x128xf32, #tpu.memory_space<vmem>>, vector<1x128xf32>
    %add3A_28 = vector.broadcast %get3A_27 : vector<1x128xf32> to vector<2000x128xf32>
    %add3A_29 = arith.addf %dot_general3A_24, %add3A_28 : vector<2000x128xf32>
    %max3A_30 = arith.constant 0.000000e+00 : f32
    %max3A_31 = vector.broadcast %max3A_30 : f32 to vector<2000x128xf32>
    %max3A_32 = arith.maximumf %add3A_29, %max3A_31 : vector<2000x128xf32>
    %swap3A = arith.constant 0 : index
    %swap3A_33 = arith.constant 0 : index
    %swap3A_34 = vector.load %arg6[%swap3A, %swap3A_33] : memref<2000x128xf32, #tpu.memory_space<vmem>>, vector<2000x128xf32>
    tpu.vector_store %arg6[%swap3A, %swap3A_33], %max3A_32 {strides = array<i32>} : memref<2000x128xf32, #tpu.memory_space<vmem>>, vector<2000x128xf32>,
    return
  }
  func.func @transform_0(%arg0: i32) -> (i32, i32, i32) {
    %c0_i32 = arith.constant 0 : i32
    %c0_i32_0 = arith.constant 0 : i32
    %c0_i32_1 = arith.constant 0 : i32
    return %c0_i32, %arg0, %c0_i32_0 : i32, i32, i32
  }
  func.func @transform_1(%arg0: i32) -> (i32, i32) {
    %c0_i32 = arith.constant 0 : i32
    %c0_i32_0 = arith.constant 0 : i32
    %c0_i32_1 = arith.constant 0 : i32
    return %c0_i32, %c0_i32_0 : i32, i32
  }
  func.func @transform_2(%arg0: i32) -> (i32, i32) {
    %c0_i32 = arith.constant 0 : i32
    %c0_i32_0 = arith.constant 0 : i32
    %c0_i32_1 = arith.constant 0 : i32
    return %c0_i32, %c0_i32_0 : i32, i32
  }
  func.func @transform_3(%arg0: i32) -> (i32, i32) {
    %c0_i32 = arith.constant 0 : i32
    %c0_i32_0 = arith.constant 0 : i32
    %c0_i32_1 = arith.constant 0 : i32
    return %c0_i32, %c0_i32_0 : i32, i32
  }
  func.func @transform_4(%arg0: i32) -> (i32, i32) {
    %c0_i32 = arith.constant 0 : i32
    %c0_i32_0 = arith.constant 0 : i32
    %c0_i32_1 = arith.constant 0 : i32
    return %c0_i32, %c0_i32_0 : i32, i32
  }
  func.func @transform_5(%arg0: i32) -> (i32, i32) {
    %c0_i32 = arith.constant 0 : i32
    %c0_i32_0 = arith.constant 0 : i32
    return %arg0, %c0_i32 : i32, i32
  }
}

module attributes {stable_mosaic.version = 14 : i64} {
  func.func @_mlp_body(%arg0: i32, %arg1: memref<2x2000x128xf32, #tpu.memory_space<vmem>>, %arg2: memref<128x128xf32, #tpu.memory_space<vmem>>, %arg3: memref<1x128xf32, #tpu.memory_space<vmem>>, %arg4: memref<128x128xf32, #tpu.memory_space<vmem>>, %arg5: memref<1x128xf32, #tpu.memory_space<vmem>>, %arg6: memref<2000x128xf32, #tpu.memory_space<vmem>>) attributes {dimension_semantics = [#tpu.dimension_semantics<arbitrary>], iteration_bounds = array<i64: 5>, scalar_prefetch = 0 : i64, scratch_operands = 0 : i64, tpu.core_type = #tpu.core_type<tc>, window_params = [{transform_indices = @transform_0, window_bounds = array<i64: 2, 2000, 128>}, {pipeline_mode = #tpu.pipeline_mode<synchronous>, transform_indices = @transform_1, window_bounds = array<i64: 128, 128>}, {pipeline_mode = #tpu.pipeline_mode<synchronous>, transform_indices = @transform_2, window_bounds = array<i64: 1, 128>}, {pipeline_mode = #tpu.pipeline_mode<synchronous>, transform_indices = @transform_3, window_bounds = array<i64: 128, 128>}, {pipeline_mode = #tpu.pipeline_mode<synchronous>, transform_indices = @transform_4, window_bounds = array<i64: 1, 128>}, {transform_indices = @transform_5, window_bounds = array<i64: 2000, 128>}]} {
    %get3A = arith.constant 0 : index
    %get3A_0 = arith.constant 0 : index
    %get3A_1 = arith.constant 0 : index
    %get3A_2 = vector.load %arg1[%get3A, %get3A_0, %get3A_1] : memref<2x2000x128xf32, #tpu.memory_space<vmem>>, vector<1x2000x128xf32>
    %get3A_3 = vector.shape_cast %get3A_2 : vector<1x2000x128xf32> to vector<2000x128xf32>
    %get3A_4 = arith.constant 1 : index
    %get3A_5 = arith.constant 0 : index
    %get3A_6 = arith.constant 0 : index
    %get3A_7 = vector.load %arg1[%get3A_4, %get3A_5, %get3A_6] : memref<2x2000x128xf32, #tpu.memory_space<vmem>>, vector<1x2000x128xf32>
    %get3A_8 = vector.shape_cast %get3A_7 : vector<1x2000x128xf32> to vector<2000x128xf32>
    %add3A = arith.addf %get3A_3, %get3A_8 : vector<2000x128xf32>
    %get3A_9 = arith.constant 0 : index
    %get3A_10 = arith.constant 0 : index
    %get3A_11 = vector.load %arg2[%get3A_9, %get3A_10] : memref<128x128xf32, #tpu.memory_space<vmem>>, vector<128x128xf32>
    %dot_general3A = arith.constant dense<0.000000e+00> : vector<2000x128xf32>
    %dot_general3A_12 = tpu.matmul %add3A, %get3A_11, %dot_general3A {dimension_numbers = #tpu.dot_dimension_numbers<[1], [0], [0], [1], [0, 0, 1, 1], [], []>, transpose_lhs_hint = false} : vector<2000x128xf32>, vector<128x128xf32>, vector<2000x128xf32> -> vector<2000x128xf32>
    %get3A_13 = arith.constant 0 : index
    %get3A_14 = arith.constant 0 : index
    %get3A_15 = vector.load %arg3[%get3A_13, %get3A_14] : memref<1x128xf32, #tpu.memory_space<vmem>>, vector<1x128xf32>
    %add3A_16 = vector.broadcast %get3A_15 : vector<1x128xf32> to vector<2000x128xf32>
    %add3A_17 = arith.addf %dot_general3A_12, %add3A_16 : vector<2000x128xf32>
    %max3A = arith.constant 0.000000e+00 : f32
    %max3A_18 = vector.broadcast %max3A : f32 to vector<2000x128xf32>
    %max3A_19 = arith.maximumf %add3A_17, %max3A_18 : vector<2000x128xf32>
    %get3A_20 = arith.constant 0 : index
    %get3A_21 = arith.constant 0 : index
    %get3A_22 = vector.load %arg4[%get3A_20, %get3A_21] : memref<128x128xf32, #tpu.memory_space<vmem>>, vector<128x128xf32>
    %dot_general3A_23 = arith.constant dense<0.000000e+00> : vector<2000x128xf32>
    %dot_general3A_24 = tpu.matmul %max3A_19, %get3A_22, %dot_general3A_23 {dimension_numbers = #tpu.dot_dimension_numbers<[1], [0], [0], [1], [0, 0, 1, 1], [], []>, transpose_lhs_hint = false} : vector<2000x128xf32>, vector<128x128xf32>, vector<2000x128xf32> -> vector<2000x128xf32>
    %get3A_25 = arith.constant 0 : index
    %get3A_26 = arith.constant 0 : index
    %get3A_27 = vector.load %arg5[%get3A_25, %get3A_26] : memref<1x128xf32, #tpu.memory_space<vmem>>, vector<1x128xf32>
    %add3A_28 = vector.broadcast %get3A_27 : vector<1x128xf32> to vector<2000x128xf32>
    %add3A_29 = arith.addf %dot_general3A_24, %add3A_28 : vector<2000x128xf32>
    %max3A_30 = arith.constant 0.000000e+00 : f32
    %max3A_31 = vector.broadcast %max3A_30 : f32 to vector<2000x128xf32>
    %max3A_32 = arith.maximumf %add3A_29, %max3A_31 : vector<2000x128xf32>
    %swap3A = arith.constant 0 : index
    %swap3A_33 = arith.constant 0 : index
    %swap3A_34 = vector.load %arg6[%swap3A, %swap3A_33] : memref<2000x128xf32, #tpu.memory_space<vmem>>, vector<2000x128xf32>
    tpu.vector_store %arg6[%swap3A, %swap3A_33], %max3A_32 {strides = array<i32>} : memref<2000x128xf32, #tpu.memory_space<vmem>>, vector<2000x128xf32>,
    return
  }
  func.func @transform_0(%arg0: i32) -> (i32, i32, i32) {
    %c0_i32 = arith.constant 0 : i32
    %c0_i32_0 = arith.constant 0 : i32
    %c0_i32_1 = arith.constant 0 : i32
    return %c0_i32, %arg0, %c0_i32_0 : i32, i32, i32
  }
  func.func @transform_1(%arg0: i32) -> (i32, i32) {
    %c0_i32 = arith.constant 0 : i32
    %c0_i32_0 = arith.constant 0 : i32
    %c0_i32_1 = arith.constant 0 : i32
    return %c0_i32, %c0_i32_0 : i32, i32
  }
  func.func @transform_2(%arg0: i32) -> (i32, i32) {
    %c0_i32 = arith.constant 0 : i32
    %c0_i32_0 = arith.constant 0 : i32
    %c0_i32_1 = arith.constant 0 : i32
    return %c0_i32, %c0_i32_0 : i32, i32
  }
  func.func @transform_3(%arg0: i32) -> (i32, i32) {
    %c0_i32 = arith.constant 0 : i32
    %c0_i32_0 = arith.constant 0 : i32
    %c0_i32_1 = arith.constant 0 : i32
    return %c0_i32, %c0_i32_0 : i32, i32
  }
  func.func @transform_4(%arg0: i32) -> (i32, i32) {
    %c0_i32 = arith.constant 0 : i32
    %c0_i32_0 = arith.constant 0 : i32
    %c0_i32_1 = arith.constant 0 : i32
    return %c0_i32, %c0_i32_0 : i32, i32
  }
  func.func @transform_5(%arg0: i32) -> (i32, i32) {
    %c0_i32 = arith.constant 0 : i32
    %c0_i32_0 = arith.constant 0 : i32
    return %arg0, %c0_i32 : i32, i32
  }
}

</mosaic_0001>

<sc_bundles>
// kernel: kernel.11.cloned.1.call-start
scs
__scs_entry_jumppad:
0x0: {  	(pc) =	sbr.rel $0x88, $3  }
0x1: {  	(tag) =	ssettag $0x0;
	lr =	simm.s32 $0x1  }
0x2: {  	[smem:$0x3F93] =	sst lr;
	_ =	strace $0xD0000000  }
0x3: {  	_ = 	snop  }
0x4: {  	_ = 	snop  }
0x5: {  	_ = 	snop  }
0x6: {  	_ = 	snop  }
0x7: {  	_ = 	snop  }
__scs_overlays_trampoline_lowered:
0x8: {  	[smem:$0x3FA2] =	sst s0  }
0x9: {  	[smem:$0x3FA3] =	sst s1  }
0xa: {  	[smem:$0x3FA4] =	sst s2  }
0xb: {  	[smem:$0x3FA5] =	sst s3  }
0xc: {  	[smem:$0x3FA6] =	sst s4  }
0xd: {  	[smem:$0x3FA7] =	sst s5  }
0xe: {  	[smem:$0x3FA8] =	sst s6  }
0xf: {  	[smem:$0x3FA9] =	sst s7  }
0x10: {  	[smem:$0x3FAA] =	sst s8  }
0x11: {  	[smem:$0x3FAB] =	sst s9;
	s0 =	simm.s32 @!p0 $0x0  }
0x12: {  	s1 =	sld [smem:$0x3F91];
	s0 =	simm.s32 @p0 $0x1  }
0x13: {  	[smem:$0x3FAC] =	sst s0;
	s0 =	simm.s32 @!p1 $0x0  }
0x14: {  	s2 =	sld [smem:$0x3F90];
	s0 =	simm.s32 @p1 $0x1  }
0x15: {  	[smem:$0x3FAD] =	sst s0;
	s0 =	simm.s32 @!p2 $0x0  }
0x16: {  	s3 =	sld [smem:$0x3FDB];
	s0 =	simm.s32 @p2 $0x1  }
0x17: {  	s4 =	simm.s32 $0x1BF5;
	[smem:$0x3FAF] =	sst s0  }
0x18: {  	s0 =	sld [smem:$0x3F92];
	_ =	swait.ge [sflag:s4], $0x0  }
0x19: {  	s7 =	sld [smem:$0x3F93]  }
0x1a: {  	s8 =	sadd.s32 $0xFFFFE003, lr  }
0x1b: {  	s9 =	sadd.s32 $0xFFFFFEF7, lr;
	s5 =	simm.s32 $0xFFFFFFFF;
	p2 =	slt.u32 s8, $0xFFFFF086  }
0x1c: {  	p1 =	slt.u32 s9, $0xF7A;
	s5 =	simm.s32 @!p2 $0x0  }
0x1d: {  	s5 =	simm.s32 @p1 $0x1;
	p0 =	seq.s32 s7, s2  }
0x1e: {  	s7 =	smul.u32 @!p0 $0xF7A, s2;
	p2 =	seq.s32 @!p0 s5, $0x0  }
0x1f: {  	s9 =	smul.u32 $0xF7A, s1;
	s8 =	simm.s32 @!p0 $0x1BF5;
	p2 =	por !p2, p0  }
0x20: {  	[sflag:s8] =	ssyncset.s32 @!p0 $0xFFFFF086;
	s6 =	sadd.s32 @!p0 s3, s7;
	s7 =	simm.s32 @!p0 $0x108  }
0x21: {  	s3 =	sadd.s32 s3, s9;
	s6 =	sadd.s32 @!p0 $0x88, s6;
	s7 =	simm.s32 @p2 $0x1082  }
0x22: {  	[simem:s7], [sflag:s8] =	dma.local @!p0 [hbm:s6], $0xF7A  }
0x23: {  	s9 =	sor.u32 $0xD0000000, s2;
	s6 =	simm.s32 $0x108;
	_ =	swait.ge @!p0 [sflag:s8], $0x0  }
0x24: {  	s3 =	sadd.s32 $0x88, s3;
	s6 =	simm.s32 @!p1 $0x1082;
	[sflag:s4] =	ssyncset.s32 $0xFFFFF086  }
0x25: {  	[simem:s6], [sflag:s4] =	dma.local [hbm:s3], $0xF7A  }
0x26: {  	[smem:$0x3F93] =	sst s1;
	(tag) =	ssettag s2;
	_ =	strace s9  }
0x27: {  	s1 =	sld [smem:$0x3FA3]  }
0x28: {  	s2 =	sld [smem:$0x3FA4]  }
0x29: {  	s4 =	sld [smem:$0x3FA6]  }
0x2a: {  	p0 =	seq.s32 s5, $0x0;
	s5 =	sld [smem:$0x3FA7]  }
0x2b: {  	s6 =	sld [smem:$0x3FA8]  }
0x2c: {  	s7 =	sld [smem:$0x3FA9]  }
0x2d: {  	s3 =	simm.s32 $0x108;
	s8 =	sld [smem:$0x3FAA]  }
0x2e: {  	s3 =	simm.s32 @!p0 $0x1082;
	s9 =	sld [smem:$0x3FAB]  }
0x2f: {  	lr =	sadd.s32 s0, s3;
	s0 =	sld [smem:$0x3FA2]  }
0x30: {  	s3 =	sld [smem:$0x3FA5]  }
0x31: {  	[smem:$0x3FAE] =	sst s10  }
0x32: {  	s10 =	sld [smem:$0x3FAC];
	_ =	sdelay $0x3  }
0x33: {  	p0 =	seq.s32 s10, $0x1;
	s10 =	sld [smem:$0x3FAE];
	_ =	sdelay $0x3  }
0x34: {  	[smem:$0x3FAE] =	sst s10  }
0x35: {  	s10 =	sld [smem:$0x3FAD];
	_ =	sdelay $0x3  }
0x36: {  	p1 =	seq.s32 s10, $0x1;
	s10 =	sld [smem:$0x3FAE];
	_ =	sdelay $0x3  }
0x37: {  	[smem:$0x3FAE] =	sst s10  }
0x38: {  	s10 =	sld [smem:$0x3FAF]  }
0x39: {  	_ = 	snop;
	(pc) =	sbr.ind lr, $3  }
0x3a: {  	_ = 	snop  }
0x3b: {  	_ = 	snop  }
0x3c: {  	p2 =	seq.s32 s10, $0x1;
	s10 =	sld [smem:$0x3FAE]  }
0x3d: {  	_ =	shalt  }
0x3e: {  	_ =	shalt  }
0x3f: {  	_ =	shalt  }
0x40: {  	_ =	shalt  }
0x41: {  	_ =	shalt  }
0x42: {  	_ =	shalt  }
0x43: {  	_ =	shalt  }
0x44: {  	_ =	shalt  }
0x45: {  	_ =	shalt  }
0x46: {  	_ =	shalt  }
0x47: {  	_ =	shalt  }
0x48: {  	_ =	shalt  }
0x49: {  	_ =	shalt  }
0x4a: {  	_ =	shalt  }
0x4b: {  	_ =	shalt  }
0x4c: {  	_ =	shalt  }
0x4d: {  	_ =	shalt  }
0x4e: {  	_ =	shalt  }
0x4f: {  	_ =	shalt  }
0x50: {  	_ =	shalt  }
0x51: {  	_ =	shalt  }
0x52: {  	_ =	shalt  }
0x53: {  	_ =	shalt  }
0x54: {  	_ =	shalt  }
0x55: {  	_ =	shalt  }
0x56: {  	_ =	shalt  }
0x57: {  	_ =	shalt  }
0x58: {  	_ =	shalt  }
0x59: {  	_ =	shalt  }
0x5a: {  	_ =	shalt  }
0x5b: {  	_ =	shalt  }
0x5c: {  	_ =	shalt  }
0x5d: {  	_ =	shalt  }
0x5e: {  	_ =	shalt  }
0x5f: {  	_ =	shalt  }
0x60: {  	_ =	shalt  }
0x61: {  	_ =	shalt  }
0x62: {  	_ =	shalt  }
0x63: {  	_ =	shalt  }
0x64: {  	_ =	shalt  }
0x65: {  	_ =	shalt  }
0x66: {  	_ =	shalt  }
0x67: {  	_ =	shalt  }
0x68: {  	_ =	shalt  }
0x69: {  	_ =	shalt  }
0x6a: {  	_ =	shalt  }
0x6b: {  	_ =	shalt  }
0x6c: {  	_ =	shalt  }
0x6d: {  	_ =	shalt  }
0x6e: {  	_ =	shalt  }
0x6f: {  	_ =	shalt  }
0x70: {  	_ =	shalt  }
0x71: {  	_ =	shalt  }
0x72: {  	_ =	shalt  }
0x73: {  	_ =	shalt  }
0x74: {  	_ =	shalt  }
0x75: {  	_ =	shalt  }
0x76: {  	_ =	shalt  }
0x77: {  	_ =	shalt  }
0x78: {  	_ =	shalt  }
0x79: {  	_ =	shalt  }
0x7a: {  	_ =	shalt  }
0x7b: {  	_ =	shalt  }
0x7c: {  	_ =	shalt  }
0x7d: {  	_ =	shalt  }
0x7e: {  	_ =	shalt  }
0x7f: {  	_ =	shalt  }
0x80: {  	_ =	shalt  }
0x81: {  	_ =	shalt  }
0x82: {  	_ =	shalt  }
0x83: {  	_ =	shalt  }
0x84: {  	_ =	shalt  }
0x85: {  	_ =	shalt  }
0x86: {  	_ =	shalt  }
0x87: {  	_ =	shalt  }
.Lfunc_end0:
.L_simem_size_0:
called_computation.1_lowered:
.L_overlay_start_0:
0x88: {  	s2 =	sld [smem:$0x3FD9]  }
0x89: {  	s3 =	sld [smem:$0x3FFE];
	_ =	sdelay $0x1  }
0x8a: {  	s1 =	srdreg.scid  }
0x8b: {  	s0 =	sand.u32 $0x1, s1  }
0x8c: {  	s17 =	sshll.u32 s0, $0xA;
	s2 =	sadd.s32 s3, s2  }
0x8d: {  	s2 =	sadd.s32 s2, s17  }
0x8e: {  	[smem:$0x3FBA] =	sst s2  }
0x8f: {  	_ = 	snop  }
0x90: {  	s2 =	sld [smem:$0x3FD0];
	(tm) =	ssettm $0x1  }
0x91: {  	s18 =	sld [smem:$0x3FFB];
	_ =	sdelay $0x3  }
0x92: {  	_ =	strace s18  }
0x93: {  	s3 =	sld [smem:$0x3FFC];
	_ =	sdelay $0x3  }
0x94: {  	_ =	strace s3  }
0x95: {  	s3 =	sld [smem:$0x3FFD];
	_ =	sdelay $0x3  }
0x96: {  	_ =	strace s3  }
0x97: {  	_ =	strace $0x8FFFFFFF  }
0x98: {  	s19 =	sld [smem:$0x3FDB];
	_ =	sdelay $0x1  }
0x99: {  	s4 =	simm.s32 $_scs_section_size  }
0x9a: {  	s5 =	simm.s32 $_size__tile_overlayer_lowered;
	s6 =	simm.s32 $_tile_overlayer_lowered  }
0x9b: {  	s22 =	simm.s32 $0x1BFF;
	s21 =	sshll.u32 s6, $0x1;
	s3 =	sadd.s32 s4, s19  }
0x9c: {  	s7 =	simm.s32 $0x0;
	s20 =	sshll.u32 s5, $0x1;
	s5 =	sadd.s32 s21, s3  }
0x9d: {  	[timem:s7], [sflag:s22] =	dma.local [hbm:s5], s20  }
0x9e: {  	_ =	swait.ge [sflag:s22], s20  }
0x9f: {  	s4 =	ssub.s32 $0x0, s20;
	[sflag:s22] =	ssyncset.done $0x0  }
0xa0: {  	[sflag:s22] =	ssyncadd.s32 s4;
	_ =	sdelay $0x1  }
0xa1: {  	s23 =	simm.s32 $0x1B8B  }
0xa2: {  	_ =	swait.ge [sflag:s23], $0x1  }
0xa3: {  	[sflag:s23] =	ssyncset.done $0x0  }
0xa4: {  	s25 =	simm.s32 $0x1B8E;
	s24 =	sld [smem:$0x3FFE];
	[sflag:s23] =	ssyncadd.s32 $0xFFFFFFFF  }
0xa5: {  	s26 =	simm.s32 $execute0_lowered;
	[smem:$0x3FD2] =	sst s25  }
0xa6: {  	s5 =	sshll.u32 s26, $0x1;
	_ =	strace $0x80000049;
	[dreg:$0x1] =	wrdreg $0xFFFFFFFF  }
0xa7: {  	s28 =	simm.s32 $_size_execute0_lowered;
	s3 =	sadd.s32 s3, s5;
	[dreg:$0x0] =	wrdreg $0x0  }
0xa8: {  	s5 =	sshll.u32 s28, $0x1;
	[dreg:$0x2] =	wrdreg s3  }
0xa9: {  	[dreg:$0x3] =	wrdreg s5  }
0xaa: {  	[dreg:$0x4] =	wrdreg $0xC0  }
0xab: {  	_ =	task [dreg:s7], $0x5FFFF  }
0xac: {  	[dreg:$0x1] =	wrdreg $0xFFFFFFFF  }
0xad: {  	[dreg:$0x0] =	wrdreg $0x60  }
0xae: {  	[dreg:$0x2] =	wrdreg s2  }
0xaf: {  	[dreg:$0x3] =	wrdreg s24  }
0xb0: {  	[dreg:$0x4] =	wrdreg $0xBC000  }
0xb1: {  	[dreg:$0x5] =	wrdreg $0x9  }
0xb2: {  	_ =	task.clear_ibuf [dreg:s7], $0x6FFFF;
	_ =	strace $0x90000049  }
0xb3: {  	s29 =	simm.s32 $0x9;
	_ =	strace $0x8000004B  }
0xb4: {  	_ =	swait.ge [sflag:s29], $0x1  }
0xb5: {  	[sflag:s29] =	ssyncadd.s32 $0xFFFFFFFF  }
0xb6: {  	_ =	strace $0x9000004B  }
0xb7: {  	_ =	sfence  }
0xb8: {  	s30 =	sld [smem:$0x0];
	_ =	sdelay $0x2  }
0xb9: {  	s31 =	sshll.u32 s1, $0xD;
	s1 =	sshrl.u32 s1, $0x2  }
0xba: {  	s3 =	sand.u32 $0x4000, s31;
	s1 =	sadd.s32 s1, s30  }
0xbb: {  	s0 =	sor.u32 s3, s0;
	s1 =	sshll.u32 s1, $0x11  }
0xbc: {  	s0 =	sor.u32 s1, s0  }
0xbd: {  	s0 =	sadd.s32 $0x8F2B, s0  }
0xbe: {  	[sflag:s0] =	ssyncadd.remote.s32 $0x1  }
0xbf: {  	_ =	sfence.sel $0xFFFF  }
0xc0: {  	[dreg:$0x0] =	wrdreg $0xFFFFFFFF;
	(pc) =	sbr.abs _section_cstart, $3  }
0xc1: {  	[dreg:$0x1] =	wrdreg $0xFFFFFFFF  }
0xc2: {  	_ =	task.clear_ibuf [dreg:s7], $0x2FFFF;
	_ =	strace $0x9FFFFFFF  }
0xc3: {  	(tm) =	ssettm $0x7FFFFFFF  }
tec
execute0_lowered:
.L_overlay_start_1:
0x0: {  	(tag) =	ssettag $0x1  }
0x1: {  	s0 =	srdreg.scid;
	s1 =	rddreg [dreg:$0x0]  }
0x2: {  	s6 =	rddreg [dreg:$0x1];
	s28 =	simm.s32 $0x4;
	s29 =	simm.s32 $0x2  }
0x3: {  	s30 =	simm.s32 $0x2700;
	s2 =	sand.u32 $0x1, s0;
	s0 =	stileid.u32  }
0x4: {  	s31 =	simm.s32 $0x2780;
	s11 =	sadd.s32 $0x18E00, s6;
	s10 =	smul.u32 $0x50000, s0  }
0x5: {  	s13 =	sadd.s32 $0x25800, s1;
	s3 =	sshll.u32 s2, $0x4;
	s12 =	smul.u32 $0x2800, s0  }
0x6: {  	s7 =	ssub.s32 $0x2, s2;
	p1 =	seq.s32 s2, $0x0;
	s22 =	smul.u32 $0x138800, s2  }
0x7: {  	p4 =	sne.s32 s0, $0xF;
	p0 =	seq.s32 s0, $0xF;
	s23 =	smul.u32 $0x14000, s0  }
0x8: {  	s25 =	sshll.u32 s0, $0x6;
	s4 =	sor.u32 s0, s3;
	s3 =	rddreg [dreg:$0x2]  }
0x9: {  	s21 =	sshrl.u32 s7, $0x1;
	p2 =	por !p1, !p4;
	p3 =	por !p1, !p0  }
0xa: {  	s5 =	smul.u32 $0x2800, s4;
	s4 =	simm.s32 $0x0;
	s15 =	ssub.s32 s7, s21  }
0xb: {  	p1 =	por !p2, !p2;
	p2 =	por !p3, !p3;
	s8 =	sadd.s32 $0x12C000, s3  }
0xc: {  	s10 =	sshrl.u32 s10, $0x2;
	p3 =	seq.s32 s2, $0x1;
	s12 =	sadd.s32 s1, s12  }
0xd: {  	s2 =	sadd.s32 s23, s22;
	s21 =	simm.s32 $0x1;
	s23 =	simm.s32 $0x3C00  }
0xe: {  	[smem:$0x7FF] =	sst s4;
	s10 =	sadd.s32 s10, s3;
	p4 =	por !p4, !p3  }
0xf: {  	s2 =	sshrl.u32 s2, $0x3;
	_ =	strace $0x8000004A;
	[dreg:$0x4] =	wrdreg s13  }
0x10: {  	s15 =	smax.u32 s15, $0x1;
	s5 =	sshrl.u32 s5, $0x3;
	[dreg:$0x5] =	wrdreg s12  }
0x11: {  	p4 =	por !p4, !p4;
	s13 =	sshrl.u32 s22, $0x3;
	s26 =	sshrl.u32 s10, $0x3  }
0x12: {  	s22 =	simm.s32 $0x7D;
	s9 =	sadd.s32 s5, s6;
	s5 =	sadd.s32 $0x16600, s6  }
0x13: {  	s24 =	sadd.s32 s11, s13;
	s13 =	sadd.s32 s11, s2;
	s2 =	sor.u32 $0x1C03, s25  }
0x14: {  	[dreg:$0x7] =	wrdreg s26;
	s20 =	sshrl.u32 @p4 s10, $0x3;
	s25 =	simm.s32 $0x7C00  }
0x15: {  	s26 =	simm.s32 $0x3;
	s11 =	simm.s32 $0x0;
	s6 =	sadd.s32 $0x2600, s9  }
0x16: {  	s7 =	sadd.s32 $0xC600, s9;
	s12 =	sadd.s32 $0x2880, s9;
	s14 =	sadd.s32 $0x25800, s24  }
0x17: {  	s9 =	sshll.u32 @p4 s0, $0x6;
	[dreg:$0x6] =	wrdreg s2;
	s24 =	simm.s32 $0x80  }
0x18: {  	s2 =	simm.s32 $0x3B00;
	s19 =	sor.u32 @p4 $0x1C03, s9;
	s9 =	simm.s32 $0x3B80  }
.LBB2_1:
.Ltmp0:
0x19: {  	(pc) =	sbr.rel @!p1 .LBB2_4-.Ltmp0, $4  }
0x1a: {  	_ = 	snop  }
0x1b: {  	[tilespmem:s4], [sflag:$0x1] =	stream.linear.gather [hbm4b:s6+s4], $0x1400, $0x38;
	[tilespmem:$0x1F480] =	vst v63  }
0x1c: {  	s16 =	simm.s32 $0x1400  }
0x1d: {  	[tilespmem:s16], [sflag:$0x3] =	stream.linear.gather [hbm4b:s7+s4], $0x2800, $0x38;
	[tilespmem:$0x1F480] =	vst v63  }
.Ltmp1:
0x1e: {  	(pc) =	sbr.rel .LBB2_3-.Ltmp1, $4  }
0x1f: {  	s16 =	rddreg [dreg:$0x5]  }
0x20: {  	s17 =	rddreg [dreg:$0x6]  }
0x21: {  	s18 =	rddreg [dreg:$0x7];
	p5 =	por $0x0, $0x0  }
0x22: {  	[spmem:s18], [sflag:s17] =	dma.local [hbm:s16], $0x2800  }
.LBB2_4:
.Ltmp2:
0x23: {  	(pc) =	sbr.rel @!p2 .LBB2_3-.Ltmp2, $2  }
0x24: {  	_ =	sdelay $0x2  }
0x25: {  	p5 =	por p0, p0  }
.Ltmp3:
0x26: {  	(pc) =	sbr.rel .LBB2_6-.Ltmp3, $4  }
0x27: {  	_ = 	snop  }
0x28: {  	s16 =	sshrl.u32 s8, $0x3  }
0x29: {  	s17 =	rddreg [dreg:$0x4];
	s18 =	simm.s32 $0x1FC3;
	p5 =	por $0x1, $0x1  }
0x2a: {  	[spmem:s16], [sflag:s18] =	dma.local [hbm:s17], $0x1900  }
.LBB2_3:
0x2b: {  	[spmem:s20], [sflag:s19] =	dma.local @p4 [hbm:s5], $0x2800  }
0x2c: {  	p6 =	por @p4 $0x1, $0x1  }
0x2d: {  	p6 =	por @!p4 p3, p3  }
0x2e: {  	p6 =	por !p6, !p5  }
0x2f: {  	p6 =	por !p6, !p6  }
0x30: {  	s16 =	sshll.u32 @p6 s0, $0x6  }
0x31: {  	s17 =	sshrl.u32 @p6 s8, $0x3;
	s16 =	sor.u32 @p6 $0x1C03, s16  }
0x32: {  	[spmem:s17], [sflag:s16] =	dma.local @p6 [hbm:s5], $0x1900  }
.LBB2_6:
0x33: {  	_ =	swait.ge [sflag:s21], $0x1400  }
0x34: {  	[sflag:s21] =	ssyncset.done $0x0  }
0x35: {  	[sflag:s21] =	ssyncadd.s32 $0xFFFFEC00  }
0x36: {  	[tilespmem:s23], [sflag:$0x1] =	stream.indirect.gather [hbm4b:s1+s22], $0x80, s4, s22, $0xb8;
	[tilespmem:$0x1F480] =	vst v63  }
0x37: {  	_ = 	snop  }
0x38: {  	[tilespmem:s25], [sflag:$0x2] =	stream.indirect.gather [hbm4b:s1+s22], $0x80, s24, s22, $0xb8;
	[tilespmem:$0x1F480] =	vst v63  }
0x39: {  	_ =	swait.ge [sflag:s26], $0x2800  }
0x3a: {  	[sflag:s26] =	ssyncset.done $0x0  }
0x3b: {  	s16 =	simm.s32 @!p0 $0x3;
	[sflag:s26] =	ssyncadd.s32 $0xFFFFD800  }
0x3c: {  	_ =	swait.ge @!p0 [sflag:s16], $0x2800  }
0x3d: {  	[sflag:s16] =	ssyncset.done @!p0 $0x0  }
0x3e: {  	[sflag:s16] =	ssyncadd.s32 @!p0 $0xFFFFD800;
	s16 =	simm.s32 @p5 $0x3  }
0x3f: {  	_ =	swait.ge @p5 [sflag:s16], $0x1900  }
0x40: {  	[sflag:s16] =	ssyncset.done @p5 $0x0  }
0x41: {  	[sflag:s16] =	ssyncadd.s32 @p5 $0xFFFFE700  }
0x42: {  	[bflag:$0x0] =	sbarrier.arrive $0xFFFF  }
0x43: {  	_ =	swait.ge [sflag:s21], $0x3E80  }
0x44: {  	[sflag:s21] =	ssyncset.done $0x0  }
0x45: {  	s18 =	simm.s32 $0x1400;
	[sflag:s21] =	ssyncadd.s32 $0xFFFFC180  }
0x46: {  	[spmem:s3] =	stream.indirect.scatter.add.f32 [tilespmem:s23], [sflag:$0x4], $0x80, s18, s22, $0xb8;
	[tilespmem:$0x1F480] =	vst v63  }
0x47: {  	_ =	swait.ge [sflag:s28], $0x3E80  }
0x48: {  	[sflag:s28] =	ssyncset.done $0x0  }
0x49: {  	s17 =	simm.s32 $0x100;
	[sflag:s28] =	ssyncadd.s32 $0xFFFFC180  }
0x4a: {  	[tilespmem:s23], [sflag:$0x1] =	stream.indirect.gather [hbm4b:s1+s22], $0x80, s17, s22, $0xb8;
	[tilespmem:$0x1F480] =	vst v63  }
0x4b: {  	_ =	swait.ge [sflag:s29], $0x3E80  }
0x4c: {  	[sflag:s29] =	ssyncset.done $0x0  }
0x4d: {  	s18 =	simm.s32 $0x1480;
	[sflag:s29] =	ssyncadd.s32 $0xFFFFC180  }
0x4e: {  	[spmem:s3] =	stream.indirect.scatter.add.f32 [tilespmem:s25], [sflag:$0x4], $0x80, s18, s22, $0xb8;
	[tilespmem:$0x1F480] =	vst v63  }
0x4f: {  	_ =	swait.ge [sflag:s28], $0x3E80  }
0x50: {  	[sflag:s28] =	ssyncset.done $0x0  }
0x51: {  	s16 =	simm.s32 $0x400;
	s17 =	simm.s32 $0x180;
	[sflag:s28] =	ssyncadd.s32 $0xFFFFC180  }
.LBB2_7:
0x52: {  	[tilespmem:s25], [sflag:$0x2] =	stream.indirect.gather [hbm4b:s1+s22], $0x80, s17, s22, $0xb8;
	[tilespmem:$0x1F480] =	vst v63  }
0x53: {  	s17 =	smov.u32 s16  }
0x54: {  	p6 =	sne.s32 s16, $0x4800;
	s16 =	sadd.s32 $0x400, s16;
	_ =	swait.ge [sflag:s21], $0x3E80  }
0x55: {  	s17 =	sshra.s32 s17, $0x2;
	[sflag:s21] =	ssyncset.done $0x0  }
0x56: {  	s18 =	sadd.s32 $0x1400, s17;
	[sflag:s21] =	ssyncadd.s32 $0xFFFFC180  }
0x57: {  	[spmem:s3] =	stream.indirect.scatter.add.f32 [tilespmem:s23], [sflag:$0x4], $0x80, s18, s22, $0xb8;
	[tilespmem:$0x1F480] =	vst v63  }
0x58: {  	_ =	swait.ge [sflag:s28], $0x3E80  }
0x59: {  	[sflag:s28] =	ssyncset.done $0x0  }
0x5a: {  	s18 =	sadd.s32 $0x100, s17;
	[sflag:s28] =	ssyncadd.s32 $0xFFFFC180  }
0x5b: {  	[tilespmem:s23], [sflag:$0x1] =	stream.indirect.gather [hbm4b:s1+s22], $0x80, s18, s22, $0xb8;
	[tilespmem:$0x1F480] =	vst v63  }
0x5c: {  	_ =	swait.ge [sflag:s29], $0x3E80  }
0x5d: {  	[sflag:s29] =	ssyncset.done $0x0  }
.Ltmp4:
0x5e: {  	s18 =	sadd.s32 $0x1480, s17;
	[sflag:s29] =	ssyncadd.s32 $0xFFFFC180;
	(pc) =	sbr.rel @p6 .LBB2_7-.Ltmp4, $4  }
0x5f: {  	[spmem:s3] =	stream.indirect.scatter.add.f32 [tilespmem:s25], [sflag:$0x4], $0x80, s18, s22, $0xb8;
	[tilespmem:$0x1F480] =	vst v63  }
0x60: {  	_ =	swait.ge [sflag:s28], $0x3E80  }
0x61: {  	[sflag:s28] =	ssyncset.done $0x0  }
0x62: {  	s17 =	sadd.s32 $0x180, s17;
	[sflag:s28] =	ssyncadd.s32 $0xFFFFC180  }
0x63: {  	[tilespmem:s25], [sflag:$0x2] =	stream.indirect.gather [hbm4b:s1+s22], $0x80, s17, s22, $0xb8;
	[tilespmem:$0x1F480] =	vst v63  }
0x64: {  	_ =	swait.ge [sflag:s21], $0x3E80  }
0x65: {  	[sflag:s21] =	ssyncset.done $0x0  }
0x66: {  	[sflag:s21] =	ssyncadd.s32 $0xFFFFC180  }
0x67: {  	[spmem:s3] =	stream.indirect.scatter.add.f32 [tilespmem:s23], [sflag:$0x4], $0x80, s30, s22, $0xb8;
	[tilespmem:$0x1F480] =	vst v63  }
0x68: {  	_ =	swait.ge [sflag:s28], $0x3E80  }
0x69: {  	[sflag:s28] =	ssyncset.done $0x0  }
0x6a: {  	[sflag:s28] =	ssyncadd.s32 $0xFFFFC180  }
0x6b: {  	_ =	swait.ge [sflag:s29], $0x3E80  }
0x6c: {  	[sflag:s29] =	ssyncset.done $0x0  }
0x6d: {  	[sflag:s29] =	ssyncadd.s32 $0xFFFFC180  }
0x6e: {  	[spmem:s3] =	stream.indirect.scatter.add.f32 [tilespmem:s25], [sflag:$0x4], $0x80, s31, s22, $0xb8;
	[tilespmem:$0x1F480] =	vst v63  }
0x6f: {  	_ =	swait.ge [sflag:s28], $0x3E80  }
0x70: {  	[sflag:s28] =	ssyncset.done $0x0  }
0x71: {  	[sflag:s28] =	ssyncadd.s32 $0xFFFFC180  }
0x72: {  	[tilespmem:s4], [sflag:$0x4] =	stream.linear.gather [hbm4b:s12+s4], $0x1400, $0x38;
	[tilespmem:$0x1F480] =	vst v63  }
0x73: {  	_ =	swait.ge [sflag:s28], $0x1400  }
0x74: {  	[sflag:s28] =	ssyncset.done $0x0  }
0x75: {  	[sflag:s28] =	ssyncadd.s32 $0xFFFFEC00  }
0x76: {  	[tilespmem:s23], [sflag:$0x1] =	stream.indirect.gather [hbm4b:s1+s22], $0x80, s4, s22, $0xb8;
	[tilespmem:$0x1F480] =	vst v63  }
0x77: {  	_ = 	snop  }
0x78: {  	[tilespmem:s25], [sflag:$0x2] =	stream.indirect.gather [hbm4b:s1+s22], $0x80, s24, s22, $0xb8;
	[tilespmem:$0x1F480] =	vst v63  }
0x79: {  	_ =	swait.ge [sflag:s21], $0x3E80  }
0x7a: {  	[sflag:s21] =	ssyncset.done $0x0  }
0x7b: {  	s16 =	simm.s32 $0x2800;
	[sflag:s21] =	ssyncadd.s32 $0xFFFFC180  }
0x7c: {  	[spmem:s3] =	stream.indirect.scatter.add.f32 [tilespmem:s23], [sflag:$0x4], $0x80, s16, s22, $0xb8;
	[tilespmem:$0x1F480] =	vst v63  }
0x7d: {  	_ =	swait.ge [sflag:s28], $0x3E80  }
0x7e: {  	[sflag:s28] =	ssyncset.done $0x0  }
0x7f: {  	s17 =	simm.s32 $0x100;
	[sflag:s28] =	ssyncadd.s32 $0xFFFFC180  }
0x80: {  	[tilespmem:s23], [sflag:$0x1] =	stream.indirect.gather [hbm4b:s1+s22], $0x80, s17, s22, $0xb8;
	[tilespmem:$0x1F480] =	vst v63  }
0x81: {  	_ =	swait.ge [sflag:s29], $0x3E80  }
0x82: {  	[sflag:s29] =	ssyncset.done $0x0  }
0x83: {  	s18 =	simm.s32 $0x2880;
	[sflag:s29] =	ssyncadd.s32 $0xFFFFC180  }
0x84: {  	[spmem:s3] =	stream.indirect.scatter.add.f32 [tilespmem:s25], [sflag:$0x4], $0x80, s18, s22, $0xb8;
	[tilespmem:$0x1F480] =	vst v63  }
0x85: {  	_ =	swait.ge [sflag:s28], $0x3E80  }
0x86: {  	[sflag:s28] =	ssyncset.done $0x0  }
0x87: {  	s16 =	simm.s32 $0xFFFFB800;
	s17 =	simm.s32 $0x180;
	[sflag:s28] =	ssyncadd.s32 $0xFFFFC180  }
.LBB2_9:
0x88: {  	[tilespmem:s25], [sflag:$0x2] =	stream.indirect.gather [hbm4b:s1+s22], $0x80, s17, s22, $0xb8;
	[tilespmem:$0x1F480] =	vst v63  }
0x89: {  	s17 =	smov.u32 s16  }
0x8a: {  	p6 =	sne.s32 s16, $0xFFFFFC00;
	s16 =	sadd.s32 $0x400, s16;
	_ =	swait.ge [sflag:s21], $0x3E80  }
0x8b: {  	s17 =	sshra.s32 s17, $0x2;
	[sflag:s21] =	ssyncset.done $0x0  }
0x8c: {  	s18 =	sadd.s32 $0x3B00, s17;
	[sflag:s21] =	ssyncadd.s32 $0xFFFFC180  }
0x8d: {  	[spmem:s3] =	stream.indirect.scatter.add.f32 [tilespmem:s23], [sflag:$0x4], $0x80, s18, s22, $0xb8;
	[tilespmem:$0x1F480] =	vst v63  }
0x8e: {  	_ =	swait.ge [sflag:s28], $0x3E80  }
0x8f: {  	[sflag:s28] =	ssyncset.done $0x0  }
0x90: {  	s18 =	sadd.s32 $0x1400, s17;
	[sflag:s28] =	ssyncadd.s32 $0xFFFFC180  }
0x91: {  	[tilespmem:s23], [sflag:$0x1] =	stream.indirect.gather [hbm4b:s1+s22], $0x80, s18, s22, $0xb8;
	[tilespmem:$0x1F480] =	vst v63  }
0x92: {  	_ =	swait.ge [sflag:s29], $0x3E80  }
0x93: {  	[sflag:s29] =	ssyncset.done $0x0  }
.Ltmp5:
0x94: {  	s18 =	sadd.s32 $0x3B80, s17;
	[sflag:s29] =	ssyncadd.s32 $0xFFFFC180;
	(pc) =	sbr.rel @p6 .LBB2_9-.Ltmp5, $4  }
0x95: {  	[spmem:s3] =	stream.indirect.scatter.add.f32 [tilespmem:s25], [sflag:$0x4], $0x80, s18, s22, $0xb8;
	[tilespmem:$0x1F480] =	vst v63  }
0x96: {  	_ =	swait.ge [sflag:s28], $0x3E80  }
0x97: {  	[sflag:s28] =	ssyncset.done $0x0  }
0x98: {  	s17 =	sadd.s32 $0x1480, s17;
	[sflag:s28] =	ssyncadd.s32 $0xFFFFC180  }
0x99: {  	[tilespmem:s25], [sflag:$0x2] =	stream.indirect.gather [hbm4b:s1+s22], $0x80, s17, s22, $0xb8;
	[tilespmem:$0x1F480] =	vst v63  }
0x9a: {  	_ =	swait.ge [sflag:s21], $0x3E80  }
0x9b: {  	[sflag:s21] =	ssyncset.done $0x0  }
0x9c: {  	[sflag:s21] =	ssyncadd.s32 $0xFFFFC180  }
0x9d: {  	[spmem:s3] =	stream.indirect.scatter.add.f32 [tilespmem:s23], [sflag:$0x4], $0x80, s2, s22, $0xb8;
	[tilespmem:$0x1F480] =	vst v63  }
0x9e: {  	_ =	swait.ge [sflag:s28], $0x3E80  }
0x9f: {  	[sflag:s28] =	ssyncset.done $0x0  }
0xa0: {  	[sflag:s28] =	ssyncadd.s32 $0xFFFFC180  }
0xa1: {  	_ =	swait.ge [sflag:s29], $0x3E80  }
0xa2: {  	[sflag:s29] =	ssyncset.done $0x0  }
0xa3: {  	[sflag:s29] =	ssyncadd.s32 $0xFFFFC180  }
0xa4: {  	[spmem:s3] =	stream.indirect.scatter.add.f32 [tilespmem:s25], [sflag:$0x4], $0x80, s9, s22, $0xb8;
	[tilespmem:$0x1F480] =	vst v63  }
0xa5: {  	_ =	swait.ge [sflag:s28], $0x3E80  }
0xa6: {  	[sflag:s28] =	ssyncset.done $0x0  }
0xa7: {  	s16 =	sshll.u32 @!p0 s0, $0x6;
	[sflag:s28] =	ssyncadd.s32 $0xFFFFC180  }
0xa8: {  	s17 =	sshrl.u32 @!p0 s10, $0x3;
	s16 =	sor.u32 @!p0 $0x1C04, s16;
	[bflag:$0x0] =	sbarrier.arrive $0xFFFF  }
0xa9: {  	[hbm:s13], [sflag:s16] =	dma.local @!p0 [spmem:s17], $0x2800  }
0xaa: {  	s16 =	simm.s32 @!p0 $0x4  }
0xab: {  	s11 =	sadd.s32 $0x1, s11;
	_ =	swait.ge @!p0 [sflag:s16], $0x2800  }
0xac: {  	p6 =	sne.s32 s11, s15;
	s17 =	sshll.u32 @p5 s0, $0x6;
	[sflag:s16] =	ssyncset.done @!p0 $0x0  }
0xad: {  	[sflag:s16] =	ssyncadd.s32 @!p0 $0xFFFFD800;
	s16 =	sor.u32 @p5 $0x1C04, s17;
	s17 =	sshrl.u32 @p5 s8, $0x3  }
0xae: {  	[hbm:s14], [sflag:s16] =	dma.local @p5 [spmem:s17], $0x1900  }
.Ltmp6:
0xaf: {  	_ = 	snop;
	(pc) =	sbr.rel @p6 .LBB2_1-.Ltmp6, $4  }
0xb0: {  	s16 =	simm.s32 @p5 $0x4  }
0xb1: {  	_ =	swait.ge @p5 [sflag:s16], $0x1900  }
0xb2: {  	[sflag:s16] =	ssyncset.done @p5 $0x0  }
0xb3: {  	[sflag:s16] =	ssyncadd.s32 @p5 $0xFFFFE700  }
0xb4: {  	_ =	sfence.sel $0x180000  }
0xb5: {  	[bflag:$0x0] =	sbarrier.arrive $0xFFFF  }
0xb6: {  	_ =	strace $0x9000004A  }
0xb7: {  	[bflag:$0x2] =	sbarrier.arrive $0xFFFF  }
0xb8: {  	p0 =	sne.s32 s0, $0x0;
	s0 =	rddreg [dreg:$0x3]  }
0xb9: {  	s0 =	sadd.s32 @!p0 $0x100000, s0  }
0xba: {  	[sflag:s0] =	ssyncadd.tile.s32 @!p0 $0x1;
	_ =	shalt  }
.Lfunc_end2:
_tile_overlayer_lowered:
.L_overlay_start_2:
0xbb: {  	(tag) =	ssettag $0x2  }
0xbc: {  	s0 =	rddreg [dreg:$0x0];
	s2 =	stileid.u32  }
0xbd: {  	s1 =	rddreg [dreg:$0x1];
	p0 =	sne.s32 s2, $0x0  }
0xbe: {  	s3 =	rddreg [dreg:$0x2];
	[bflag:$0x3] =	sbarrier.arrive $0xFFFF;
	s2 =	simm.s32 @!p0 $0x1C04  }
0xbf: {  	[timem:s3], [sflag:s2] =	dma.local @!p0 [hbm:s0], s1  }
0xc0: {  	s0 =	simm.s32 @!p0 $0x4  }
0xc1: {  	_ =	swait.ge @!p0 [sflag:s0], s1  }
0xc2: {  	s1 =	ssub.s32 @!p0 $0x0, s1;
	[sflag:s0] =	ssyncset.done @!p0 $0x0  }
0xc3: {  	[sflag:s0] =	ssyncadd.s32 @!p0 s1  }
0xc4: {  	[bflag:$0x3] =	sbarrier.arrive $0xFFFF  }
0xc5: {  	_ =	shalt  }

// kernel: kernel.14.cloned.1.call-start
scs
__scs_entry_jumppad:
0x0: {  	(pc) =	sbr.rel $0x88, $3  }
0x1: {  	(tag) =	ssettag $0x0;
	lr =	simm.s32 $0x1  }
0x2: {  	[smem:$0x3F93] =	sst lr;
	_ =	strace $0xD0000000  }
0x3: {  	_ = 	snop  }
0x4: {  	_ = 	snop  }
0x5: {  	_ = 	snop  }
0x6: {  	_ = 	snop  }
0x7: {  	_ = 	snop  }
__scs_overlays_trampoline_lowered:
0x8: {  	[smem:$0x3FA2] =	sst s0  }
0x9: {  	[smem:$0x3FA3] =	sst s1  }
0xa: {  	[smem:$0x3FA4] =	sst s2  }
0xb: {  	[smem:$0x3FA5] =	sst s3  }
0xc: {  	[smem:$0x3FA6] =	sst s4  }
0xd: {  	[smem:$0x3FA7] =	sst s5  }
0xe: {  	[smem:$0x3FA8] =	sst s6  }
0xf: {  	[smem:$0x3FA9] =	sst s7  }
0x10: {  	[smem:$0x3FAA] =	sst s8  }
0x11: {  	[smem:$0x3FAB] =	sst s9;
	s0 =	simm.s32 @!p0 $0x0  }
0x12: {  	s1 =	sld [smem:$0x3F91];
	s0 =	simm.s32 @p0 $0x1  }
0x13: {  	[smem:$0x3FAC] =	sst s0;
	s0 =	simm.s32 @!p1 $0x0  }
0x14: {  	s2 =	sld [smem:$0x3F90];
	s0 =	simm.s32 @p1 $0x1  }
0x15: {  	[smem:$0x3FAD] =	sst s0;
	s0 =	simm.s32 @!p2 $0x0  }
0x16: {  	s3 =	sld [smem:$0x3FDB];
	s0 =	simm.s32 @p2 $0x1  }
0x17: {  	s4 =	simm.s32 $0x1BF5;
	[smem:$0x3FAF] =	sst s0  }
0x18: {  	s0 =	sld [smem:$0x3F92];
	_ =	swait.ge [sflag:s4], $0x0  }
0x19: {  	s7 =	sld [smem:$0x3F93]  }
0x1a: {  	s8 =	sadd.s32 $0xFFFFE003, lr  }
0x1b: {  	s9 =	sadd.s32 $0xFFFFFEF7, lr;
	s5 =	simm.s32 $0xFFFFFFFF;
	p2 =	slt.u32 s8, $0xFFFFF086  }
0x1c: {  	p1 =	slt.u32 s9, $0xF7A;
	s5 =	simm.s32 @!p2 $0x0  }
0x1d: {  	s5 =	simm.s32 @p1 $0x1;
	p0 =	seq.s32 s7, s2  }
0x1e: {  	s7 =	smul.u32 @!p0 $0xF7A, s2;
	p2 =	seq.s32 @!p0 s5, $0x0  }
0x1f: {  	s9 =	smul.u32 $0xF7A, s1;
	s8 =	simm.s32 @!p0 $0x1BF5;
	p2 =	por !p2, p0  }
0x20: {  	[sflag:s8] =	ssyncset.s32 @!p0 $0xFFFFF086;
	s6 =	sadd.s32 @!p0 s3, s7;
	s7 =	simm.s32 @!p0 $0x108  }
0x21: {  	s3 =	sadd.s32 s3, s9;
	s6 =	sadd.s32 @!p0 $0x88, s6;
	s7 =	simm.s32 @p2 $0x1082  }
0x22: {  	[simem:s7], [sflag:s8] =	dma.local @!p0 [hbm:s6], $0xF7A  }
0x23: {  	s9 =	sor.u32 $0xD0000000, s2;
	s6 =	simm.s32 $0x108;
	_ =	swait.ge @!p0 [sflag:s8], $0x0  }
0x24: {  	s3 =	sadd.s32 $0x88, s3;
	s6 =	simm.s32 @!p1 $0x1082;
	[sflag:s4] =	ssyncset.s32 $0xFFFFF086  }
0x25: {  	[simem:s6], [sflag:s4] =	dma.local [hbm:s3], $0xF7A  }
0x26: {  	[smem:$0x3F93] =	sst s1;
	(tag) =	ssettag s2;
	_ =	strace s9  }
0x27: {  	s1 =	sld [smem:$0x3FA3]  }
0x28: {  	s2 =	sld [smem:$0x3FA4]  }
0x29: {  	s4 =	sld [smem:$0x3FA6]  }
0x2a: {  	p0 =	seq.s32 s5, $0x0;
	s5 =	sld [smem:$0x3FA7]  }
0x2b: {  	s6 =	sld [smem:$0x3FA8]  }
0x2c: {  	s7 =	sld [smem:$0x3FA9]  }
0x2d: {  	s3 =	simm.s32 $0x108;
	s8 =	sld [smem:$0x3FAA]  }
0x2e: {  	s3 =	simm.s32 @!p0 $0x1082;
	s9 =	sld [smem:$0x3FAB]  }
0x2f: {  	lr =	sadd.s32 s0, s3;
	s0 =	sld [smem:$0x3FA2]  }
0x30: {  	s3 =	sld [smem:$0x3FA5]  }
0x31: {  	[smem:$0x3FAE] =	sst s10  }
0x32: {  	s10 =	sld [smem:$0x3FAC];
	_ =	sdelay $0x3  }
0x33: {  	p0 =	seq.s32 s10, $0x1;
	s10 =	sld [smem:$0x3FAE];
	_ =	sdelay $0x3  }
0x34: {  	[smem:$0x3FAE] =	sst s10  }
0x35: {  	s10 =	sld [smem:$0x3FAD];
	_ =	sdelay $0x3  }
0x36: {  	p1 =	seq.s32 s10, $0x1;
	s10 =	sld [smem:$0x3FAE];
	_ =	sdelay $0x3  }
0x37: {  	[smem:$0x3FAE] =	sst s10  }
0x38: {  	s10 =	sld [smem:$0x3FAF]  }
0x39: {  	_ = 	snop;
	(pc) =	sbr.ind lr, $3  }
0x3a: {  	_ = 	snop  }
0x3b: {  	_ = 	snop  }
0x3c: {  	p2 =	seq.s32 s10, $0x1;
	s10 =	sld [smem:$0x3FAE]  }
0x3d: {  	_ =	shalt  }
0x3e: {  	_ =	shalt  }
0x3f: {  	_ =	shalt  }
0x40: {  	_ =	shalt  }
0x41: {  	_ =	shalt  }
0x42: {  	_ =	shalt  }
0x43: {  	_ =	shalt  }
0x44: {  	_ =	shalt  }
0x45: {  	_ =	shalt  }
0x46: {  	_ =	shalt  }
0x47: {  	_ =	shalt  }
0x48: {  	_ =	shalt  }
0x49: {  	_ =	shalt  }
0x4a: {  	_ =	shalt  }
0x4b: {  	_ =	shalt  }
0x4c: {  	_ =	shalt  }
0x4d: {  	_ =	shalt  }
0x4e: {  	_ =	shalt  }
0x4f: {  	_ =	shalt  }
0x50: {  	_ =	shalt  }
0x51: {  	_ =	shalt  }
0x52: {  	_ =	shalt  }
0x53: {  	_ =	shalt  }
0x54: {  	_ =	shalt  }
0x55: {  	_ =	shalt  }
0x56: {  	_ =	shalt  }
0x57: {  	_ =	shalt  }
0x58: {  	_ =	shalt  }
0x59: {  	_ =	shalt  }
0x5a: {  	_ =	shalt  }
0x5b: {  	_ =	shalt  }
0x5c: {  	_ =	shalt  }
0x5d: {  	_ =	shalt  }
0x5e: {  	_ =	shalt  }
0x5f: {  	_ =	shalt  }
0x60: {  	_ =	shalt  }
0x61: {  	_ =	shalt  }
0x62: {  	_ =	shalt  }
0x63: {  	_ =	shalt  }
0x64: {  	_ =	shalt  }
0x65: {  	_ =	shalt  }
0x66: {  	_ =	shalt  }
0x67: {  	_ =	shalt  }
0x68: {  	_ =	shalt  }
0x69: {  	_ =	shalt  }
0x6a: {  	_ =	shalt  }
0x6b: {  	_ =	shalt  }
0x6c: {  	_ =	shalt  }
0x6d: {  	_ =	shalt  }
0x6e: {  	_ =	shalt  }
0x6f: {  	_ =	shalt  }
0x70: {  	_ =	shalt  }
0x71: {  	_ =	shalt  }
0x72: {  	_ =	shalt  }
0x73: {  	_ =	shalt  }
0x74: {  	_ =	shalt  }
0x75: {  	_ =	shalt  }
0x76: {  	_ =	shalt  }
0x77: {  	_ =	shalt  }
0x78: {  	_ =	shalt  }
0x79: {  	_ =	shalt  }
0x7a: {  	_ =	shalt  }
0x7b: {  	_ =	shalt  }
0x7c: {  	_ =	shalt  }
0x7d: {  	_ =	shalt  }
0x7e: {  	_ =	shalt  }
0x7f: {  	_ =	shalt  }
0x80: {  	_ =	shalt  }
0x81: {  	_ =	shalt  }
0x82: {  	_ =	shalt  }
0x83: {  	_ =	shalt  }
0x84: {  	_ =	shalt  }
0x85: {  	_ =	shalt  }
0x86: {  	_ =	shalt  }
0x87: {  	_ =	shalt  }
.Lfunc_end0:
.L_simem_size_0:
called_computation.2_lowered:
.L_overlay_start_0:
0x88: {  	s2 =	sld [smem:$0x3FD9]  }
0x89: {  	s3 =	sld [smem:$0x3FFE];
	_ =	sdelay $0x1  }
0x8a: {  	s1 =	srdreg.scid  }
0x8b: {  	s0 =	sand.u32 $0x1, s1  }
0x8c: {  	s17 =	sshll.u32 s0, $0xA;
	s2 =	sadd.s32 s3, s2  }
0x8d: {  	s2 =	sadd.s32 s2, s17  }
0x8e: {  	[smem:$0x3FBA] =	sst s2  }
0x8f: {  	_ = 	snop  }
0x90: {  	s2 =	sld [smem:$0x3FD0];
	(tm) =	ssettm $0x1  }
0x91: {  	s18 =	sld [smem:$0x3FFB];
	_ =	sdelay $0x3  }
0x92: {  	_ =	strace s18  }
0x93: {  	s3 =	sld [smem:$0x3FFC];
	_ =	sdelay $0x3  }
0x94: {  	_ =	strace s3  }
0x95: {  	s3 =	sld [smem:$0x3FFD];
	_ =	sdelay $0x3  }
0x96: {  	_ =	strace s3  }
0x97: {  	_ =	strace $0x8FFFFFFF  }
0x98: {  	s19 =	sld [smem:$0x3FDB];
	_ =	sdelay $0x1  }
0x99: {  	s4 =	simm.s32 $_scs_section_size  }
0x9a: {  	s5 =	simm.s32 $_size__tile_overlayer_lowered;
	s6 =	simm.s32 $_tile_overlayer_lowered  }
0x9b: {  	s22 =	simm.s32 $0x1BFF;
	s21 =	sshll.u32 s6, $0x1;
	s3 =	sadd.s32 s4, s19  }
0x9c: {  	s7 =	simm.s32 $0x0;
	s20 =	sshll.u32 s5, $0x1;
	s5 =	sadd.s32 s21, s3  }
0x9d: {  	[timem:s7], [sflag:s22] =	dma.local [hbm:s5], s20  }
0x9e: {  	_ =	swait.ge [sflag:s22], s20  }
0x9f: {  	s4 =	ssub.s32 $0x0, s20;
	[sflag:s22] =	ssyncset.done $0x0  }
0xa0: {  	[sflag:s22] =	ssyncadd.s32 s4;
	_ =	sdelay $0x1  }
0xa1: {  	s23 =	simm.s32 $0x1B8B  }
0xa2: {  	_ =	swait.ge [sflag:s23], $0x1  }
0xa3: {  	[sflag:s23] =	ssyncset.done $0x0  }
0xa4: {  	s25 =	simm.s32 $0x1B8E;
	s24 =	sld [smem:$0x3FFE];
	[sflag:s23] =	ssyncadd.s32 $0xFFFFFFFF  }
0xa5: {  	s26 =	simm.s32 $execute0_lowered;
	[smem:$0x3FD2] =	sst s25  }
0xa6: {  	s5 =	sshll.u32 s26, $0x1;
	_ =	strace $0x8000004C;
	[dreg:$0x1] =	wrdreg $0xFFFFFFFF  }
0xa7: {  	s28 =	simm.s32 $_size_execute0_lowered;
	s3 =	sadd.s32 s3, s5;
	[dreg:$0x0] =	wrdreg $0x0  }
0xa8: {  	s5 =	sshll.u32 s28, $0x1;
	[dreg:$0x2] =	wrdreg s3  }
0xa9: {  	[dreg:$0x3] =	wrdreg s5  }
0xaa: {  	[dreg:$0x4] =	wrdreg $0xC0  }
0xab: {  	_ =	task [dreg:s7], $0x5FFFF  }
0xac: {  	[dreg:$0x1] =	wrdreg $0xFFFFFFFF  }
0xad: {  	[dreg:$0x0] =	wrdreg $0x60  }
0xae: {  	[dreg:$0x2] =	wrdreg s2  }
0xaf: {  	[dreg:$0x3] =	wrdreg s24  }
0xb0: {  	[dreg:$0x4] =	wrdreg $0xBC000  }
0xb1: {  	[dreg:$0x5] =	wrdreg $0x9  }
0xb2: {  	_ =	task.clear_ibuf [dreg:s7], $0x6FFFF;
	_ =	strace $0x9000004C  }
0xb3: {  	s29 =	simm.s32 $0x9;
	_ =	strace $0x8000004E  }
0xb4: {  	_ =	swait.ge [sflag:s29], $0x1  }
0xb5: {  	[sflag:s29] =	ssyncadd.s32 $0xFFFFFFFF  }
0xb6: {  	_ =	strace $0x9000004E  }
0xb7: {  	_ =	sfence  }
0xb8: {  	s30 =	sld [smem:$0x0];
	_ =	sdelay $0x2  }
0xb9: {  	s31 =	sshll.u32 s1, $0xD;
	s1 =	sshrl.u32 s1, $0x2  }
0xba: {  	s3 =	sand.u32 $0x4000, s31;
	s1 =	sadd.s32 s1, s30  }
0xbb: {  	s0 =	sor.u32 s3, s0;
	s1 =	sshll.u32 s1, $0x11  }
0xbc: {  	s0 =	sor.u32 s1, s0  }
0xbd: {  	s0 =	sadd.s32 $0x8F2B, s0  }
0xbe: {  	[sflag:s0] =	ssyncadd.remote.s32 $0x1  }
0xbf: {  	_ =	sfence.sel $0xFFFF  }
0xc0: {  	[dreg:$0x0] =	wrdreg $0xFFFFFFFF;
	(pc) =	sbr.abs _section_cstart, $3  }
0xc1: {  	[dreg:$0x1] =	wrdreg $0xFFFFFFFF  }
0xc2: {  	_ =	task.clear_ibuf [dreg:s7], $0x2FFFF;
	_ =	strace $0x9FFFFFFF  }
0xc3: {  	(tm) =	ssettm $0x7FFFFFFF  }
tec
execute0_lowered:
.L_overlay_start_1:
0x0: {  	(tag) =	ssettag $0x1  }
0x1: {  	s0 =	srdreg.scid;
	s1 =	rddreg [dreg:$0x0]  }
0x2: {  	s6 =	rddreg [dreg:$0x1];
	s28 =	simm.s32 $0x4;
	s29 =	simm.s32 $0x2  }
0x3: {  	s30 =	simm.s32 $0x2700;
	s2 =	sand.u32 $0x1, s0;
	s0 =	stileid.u32  }
0x4: {  	s31 =	simm.s32 $0x2780;
	s11 =	sadd.s32 $0x18E00, s6;
	s10 =	smul.u32 $0x50000, s0  }
0x5: {  	s13 =	sadd.s32 $0x25800, s1;
	s3 =	sshll.u32 s2, $0x4;
	s12 =	smul.u32 $0x2800, s0  }
0x6: {  	s7 =	ssub.s32 $0x2, s2;
	p1 =	seq.s32 s2, $0x0;
	s22 =	smul.u32 $0x138800, s2  }
0x7: {  	p4 =	sne.s32 s0, $0xF;
	p0 =	seq.s32 s0, $0xF;
	s23 =	smul.u32 $0x14000, s0  }
0x8: {  	s25 =	sshll.u32 s0, $0x6;
	s4 =	sor.u32 s0, s3;
	s3 =	rddreg [dreg:$0x2]  }
0x9: {  	s21 =	sshrl.u32 s7, $0x1;
	p2 =	por !p1, !p4;
	p3 =	por !p1, !p0  }
0xa: {  	s5 =	smul.u32 $0x2800, s4;
	s4 =	simm.s32 $0x0;
	s15 =	ssub.s32 s7, s21  }
0xb: {  	p1 =	por !p2, !p2;
	p2 =	por !p3, !p3;
	s8 =	sadd.s32 $0x12C000, s3  }
0xc: {  	s10 =	sshrl.u32 s10, $0x2;
	p3 =	seq.s32 s2, $0x1;
	s12 =	sadd.s32 s1, s12  }
0xd: {  	s2 =	sadd.s32 s23, s22;
	s21 =	simm.s32 $0x1;
	s23 =	simm.s32 $0x3C00  }
0xe: {  	[smem:$0x7FF] =	sst s4;
	s10 =	sadd.s32 s10, s3;
	p4 =	por !p4, !p3  }
0xf: {  	s2 =	sshrl.u32 s2, $0x3;
	_ =	strace $0x8000004D;
	[dreg:$0x4] =	wrdreg s13  }
0x10: {  	s15 =	smax.u32 s15, $0x1;
	s5 =	sshrl.u32 s5, $0x3;
	[dreg:$0x5] =	wrdreg s12  }
0x11: {  	p4 =	por !p4, !p4;
	s13 =	sshrl.u32 s22, $0x3;
	s26 =	sshrl.u32 s10, $0x3  }
0x12: {  	s22 =	simm.s32 $0x7D;
	s9 =	sadd.s32 s5, s6;
	s5 =	sadd.s32 $0x16600, s6  }
0x13: {  	s24 =	sadd.s32 s11, s13;
	s13 =	sadd.s32 s11, s2;
	s2 =	sor.u32 $0x1C03, s25  }
0x14: {  	[dreg:$0x7] =	wrdreg s26;
	s20 =	sshrl.u32 @p4 s10, $0x3;
	s25 =	simm.s32 $0x7C00  }
0x15: {  	s26 =	simm.s32 $0x3;
	s11 =	simm.s32 $0x0;
	s6 =	sadd.s32 $0x2600, s9  }
0x16: {  	s7 =	sadd.s32 $0xC600, s9;
	s12 =	sadd.s32 $0x2880, s9;
	s14 =	sadd.s32 $0x25800, s24  }
0x17: {  	s9 =	sshll.u32 @p4 s0, $0x6;
	[dreg:$0x6] =	wrdreg s2;
	s24 =	simm.s32 $0x80  }
0x18: {  	s2 =	simm.s32 $0x3B00;
	s19 =	sor.u32 @p4 $0x1C03, s9;
	s9 =	simm.s32 $0x3B80  }
.LBB2_1:
.Ltmp0:
0x19: {  	(pc) =	sbr.rel @!p1 .LBB2_4-.Ltmp0, $4  }
0x1a: {  	_ = 	snop  }
0x1b: {  	[tilespmem:s4], [sflag:$0x1] =	stream.linear.gather [hbm4b:s6+s4], $0x1400, $0x38;
	[tilespmem:$0x1F480] =	vst v63  }
0x1c: {  	s16 =	simm.s32 $0x1400  }
0x1d: {  	[tilespmem:s16], [sflag:$0x3] =	stream.linear.gather [hbm4b:s7+s4], $0x2800, $0x38;
	[tilespmem:$0x1F480] =	vst v63  }
.Ltmp1:
0x1e: {  	(pc) =	sbr.rel .LBB2_3-.Ltmp1, $4  }
0x1f: {  	s16 =	rddreg [dreg:$0x5]  }
0x20: {  	s17 =	rddreg [dreg:$0x6]  }
0x21: {  	s18 =	rddreg [dreg:$0x7];
	p5 =	por $0x0, $0x0  }
0x22: {  	[spmem:s18], [sflag:s17] =	dma.local [hbm:s16], $0x2800  }
.LBB2_4:
.Ltmp2:
0x23: {  	(pc) =	sbr.rel @!p2 .LBB2_3-.Ltmp2, $2  }
0x24: {  	_ =	sdelay $0x2  }
0x25: {  	p5 =	por p0, p0  }
.Ltmp3:
0x26: {  	(pc) =	sbr.rel .LBB2_6-.Ltmp3, $4  }
0x27: {  	_ = 	snop  }
0x28: {  	s16 =	sshrl.u32 s8, $0x3  }
0x29: {  	s17 =	rddreg [dreg:$0x4];
	s18 =	simm.s32 $0x1FC3;
	p5 =	por $0x1, $0x1  }
0x2a: {  	[spmem:s16], [sflag:s18] =	dma.local [hbm:s17], $0x1900  }
.LBB2_3:
0x2b: {  	[spmem:s20], [sflag:s19] =	dma.local @p4 [hbm:s5], $0x2800  }
0x2c: {  	p6 =	por @p4 $0x1, $0x1  }
0x2d: {  	p6 =	por @!p4 p3, p3  }
0x2e: {  	p6 =	por !p6, !p5  }
0x2f: {  	p6 =	por !p6, !p6  }
0x30: {  	s16 =	sshll.u32 @p6 s0, $0x6  }
0x31: {  	s17 =	sshrl.u32 @p6 s8, $0x3;
	s16 =	sor.u32 @p6 $0x1C03, s16  }
0x32: {  	[spmem:s17], [sflag:s16] =	dma.local @p6 [hbm:s5], $0x1900  }
.LBB2_6:
0x33: {  	_ =	swait.ge [sflag:s21], $0x1400  }
0x34: {  	[sflag:s21] =	ssyncset.done $0x0  }
0x35: {  	[sflag:s21] =	ssyncadd.s32 $0xFFFFEC00  }
0x36: {  	[tilespmem:s23], [sflag:$0x1] =	stream.indirect.gather [hbm4b:s1+s22], $0x80, s4, s22, $0xb8;
	[tilespmem:$0x1F480] =	vst v63  }
0x37: {  	_ = 	snop  }
0x38: {  	[tilespmem:s25], [sflag:$0x2] =	stream.indirect.gather [hbm4b:s1+s22], $0x80, s24, s22, $0xb8;
	[tilespmem:$0x1F480] =	vst v63  }
0x39: {  	_ =	swait.ge [sflag:s26], $0x2800  }
0x3a: {  	[sflag:s26] =	ssyncset.done $0x0  }
0x3b: {  	s16 =	simm.s32 @!p0 $0x3;
	[sflag:s26] =	ssyncadd.s32 $0xFFFFD800  }
0x3c: {  	_ =	swait.ge @!p0 [sflag:s16], $0x2800  }
0x3d: {  	[sflag:s16] =	ssyncset.done @!p0 $0x0  }
0x3e: {  	[sflag:s16] =	ssyncadd.s32 @!p0 $0xFFFFD800;
	s16 =	simm.s32 @p5 $0x3  }
0x3f: {  	_ =	swait.ge @p5 [sflag:s16], $0x1900  }
0x40: {  	[sflag:s16] =	ssyncset.done @p5 $0x0  }
0x41: {  	[sflag:s16] =	ssyncadd.s32 @p5 $0xFFFFE700  }
0x42: {  	[bflag:$0x0] =	sbarrier.arrive $0xFFFF  }
0x43: {  	_ =	swait.ge [sflag:s21], $0x3E80  }
0x44: {  	[sflag:s21] =	ssyncset.done $0x0  }
0x45: {  	s18 =	simm.s32 $0x1400;
	[sflag:s21] =	ssyncadd.s32 $0xFFFFC180  }
0x46: {  	[spmem:s3] =	stream.indirect.scatter.add.f32 [tilespmem:s23], [sflag:$0x4], $0x80, s18, s22, $0xb8;
	[tilespmem:$0x1F480] =	vst v63  }
0x47: {  	_ =	swait.ge [sflag:s28], $0x3E80  }
0x48: {  	[sflag:s28] =	ssyncset.done $0x0  }
0x49: {  	s17 =	simm.s32 $0x100;
	[sflag:s28] =	ssyncadd.s32 $0xFFFFC180  }
0x4a: {  	[tilespmem:s23], [sflag:$0x1] =	stream.indirect.gather [hbm4b:s1+s22], $0x80, s17, s22, $0xb8;
	[tilespmem:$0x1F480] =	vst v63  }
0x4b: {  	_ =	swait.ge [sflag:s29], $0x3E80  }
0x4c: {  	[sflag:s29] =	ssyncset.done $0x0  }
0x4d: {  	s18 =	simm.s32 $0x1480;
	[sflag:s29] =	ssyncadd.s32 $0xFFFFC180  }
0x4e: {  	[spmem:s3] =	stream.indirect.scatter.add.f32 [tilespmem:s25], [sflag:$0x4], $0x80, s18, s22, $0xb8;
	[tilespmem:$0x1F480] =	vst v63  }
0x4f: {  	_ =	swait.ge [sflag:s28], $0x3E80  }
0x50: {  	[sflag:s28] =	ssyncset.done $0x0  }
0x51: {  	s16 =	simm.s32 $0x400;
	s17 =	simm.s32 $0x180;
	[sflag:s28] =	ssyncadd.s32 $0xFFFFC180  }
.LBB2_7:
0x52: {  	[tilespmem:s25], [sflag:$0x2] =	stream.indirect.gather [hbm4b:s1+s22], $0x80, s17, s22, $0xb8;
	[tilespmem:$0x1F480] =	vst v63  }
0x53: {  	s17 =	smov.u32 s16  }
0x54: {  	p6 =	sne.s32 s16, $0x4800;
	s16 =	sadd.s32 $0x400, s16;
	_ =	swait.ge [sflag:s21], $0x3E80  }
0x55: {  	s17 =	sshra.s32 s17, $0x2;
	[sflag:s21] =	ssyncset.done $0x0  }
0x56: {  	s18 =	sadd.s32 $0x1400, s17;
	[sflag:s21] =	ssyncadd.s32 $0xFFFFC180  }
0x57: {  	[spmem:s3] =	stream.indirect.scatter.add.f32 [tilespmem:s23], [sflag:$0x4], $0x80, s18, s22, $0xb8;
	[tilespmem:$0x1F480] =	vst v63  }
0x58: {  	_ =	swait.ge [sflag:s28], $0x3E80  }
0x59: {  	[sflag:s28] =	ssyncset.done $0x0  }
0x5a: {  	s18 =	sadd.s32 $0x100, s17;
	[sflag:s28] =	ssyncadd.s32 $0xFFFFC180  }
0x5b: {  	[tilespmem:s23], [sflag:$0x1] =	stream.indirect.gather [hbm4b:s1+s22], $0x80, s18, s22, $0xb8;
	[tilespmem:$0x1F480] =	vst v63  }
0x5c: {  	_ =	swait.ge [sflag:s29], $0x3E80  }
0x5d: {  	[sflag:s29] =	ssyncset.done $0x0  }
.Ltmp4:
0x5e: {  	s18 =	sadd.s32 $0x1480, s17;
	[sflag:s29] =	ssyncadd.s32 $0xFFFFC180;
	(pc) =	sbr.rel @p6 .LBB2_7-.Ltmp4, $4  }
0x5f: {  	[spmem:s3] =	stream.indirect.scatter.add.f32 [tilespmem:s25], [sflag:$0x4], $0x80, s18, s22, $0xb8;
	[tilespmem:$0x1F480] =	vst v63  }
0x60: {  	_ =	swait.ge [sflag:s28], $0x3E80  }
0x61: {  	[sflag:s28] =	ssyncset.done $0x0  }
0x62: {  	s17 =	sadd.s32 $0x180, s17;
	[sflag:s28] =	ssyncadd.s32 $0xFFFFC180  }
0x63: {  	[tilespmem:s25], [sflag:$0x2] =	stream.indirect.gather [hbm4b:s1+s22], $0x80, s17, s22, $0xb8;
	[tilespmem:$0x1F480] =	vst v63  }
0x64: {  	_ =	swait.ge [sflag:s21], $0x3E80  }
0x65: {  	[sflag:s21] =	ssyncset.done $0x0  }
0x66: {  	[sflag:s21] =	ssyncadd.s32 $0xFFFFC180  }
0x67: {  	[spmem:s3] =	stream.indirect.scatter.add.f32 [tilespmem:s23], [sflag:$0x4], $0x80, s30, s22, $0xb8;
	[tilespmem:$0x1F480] =	vst v63  }
0x68: {  	_ =	swait.ge [sflag:s28], $0x3E80  }
0x69: {  	[sflag:s28] =	ssyncset.done $0x0  }
0x6a: {  	[sflag:s28] =	ssyncadd.s32 $0xFFFFC180  }
0x6b: {  	_ =	swait.ge [sflag:s29], $0x3E80  }
0x6c: {  	[sflag:s29] =	ssyncset.done $0x0  }
0x6d: {  	[sflag:s29] =	ssyncadd.s32 $0xFFFFC180  }
0x6e: {  	[spmem:s3] =	stream.indirect.scatter.add.f32 [tilespmem:s25], [sflag:$0x4], $0x80, s31, s22, $0xb8;
	[tilespmem:$0x1F480] =	vst v63  }
0x6f: {  	_ =	swait.ge [sflag:s28], $0x3E80  }
0x70: {  	[sflag:s28] =	ssyncset.done $0x0  }
0x71: {  	[sflag:s28] =	ssyncadd.s32 $0xFFFFC180  }
0x72: {  	[tilespmem:s4], [sflag:$0x4] =	stream.linear.gather [hbm4b:s12+s4], $0x1400, $0x38;
	[tilespmem:$0x1F480] =	vst v63  }
0x73: {  	_ =	swait.ge [sflag:s28], $0x1400  }
0x74: {  	[sflag:s28] =	ssyncset.done $0x0  }
0x75: {  	[sflag:s28] =	ssyncadd.s32 $0xFFFFEC00  }
0x76: {  	[tilespmem:s23], [sflag:$0x1] =	stream.indirect.gather [hbm4b:s1+s22], $0x80, s4, s22, $0xb8;
	[tilespmem:$0x1F480] =	vst v63  }
0x77: {  	_ = 	snop  }
0x78: {  	[tilespmem:s25], [sflag:$0x2] =	stream.indirect.gather [hbm4b:s1+s22], $0x80, s24, s22, $0xb8;
	[tilespmem:$0x1F480] =	vst v63  }
0x79: {  	_ =	swait.ge [sflag:s21], $0x3E80  }
0x7a: {  	[sflag:s21] =	ssyncset.done $0x0  }
0x7b: {  	s16 =	simm.s32 $0x2800;
	[sflag:s21] =	ssyncadd.s32 $0xFFFFC180  }
0x7c: {  	[spmem:s3] =	stream.indirect.scatter.add.f32 [tilespmem:s23], [sflag:$0x4], $0x80, s16, s22, $0xb8;
	[tilespmem:$0x1F480] =	vst v63  }
0x7d: {  	_ =	swait.ge [sflag:s28], $0x3E80  }
0x7e: {  	[sflag:s28] =	ssyncset.done $0x0  }
0x7f: {  	s17 =	simm.s32 $0x100;
	[sflag:s28] =	ssyncadd.s32 $0xFFFFC180  }
0x80: {  	[tilespmem:s23], [sflag:$0x1] =	stream.indirect.gather [hbm4b:s1+s22], $0x80, s17, s22, $0xb8;
	[tilespmem:$0x1F480] =	vst v63  }
0x81: {  	_ =	swait.ge [sflag:s29], $0x3E80  }
0x82: {  	[sflag:s29] =	ssyncset.done $0x0  }
0x83: {  	s18 =	simm.s32 $0x2880;
	[sflag:s29] =	ssyncadd.s32 $0xFFFFC180  }
0x84: {  	[spmem:s3] =	stream.indirect.scatter.add.f32 [tilespmem:s25], [sflag:$0x4], $0x80, s18, s22, $0xb8;
	[tilespmem:$0x1F480] =	vst v63  }
0x85: {  	_ =	swait.ge [sflag:s28], $0x3E80  }
0x86: {  	[sflag:s28] =	ssyncset.done $0x0  }
0x87: {  	s16 =	simm.s32 $0xFFFFB800;
	s17 =	simm.s32 $0x180;
	[sflag:s28] =	ssyncadd.s32 $0xFFFFC180  }
.LBB2_9:
0x88: {  	[tilespmem:s25], [sflag:$0x2] =	stream.indirect.gather [hbm4b:s1+s22], $0x80, s17, s22, $0xb8;
	[tilespmem:$0x1F480] =	vst v63  }
0x89: {  	s17 =	smov.u32 s16  }
0x8a: {  	p6 =	sne.s32 s16, $0xFFFFFC00;
	s16 =	sadd.s32 $0x400, s16;
	_ =	swait.ge [sflag:s21], $0x3E80  }
0x8b: {  	s17 =	sshra.s32 s17, $0x2;
	[sflag:s21] =	ssyncset.done $0x0  }
0x8c: {  	s18 =	sadd.s32 $0x3B00, s17;
	[sflag:s21] =	ssyncadd.s32 $0xFFFFC180  }
0x8d: {  	[spmem:s3] =	stream.indirect.scatter.add.f32 [tilespmem:s23], [sflag:$0x4], $0x80, s18, s22, $0xb8;
	[tilespmem:$0x1F480] =	vst v63  }
0x8e: {  	_ =	swait.ge [sflag:s28], $0x3E80  }
0x8f: {  	[sflag:s28] =	ssyncset.done $0x0  }
0x90: {  	s18 =	sadd.s32 $0x1400, s17;
	[sflag:s28] =	ssyncadd.s32 $0xFFFFC180  }
0x91: {  	[tilespmem:s23], [sflag:$0x1] =	stream.indirect.gather [hbm4b:s1+s22], $0x80, s18, s22, $0xb8;
	[tilespmem:$0x1F480] =	vst v63  }
0x92: {  	_ =	swait.ge [sflag:s29], $0x3E80  }
0x93: {  	[sflag:s29] =	ssyncset.done $0x0  }
.Ltmp5:
0x94: {  	s18 =	sadd.s32 $0x3B80, s17;
	[sflag:s29] =	ssyncadd.s32 $0xFFFFC180;
	(pc) =	sbr.rel @p6 .LBB2_9-.Ltmp5, $4  }
0x95: {  	[spmem:s3] =	stream.indirect.scatter.add.f32 [tilespmem:s25], [sflag:$0x4], $0x80, s18, s22, $0xb8;
	[tilespmem:$0x1F480] =	vst v63  }
0x96: {  	_ =	swait.ge [sflag:s28], $0x3E80  }
0x97: {  	[sflag:s28] =	ssyncset.done $0x0  }
0x98: {  	s17 =	sadd.s32 $0x1480, s17;
	[sflag:s28] =	ssyncadd.s32 $0xFFFFC180  }
0x99: {  	[tilespmem:s25], [sflag:$0x2] =	stream.indirect.gather [hbm4b:s1+s22], $0x80, s17, s22, $0xb8;
	[tilespmem:$0x1F480] =	vst v63  }
0x9a: {  	_ =	swait.ge [sflag:s21], $0x3E80  }
0x9b: {  	[sflag:s21] =	ssyncset.done $0x0  }
0x9c: {  	[sflag:s21] =	ssyncadd.s32 $0xFFFFC180  }
0x9d: {  	[spmem:s3] =	stream.indirect.scatter.add.f32 [tilespmem:s23], [sflag:$0x4], $0x80, s2, s22, $0xb8;
	[tilespmem:$0x1F480] =	vst v63  }
0x9e: {  	_ =	swait.ge [sflag:s28], $0x3E80  }
0x9f: {  	[sflag:s28] =	ssyncset.done $0x0  }
0xa0: {  	[sflag:s28] =	ssyncadd.s32 $0xFFFFC180  }
0xa1: {  	_ =	swait.ge [sflag:s29], $0x3E80  }
0xa2: {  	[sflag:s29] =	ssyncset.done $0x0  }
0xa3: {  	[sflag:s29] =	ssyncadd.s32 $0xFFFFC180  }
0xa4: {  	[spmem:s3] =	stream.indirect.scatter.add.f32 [tilespmem:s25], [sflag:$0x4], $0x80, s9, s22, $0xb8;
	[tilespmem:$0x1F480] =	vst v63  }
0xa5: {  	_ =	swait.ge [sflag:s28], $0x3E80  }
0xa6: {  	[sflag:s28] =	ssyncset.done $0x0  }
0xa7: {  	s16 =	sshll.u32 @!p0 s0, $0x6;
	[sflag:s28] =	ssyncadd.s32 $0xFFFFC180  }
0xa8: {  	s17 =	sshrl.u32 @!p0 s10, $0x3;
	s16 =	sor.u32 @!p0 $0x1C04, s16;
	[bflag:$0x0] =	sbarrier.arrive $0xFFFF  }
0xa9: {  	[hbm:s13], [sflag:s16] =	dma.local @!p0 [spmem:s17], $0x2800  }
0xaa: {  	s16 =	simm.s32 @!p0 $0x4  }
0xab: {  	s11 =	sadd.s32 $0x1, s11;
	_ =	swait.ge @!p0 [sflag:s16], $0x2800  }
0xac: {  	p6 =	sne.s32 s11, s15;
	s17 =	sshll.u32 @p5 s0, $0x6;
	[sflag:s16] =	ssyncset.done @!p0 $0x0  }
0xad: {  	[sflag:s16] =	ssyncadd.s32 @!p0 $0xFFFFD800;
	s16 =	sor.u32 @p5 $0x1C04, s17;
	s17 =	sshrl.u32 @p5 s8, $0x3  }
0xae: {  	[hbm:s14], [sflag:s16] =	dma.local @p5 [spmem:s17], $0x1900  }
.Ltmp6:
0xaf: {  	_ = 	snop;
	(pc) =	sbr.rel @p6 .LBB2_1-.Ltmp6, $4  }
0xb0: {  	s16 =	simm.s32 @p5 $0x4  }
0xb1: {  	_ =	swait.ge @p5 [sflag:s16], $0x1900  }
0xb2: {  	[sflag:s16] =	ssyncset.done @p5 $0x0  }
0xb3: {  	[sflag:s16] =	ssyncadd.s32 @p5 $0xFFFFE700  }
0xb4: {  	_ =	sfence.sel $0x180000  }
0xb5: {  	[bflag:$0x0] =	sbarrier.arrive $0xFFFF  }
0xb6: {  	_ =	strace $0x9000004D  }
0xb7: {  	[bflag:$0x2] =	sbarrier.arrive $0xFFFF  }
0xb8: {  	p0 =	sne.s32 s0, $0x0;
	s0 =	rddreg [dreg:$0x3]  }
0xb9: {  	s0 =	sadd.s32 @!p0 $0x100000, s0  }
0xba: {  	[sflag:s0] =	ssyncadd.tile.s32 @!p0 $0x1;
	_ =	shalt  }
.Lfunc_end2:
_tile_overlayer_lowered:
.L_overlay_start_2:
0xbb: {  	(tag) =	ssettag $0x2  }
0xbc: {  	s0 =	rddreg [dreg:$0x0];
	s2 =	stileid.u32  }
0xbd: {  	s1 =	rddreg [dreg:$0x1];
	p0 =	sne.s32 s2, $0x0  }
0xbe: {  	s3 =	rddreg [dreg:$0x2];
	[bflag:$0x3] =	sbarrier.arrive $0xFFFF;
	s2 =	simm.s32 @!p0 $0x1C04  }
0xbf: {  	[timem:s3], [sflag:s2] =	dma.local @!p0 [hbm:s0], s1  }
0xc0: {  	s0 =	simm.s32 @!p0 $0x4  }
0xc1: {  	_ =	swait.ge @!p0 [sflag:s0], s1  }
0xc2: {  	s1 =	ssub.s32 @!p0 $0x0, s1;
	[sflag:s0] =	ssyncset.done @!p0 $0x0  }
0xc3: {  	[sflag:s0] =	ssyncadd.s32 @!p0 s1  }
0xc4: {  	[bflag:$0x3] =	sbarrier.arrive $0xFFFF  }
0xc5: {  	_ =	shalt  }

// kernel: kernel.8.cloned.1.call-start
scs
__scs_entry_jumppad:
0x0: {  	(pc) =	sbr.rel $0x88, $3  }
0x1: {  	(tag) =	ssettag $0x0;
	lr =	simm.s32 $0x1  }
0x2: {  	[smem:$0x3F93] =	sst lr;
	_ =	strace $0xD0000000  }
0x3: {  	_ = 	snop  }
0x4: {  	_ = 	snop  }
0x5: {  	_ = 	snop  }
0x6: {  	_ = 	snop  }
0x7: {  	_ = 	snop  }
__scs_overlays_trampoline_lowered:
0x8: {  	[smem:$0x3FA2] =	sst s0  }
0x9: {  	[smem:$0x3FA3] =	sst s1  }
0xa: {  	[smem:$0x3FA4] =	sst s2  }
0xb: {  	[smem:$0x3FA5] =	sst s3  }
0xc: {  	[smem:$0x3FA6] =	sst s4  }
0xd: {  	[smem:$0x3FA7] =	sst s5  }
0xe: {  	[smem:$0x3FA8] =	sst s6  }
0xf: {  	[smem:$0x3FA9] =	sst s7  }
0x10: {  	[smem:$0x3FAA] =	sst s8  }
0x11: {  	[smem:$0x3FAB] =	sst s9;
	s0 =	simm.s32 @!p0 $0x0  }
0x12: {  	s1 =	sld [smem:$0x3F91];
	s0 =	simm.s32 @p0 $0x1  }
0x13: {  	[smem:$0x3FAC] =	sst s0;
	s0 =	simm.s32 @!p1 $0x0  }
0x14: {  	s2 =	sld [smem:$0x3F90];
	s0 =	simm.s32 @p1 $0x1  }
0x15: {  	[smem:$0x3FAD] =	sst s0;
	s0 =	simm.s32 @!p2 $0x0  }
0x16: {  	s3 =	sld [smem:$0x3FDB];
	s0 =	simm.s32 @p2 $0x1  }
0x17: {  	s4 =	simm.s32 $0x1BF5;
	[smem:$0x3FAF] =	sst s0  }
0x18: {  	s0 =	sld [smem:$0x3F92];
	_ =	swait.ge [sflag:s4], $0x0  }
0x19: {  	s7 =	sld [smem:$0x3F93]  }
0x1a: {  	s8 =	sadd.s32 $0xFFFFE003, lr  }
0x1b: {  	s9 =	sadd.s32 $0xFFFFFEF7, lr;
	s5 =	simm.s32 $0xFFFFFFFF;
	p2 =	slt.u32 s8, $0xFFFFF086  }
0x1c: {  	p1 =	slt.u32 s9, $0xF7A;
	s5 =	simm.s32 @!p2 $0x0  }
0x1d: {  	s5 =	simm.s32 @p1 $0x1;
	p0 =	seq.s32 s7, s2  }
0x1e: {  	s7 =	smul.u32 @!p0 $0xF7A, s2;
	p2 =	seq.s32 @!p0 s5, $0x0  }
0x1f: {  	s9 =	smul.u32 $0xF7A, s1;
	s8 =	simm.s32 @!p0 $0x1BF5;
	p2 =	por !p2, p0  }
0x20: {  	[sflag:s8] =	ssyncset.s32 @!p0 $0xFFFFF086;
	s6 =	sadd.s32 @!p0 s3, s7;
	s7 =	simm.s32 @!p0 $0x108  }
0x21: {  	s3 =	sadd.s32 s3, s9;
	s6 =	sadd.s32 @!p0 $0x88, s6;
	s7 =	simm.s32 @p2 $0x1082  }
0x22: {  	[simem:s7], [sflag:s8] =	dma.local @!p0 [hbm:s6], $0xF7A  }
0x23: {  	s9 =	sor.u32 $0xD0000000, s2;
	s6 =	simm.s32 $0x108;
	_ =	swait.ge @!p0 [sflag:s8], $0x0  }
0x24: {  	s3 =	sadd.s32 $0x88, s3;
	s6 =	simm.s32 @!p1 $0x1082;
	[sflag:s4] =	ssyncset.s32 $0xFFFFF086  }
0x25: {  	[simem:s6], [sflag:s4] =	dma.local [hbm:s3], $0xF7A  }
0x26: {  	[smem:$0x3F93] =	sst s1;
	(tag) =	ssettag s2;
	_ =	strace s9  }
0x27: {  	s1 =	sld [smem:$0x3FA3]  }
0x28: {  	s2 =	sld [smem:$0x3FA4]  }
0x29: {  	s4 =	sld [smem:$0x3FA6]  }
0x2a: {  	p0 =	seq.s32 s5, $0x0;
	s5 =	sld [smem:$0x3FA7]  }
0x2b: {  	s6 =	sld [smem:$0x3FA8]  }
0x2c: {  	s7 =	sld [smem:$0x3FA9]  }
0x2d: {  	s3 =	simm.s32 $0x108;
	s8 =	sld [smem:$0x3FAA]  }
0x2e: {  	s3 =	simm.s32 @!p0 $0x1082;
	s9 =	sld [smem:$0x3FAB]  }
0x2f: {  	lr =	sadd.s32 s0, s3;
	s0 =	sld [smem:$0x3FA2]  }
0x30: {  	s3 =	sld [smem:$0x3FA5]  }
0x31: {  	[smem:$0x3FAE] =	sst s10  }
0x32: {  	s10 =	sld [smem:$0x3FAC];
	_ =	sdelay $0x3  }
0x33: {  	p0 =	seq.s32 s10, $0x1;
	s10 =	sld [smem:$0x3FAE];
	_ =	sdelay $0x3  }
0x34: {  	[smem:$0x3FAE] =	sst s10  }
0x35: {  	s10 =	sld [smem:$0x3FAD];
	_ =	sdelay $0x3  }
0x36: {  	p1 =	seq.s32 s10, $0x1;
	s10 =	sld [smem:$0x3FAE];
	_ =	sdelay $0x3  }
0x37: {  	[smem:$0x3FAE] =	sst s10  }
0x38: {  	s10 =	sld [smem:$0x3FAF]  }
0x39: {  	_ = 	snop;
	(pc) =	sbr.ind lr, $3  }
0x3a: {  	_ = 	snop  }
0x3b: {  	_ = 	snop  }
0x3c: {  	p2 =	seq.s32 s10, $0x1;
	s10 =	sld [smem:$0x3FAE]  }
0x3d: {  	_ =	shalt  }
0x3e: {  	_ =	shalt  }
0x3f: {  	_ =	shalt  }
0x40: {  	_ =	shalt  }
0x41: {  	_ =	shalt  }
0x42: {  	_ =	shalt  }
0x43: {  	_ =	shalt  }
0x44: {  	_ =	shalt  }
0x45: {  	_ =	shalt  }
0x46: {  	_ =	shalt  }
0x47: {  	_ =	shalt  }
0x48: {  	_ =	shalt  }
0x49: {  	_ =	shalt  }
0x4a: {  	_ =	shalt  }
0x4b: {  	_ =	shalt  }
0x4c: {  	_ =	shalt  }
0x4d: {  	_ =	shalt  }
0x4e: {  	_ =	shalt  }
0x4f: {  	_ =	shalt  }
0x50: {  	_ =	shalt  }
0x51: {  	_ =	shalt  }
0x52: {  	_ =	shalt  }
0x53: {  	_ =	shalt  }
0x54: {  	_ =	shalt  }
0x55: {  	_ =	shalt  }
0x56: {  	_ =	shalt  }
0x57: {  	_ =	shalt  }
0x58: {  	_ =	shalt  }
0x59: {  	_ =	shalt  }
0x5a: {  	_ =	shalt  }
0x5b: {  	_ =	shalt  }
0x5c: {  	_ =	shalt  }
0x5d: {  	_ =	shalt  }
0x5e: {  	_ =	shalt  }
0x5f: {  	_ =	shalt  }
0x60: {  	_ =	shalt  }
0x61: {  	_ =	shalt  }
0x62: {  	_ =	shalt  }
0x63: {  	_ =	shalt  }
0x64: {  	_ =	shalt  }
0x65: {  	_ =	shalt  }
0x66: {  	_ =	shalt  }
0x67: {  	_ =	shalt  }
0x68: {  	_ =	shalt  }
0x69: {  	_ =	shalt  }
0x6a: {  	_ =	shalt  }
0x6b: {  	_ =	shalt  }
0x6c: {  	_ =	shalt  }
0x6d: {  	_ =	shalt  }
0x6e: {  	_ =	shalt  }
0x6f: {  	_ =	shalt  }
0x70: {  	_ =	shalt  }
0x71: {  	_ =	shalt  }
0x72: {  	_ =	shalt  }
0x73: {  	_ =	shalt  }
0x74: {  	_ =	shalt  }
0x75: {  	_ =	shalt  }
0x76: {  	_ =	shalt  }
0x77: {  	_ =	shalt  }
0x78: {  	_ =	shalt  }
0x79: {  	_ =	shalt  }
0x7a: {  	_ =	shalt  }
0x7b: {  	_ =	shalt  }
0x7c: {  	_ =	shalt  }
0x7d: {  	_ =	shalt  }
0x7e: {  	_ =	shalt  }
0x7f: {  	_ =	shalt  }
0x80: {  	_ =	shalt  }
0x81: {  	_ =	shalt  }
0x82: {  	_ =	shalt  }
0x83: {  	_ =	shalt  }
0x84: {  	_ =	shalt  }
0x85: {  	_ =	shalt  }
0x86: {  	_ =	shalt  }
0x87: {  	_ =	shalt  }
.Lfunc_end0:
.L_simem_size_0:
called_computation_lowered:
.L_overlay_start_0:
0x88: {  	s2 =	sld [smem:$0x3FD9]  }
0x89: {  	s3 =	sld [smem:$0x3FFE];
	_ =	sdelay $0x1  }
0x8a: {  	s1 =	srdreg.scid  }
0x8b: {  	s0 =	sand.u32 $0x1, s1  }
0x8c: {  	s17 =	sshll.u32 s0, $0xA;
	s2 =	sadd.s32 s3, s2  }
0x8d: {  	s2 =	sadd.s32 s2, s17  }
0x8e: {  	[smem:$0x3FBA] =	sst s2  }
0x8f: {  	_ = 	snop  }
0x90: {  	s2 =	sld [smem:$0x3FC9];
	(tm) =	ssettm $0x1  }
0x91: {  	s18 =	sld [smem:$0x3FFB];
	_ =	sdelay $0x3  }
0x92: {  	_ =	strace s18  }
0x93: {  	s3 =	sld [smem:$0x3FFC];
	_ =	sdelay $0x3  }
0x94: {  	_ =	strace s3  }
0x95: {  	s3 =	sld [smem:$0x3FFD];
	_ =	sdelay $0x3  }
0x96: {  	_ =	strace s3  }
0x97: {  	_ =	strace $0x8FFFFFFF  }
0x98: {  	s19 =	sld [smem:$0x3FDB];
	_ =	sdelay $0x1  }
0x99: {  	s4 =	simm.s32 $_scs_section_size  }
0x9a: {  	s5 =	simm.s32 $_size__tile_overlayer_lowered;
	s6 =	simm.s32 $_tile_overlayer_lowered  }
0x9b: {  	s22 =	simm.s32 $0x1BFF;
	s21 =	sshll.u32 s6, $0x1;
	s3 =	sadd.s32 s4, s19  }
0x9c: {  	s7 =	simm.s32 $0x0;
	s20 =	sshll.u32 s5, $0x1;
	s5 =	sadd.s32 s21, s3  }
0x9d: {  	[timem:s7], [sflag:s22] =	dma.local [hbm:s5], s20  }
0x9e: {  	_ =	swait.ge [sflag:s22], s20  }
0x9f: {  	s4 =	ssub.s32 $0x0, s20;
	[sflag:s22] =	ssyncset.done $0x0  }
0xa0: {  	[sflag:s22] =	ssyncadd.s32 s4;
	_ =	sdelay $0x1  }
0xa1: {  	s23 =	simm.s32 $0x1B8B  }
0xa2: {  	_ =	swait.ge [sflag:s23], $0x1  }
0xa3: {  	[sflag:s23] =	ssyncset.done $0x0  }
0xa4: {  	s25 =	simm.s32 $0x1B8E;
	s24 =	sld [smem:$0x3FFE];
	[sflag:s23] =	ssyncadd.s32 $0xFFFFFFFF  }
0xa5: {  	s26 =	simm.s32 $execute0_lowered;
	[smem:$0x3FD2] =	sst s25  }
0xa6: {  	s5 =	sshll.u32 s26, $0x1;
	_ =	strace $0x80000046;
	[dreg:$0x1] =	wrdreg $0xFFFFFFFF  }
0xa7: {  	s28 =	simm.s32 $_size_execute0_lowered;
	s3 =	sadd.s32 s3, s5;
	[dreg:$0x0] =	wrdreg $0x0  }
0xa8: {  	s5 =	sshll.u32 s28, $0x1;
	[dreg:$0x2] =	wrdreg s3  }
0xa9: {  	[dreg:$0x3] =	wrdreg s5  }
0xaa: {  	[dreg:$0x4] =	wrdreg $0xC0  }
0xab: {  	_ =	task [dreg:s7], $0x5FFFF  }
0xac: {  	[dreg:$0x1] =	wrdreg $0xFFFFFFFF  }
0xad: {  	[dreg:$0x0] =	wrdreg $0x60  }
0xae: {  	[dreg:$0x2] =	wrdreg s2  }
0xaf: {  	[dreg:$0x3] =	wrdreg s24  }
0xb0: {  	[dreg:$0x4] =	wrdreg $0xBC000  }
0xb1: {  	[dreg:$0x5] =	wrdreg $0x9  }
0xb2: {  	_ =	task.clear_ibuf [dreg:s7], $0x6FFFF;
	_ =	strace $0x90000046  }
0xb3: {  	s29 =	simm.s32 $0x9;
	_ =	strace $0x80000048  }
0xb4: {  	_ =	swait.ge [sflag:s29], $0x1  }
0xb5: {  	[sflag:s29] =	ssyncadd.s32 $0xFFFFFFFF  }
0xb6: {  	_ =	strace $0x90000048  }
0xb7: {  	_ =	sfence  }
0xb8: {  	s30 =	sld [smem:$0x0];
	_ =	sdelay $0x2  }
0xb9: {  	s31 =	sshll.u32 s1, $0xD;
	s1 =	sshrl.u32 s1, $0x2  }
0xba: {  	s3 =	sand.u32 $0x4000, s31;
	s1 =	sadd.s32 s1, s30  }
0xbb: {  	s0 =	sor.u32 s3, s0;
	s1 =	sshll.u32 s1, $0x11  }
0xbc: {  	s0 =	sor.u32 s1, s0  }
0xbd: {  	s0 =	sadd.s32 $0x8F2B, s0  }
0xbe: {  	[sflag:s0] =	ssyncadd.remote.s32 $0x1  }
0xbf: {  	_ =	sfence.sel $0xFFFF  }
0xc0: {  	[dreg:$0x0] =	wrdreg $0xFFFFFFFF;
	(pc) =	sbr.abs _section_cstart, $3  }
0xc1: {  	[dreg:$0x1] =	wrdreg $0xFFFFFFFF  }
0xc2: {  	_ =	task.clear_ibuf [dreg:s7], $0x2FFFF;
	_ =	strace $0x9FFFFFFF  }
0xc3: {  	(tm) =	ssettm $0x7FFFFFFF  }
tec
execute0_lowered:
.L_overlay_start_1:
0x0: {  	(tag) =	ssettag $0x1  }
0x1: {  	s0 =	srdreg.scid;
	s1 =	rddreg [dreg:$0x0]  }
0x2: {  	s6 =	rddreg [dreg:$0x1];
	s28 =	simm.s32 $0x4;
	s29 =	simm.s32 $0x2  }
0x3: {  	s30 =	simm.s32 $0x2700;
	s2 =	sand.u32 $0x1, s0;
	s0 =	stileid.u32  }
0x4: {  	s31 =	simm.s32 $0x2780;
	s11 =	sadd.s32 $0x18E00, s6;
	s10 =	smul.u32 $0x50000, s0  }
0x5: {  	s13 =	sadd.s32 $0x25800, s1;
	s3 =	sshll.u32 s2, $0x4;
	s12 =	smul.u32 $0x2800, s0  }
0x6: {  	s7 =	ssub.s32 $0x2, s2;
	p1 =	seq.s32 s2, $0x0;
	s22 =	smul.u32 $0x138800, s2  }
0x7: {  	p4 =	sne.s32 s0, $0xF;
	p0 =	seq.s32 s0, $0xF;
	s23 =	smul.u32 $0x14000, s0  }
0x8: {  	s25 =	sshll.u32 s0, $0x6;
	s4 =	sor.u32 s0, s3;
	s3 =	rddreg [dreg:$0x2]  }
0x9: {  	s21 =	sshrl.u32 s7, $0x1;
	p2 =	por !p1, !p4;
	p3 =	por !p1, !p0  }
0xa: {  	s5 =	smul.u32 $0x2800, s4;
	s4 =	simm.s32 $0x0;
	s15 =	ssub.s32 s7, s21  }
0xb: {  	p1 =	por !p2, !p2;
	p2 =	por !p3, !p3;
	s8 =	sadd.s32 $0x12C000, s3  }
0xc: {  	s10 =	sshrl.u32 s10, $0x2;
	p3 =	seq.s32 s2, $0x1;
	s12 =	sadd.s32 s1, s12  }
0xd: {  	s2 =	sadd.s32 s23, s22;
	s21 =	simm.s32 $0x1;
	s23 =	simm.s32 $0x3C00  }
0xe: {  	[smem:$0x7FF] =	sst s4;
	s10 =	sadd.s32 s10, s3;
	p4 =	por !p4, !p3  }
0xf: {  	s2 =	sshrl.u32 s2, $0x3;
	_ =	strace $0x80000047;
	[dreg:$0x4] =	wrdreg s13  }
0x10: {  	s15 =	smax.u32 s15, $0x1;
	s5 =	sshrl.u32 s5, $0x3;
	[dreg:$0x5] =	wrdreg s12  }
0x11: {  	p4 =	por !p4, !p4;
	s13 =	sshrl.u32 s22, $0x3;
	s26 =	sshrl.u32 s10, $0x3  }
0x12: {  	s22 =	simm.s32 $0x7D;
	s9 =	sadd.s32 s5, s6;
	s5 =	sadd.s32 $0x16600, s6  }
0x13: {  	s24 =	sadd.s32 s11, s13;
	s13 =	sadd.s32 s11, s2;
	s2 =	sor.u32 $0x1C03, s25  }
0x14: {  	[dreg:$0x7] =	wrdreg s26;
	s20 =	sshrl.u32 @p4 s10, $0x3;
	s25 =	simm.s32 $0x7C00  }
0x15: {  	s26 =	simm.s32 $0x3;
	s11 =	simm.s32 $0x0;
	s6 =	sadd.s32 $0x2600, s9  }
0x16: {  	s7 =	sadd.s32 $0xC600, s9;
	s12 =	sadd.s32 $0x2880, s9;
	s14 =	sadd.s32 $0x25800, s24  }
0x17: {  	s9 =	sshll.u32 @p4 s0, $0x6;
	[dreg:$0x6] =	wrdreg s2;
	s24 =	simm.s32 $0x80  }
0x18: {  	s2 =	simm.s32 $0x3B00;
	s19 =	sor.u32 @p4 $0x1C03, s9;
	s9 =	simm.s32 $0x3B80  }
.LBB2_1:
.Ltmp0:
0x19: {  	(pc) =	sbr.rel @!p1 .LBB2_4-.Ltmp0, $4  }
0x1a: {  	_ = 	snop  }
0x1b: {  	[tilespmem:s4], [sflag:$0x1] =	stream.linear.gather [hbm4b:s6+s4], $0x1400, $0x38;
	[tilespmem:$0x1F480] =	vst v63  }
0x1c: {  	s16 =	simm.s32 $0x1400  }
0x1d: {  	[tilespmem:s16], [sflag:$0x3] =	stream.linear.gather [hbm4b:s7+s4], $0x2800, $0x38;
	[tilespmem:$0x1F480] =	vst v63  }
.Ltmp1:
0x1e: {  	(pc) =	sbr.rel .LBB2_3-.Ltmp1, $4  }
0x1f: {  	s16 =	rddreg [dreg:$0x5]  }
0x20: {  	s17 =	rddreg [dreg:$0x6]  }
0x21: {  	s18 =	rddreg [dreg:$0x7];
	p5 =	por $0x0, $0x0  }
0x22: {  	[spmem:s18], [sflag:s17] =	dma.local [hbm:s16], $0x2800  }
.LBB2_4:
.Ltmp2:
0x23: {  	(pc) =	sbr.rel @!p2 .LBB2_3-.Ltmp2, $2  }
0x24: {  	_ =	sdelay $0x2  }
0x25: {  	p5 =	por p0, p0  }
.Ltmp3:
0x26: {  	(pc) =	sbr.rel .LBB2_6-.Ltmp3, $4  }
0x27: {  	_ = 	snop  }
0x28: {  	s16 =	sshrl.u32 s8, $0x3  }
0x29: {  	s17 =	rddreg [dreg:$0x4];
	s18 =	simm.s32 $0x1FC3;
	p5 =	por $0x1, $0x1  }
0x2a: {  	[spmem:s16], [sflag:s18] =	dma.local [hbm:s17], $0x1900  }
.LBB2_3:
0x2b: {  	[spmem:s20], [sflag:s19] =	dma.local @p4 [hbm:s5], $0x2800  }
0x2c: {  	p6 =	por @p4 $0x1, $0x1  }
0x2d: {  	p6 =	por @!p4 p3, p3  }
0x2e: {  	p6 =	por !p6, !p5  }
0x2f: {  	p6 =	por !p6, !p6  }
0x30: {  	s16 =	sshll.u32 @p6 s0, $0x6  }
0x31: {  	s17 =	sshrl.u32 @p6 s8, $0x3;
	s16 =	sor.u32 @p6 $0x1C03, s16  }
0x32: {  	[spmem:s17], [sflag:s16] =	dma.local @p6 [hbm:s5], $0x1900  }
.LBB2_6:
0x33: {  	_ =	swait.ge [sflag:s21], $0x1400  }
0x34: {  	[sflag:s21] =	ssyncset.done $0x0  }
0x35: {  	[sflag:s21] =	ssyncadd.s32 $0xFFFFEC00  }
0x36: {  	[tilespmem:s23], [sflag:$0x1] =	stream.indirect.gather [hbm4b:s1+s22], $0x80, s4, s22, $0xb8;
	[tilespmem:$0x1F480] =	vst v63  }
0x37: {  	_ = 	snop  }
0x38: {  	[tilespmem:s25], [sflag:$0x2] =	stream.indirect.gather [hbm4b:s1+s22], $0x80, s24, s22, $0xb8;
	[tilespmem:$0x1F480] =	vst v63  }
0x39: {  	_ =	swait.ge [sflag:s26], $0x2800  }
0x3a: {  	[sflag:s26] =	ssyncset.done $0x0  }
0x3b: {  	s16 =	simm.s32 @!p0 $0x3;
	[sflag:s26] =	ssyncadd.s32 $0xFFFFD800  }
0x3c: {  	_ =	swait.ge @!p0 [sflag:s16], $0x2800  }
0x3d: {  	[sflag:s16] =	ssyncset.done @!p0 $0x0  }
0x3e: {  	[sflag:s16] =	ssyncadd.s32 @!p0 $0xFFFFD800;
	s16 =	simm.s32 @p5 $0x3  }
0x3f: {  	_ =	swait.ge @p5 [sflag:s16], $0x1900  }
0x40: {  	[sflag:s16] =	ssyncset.done @p5 $0x0  }
0x41: {  	[sflag:s16] =	ssyncadd.s32 @p5 $0xFFFFE700  }
0x42: {  	[bflag:$0x0] =	sbarrier.arrive $0xFFFF  }
0x43: {  	_ =	swait.ge [sflag:s21], $0x3E80  }
0x44: {  	[sflag:s21] =	ssyncset.done $0x0  }
0x45: {  	s18 =	simm.s32 $0x1400;
	[sflag:s21] =	ssyncadd.s32 $0xFFFFC180  }
0x46: {  	[spmem:s3] =	stream.indirect.scatter.add.f32 [tilespmem:s23], [sflag:$0x4], $0x80, s18, s22, $0xb8;
	[tilespmem:$0x1F480] =	vst v63  }
0x47: {  	_ =	swait.ge [sflag:s28], $0x3E80  }
0x48: {  	[sflag:s28] =	ssyncset.done $0x0  }
0x49: {  	s17 =	simm.s32 $0x100;
	[sflag:s28] =	ssyncadd.s32 $0xFFFFC180  }
0x4a: {  	[tilespmem:s23], [sflag:$0x1] =	stream.indirect.gather [hbm4b:s1+s22], $0x80, s17, s22, $0xb8;
	[tilespmem:$0x1F480] =	vst v63  }
0x4b: {  	_ =	swait.ge [sflag:s29], $0x3E80  }
0x4c: {  	[sflag:s29] =	ssyncset.done $0x0  }
0x4d: {  	s18 =	simm.s32 $0x1480;
	[sflag:s29] =	ssyncadd.s32 $0xFFFFC180  }
0x4e: {  	[spmem:s3] =	stream.indirect.scatter.add.f32 [tilespmem:s25], [sflag:$0x4], $0x80, s18, s22, $0xb8;
	[tilespmem:$0x1F480] =	vst v63  }
0x4f: {  	_ =	swait.ge [sflag:s28], $0x3E80  }
0x50: {  	[sflag:s28] =	ssyncset.done $0x0  }
0x51: {  	s16 =	simm.s32 $0x400;
	s17 =	simm.s32 $0x180;
	[sflag:s28] =	ssyncadd.s32 $0xFFFFC180  }
.LBB2_7:
0x52: {  	[tilespmem:s25], [sflag:$0x2] =	stream.indirect.gather [hbm4b:s1+s22], $0x80, s17, s22, $0xb8;
	[tilespmem:$0x1F480] =	vst v63  }
0x53: {  	s17 =	smov.u32 s16  }
0x54: {  	p6 =	sne.s32 s16, $0x4800;
	s16 =	sadd.s32 $0x400, s16;
	_ =	swait.ge [sflag:s21], $0x3E80  }
0x55: {  	s17 =	sshra.s32 s17, $0x2;
	[sflag:s21] =	ssyncset.done $0x0  }
0x56: {  	s18 =	sadd.s32 $0x1400, s17;
	[sflag:s21] =	ssyncadd.s32 $0xFFFFC180  }
0x57: {  	[spmem:s3] =	stream.indirect.scatter.add.f32 [tilespmem:s23], [sflag:$0x4], $0x80, s18, s22, $0xb8;
	[tilespmem:$0x1F480] =	vst v63  }
0x58: {  	_ =	swait.ge [sflag:s28], $0x3E80  }
0x59: {  	[sflag:s28] =	ssyncset.done $0x0  }
0x5a: {  	s18 =	sadd.s32 $0x100, s17;
	[sflag:s28] =	ssyncadd.s32 $0xFFFFC180  }
0x5b: {  	[tilespmem:s23], [sflag:$0x1] =	stream.indirect.gather [hbm4b:s1+s22], $0x80, s18, s22, $0xb8;
	[tilespmem:$0x1F480] =	vst v63  }
0x5c: {  	_ =	swait.ge [sflag:s29], $0x3E80  }
0x5d: {  	[sflag:s29] =	ssyncset.done $0x0  }
.Ltmp4:
0x5e: {  	s18 =	sadd.s32 $0x1480, s17;
	[sflag:s29] =	ssyncadd.s32 $0xFFFFC180;
	(pc) =	sbr.rel @p6 .LBB2_7-.Ltmp4, $4  }
0x5f: {  	[spmem:s3] =	stream.indirect.scatter.add.f32 [tilespmem:s25], [sflag:$0x4], $0x80, s18, s22, $0xb8;
	[tilespmem:$0x1F480] =	vst v63  }
0x60: {  	_ =	swait.ge [sflag:s28], $0x3E80  }
0x61: {  	[sflag:s28] =	ssyncset.done $0x0  }
0x62: {  	s17 =	sadd.s32 $0x180, s17;
	[sflag:s28] =	ssyncadd.s32 $0xFFFFC180  }
0x63: {  	[tilespmem:s25], [sflag:$0x2] =	stream.indirect.gather [hbm4b:s1+s22], $0x80, s17, s22, $0xb8;
	[tilespmem:$0x1F480] =	vst v63  }
0x64: {  	_ =	swait.ge [sflag:s21], $0x3E80  }
0x65: {  	[sflag:s21] =	ssyncset.done $0x0  }
0x66: {  	[sflag:s21] =	ssyncadd.s32 $0xFFFFC180  }
0x67: {  	[spmem:s3] =	stream.indirect.scatter.add.f32 [tilespmem:s23], [sflag:$0x4], $0x80, s30, s22, $0xb8;
	[tilespmem:$0x1F480] =	vst v63  }
0x68: {  	_ =	swait.ge [sflag:s28], $0x3E80  }
0x69: {  	[sflag:s28] =	ssyncset.done $0x0  }
0x6a: {  	[sflag:s28] =	ssyncadd.s32 $0xFFFFC180  }
0x6b: {  	_ =	swait.ge [sflag:s29], $0x3E80  }
0x6c: {  	[sflag:s29] =	ssyncset.done $0x0  }
0x6d: {  	[sflag:s29] =	ssyncadd.s32 $0xFFFFC180  }
0x6e: {  	[spmem:s3] =	stream.indirect.scatter.add.f32 [tilespmem:s25], [sflag:$0x4], $0x80, s31, s22, $0xb8;
	[tilespmem:$0x1F480] =	vst v63  }
0x6f: {  	_ =	swait.ge [sflag:s28], $0x3E80  }
0x70: {  	[sflag:s28] =	ssyncset.done $0x0  }
0x71: {  	[sflag:s28] =	ssyncadd.s32 $0xFFFFC180  }
0x72: {  	[tilespmem:s4], [sflag:$0x4] =	stream.linear.gather [hbm4b:s12+s4], $0x1400, $0x38;
	[tilespmem:$0x1F480] =	vst v63  }
0x73: {  	_ =	swait.ge [sflag:s28], $0x1400  }
0x74: {  	[sflag:s28] =	ssyncset.done $0x0  }
0x75: {  	[sflag:s28] =	ssyncadd.s32 $0xFFFFEC00  }
0x76: {  	[tilespmem:s23], [sflag:$0x1] =	stream.indirect.gather [hbm4b:s1+s22], $0x80, s4, s22, $0xb8;
	[tilespmem:$0x1F480] =	vst v63  }
0x77: {  	_ = 	snop  }
0x78: {  	[tilespmem:s25], [sflag:$0x2] =	stream.indirect.gather [hbm4b:s1+s22], $0x80, s24, s22, $0xb8;
	[tilespmem:$0x1F480] =	vst v63  }
0x79: {  	_ =	swait.ge [sflag:s21], $0x3E80  }
0x7a: {  	[sflag:s21] =	ssyncset.done $0x0  }
0x7b: {  	s16 =	simm.s32 $0x2800;
	[sflag:s21] =	ssyncadd.s32 $0xFFFFC180  }
0x7c: {  	[spmem:s3] =	stream.indirect.scatter.add.f32 [tilespmem:s23], [sflag:$0x4], $0x80, s16, s22, $0xb8;
	[tilespmem:$0x1F480] =	vst v63  }
0x7d: {  	_ =	swait.ge [sflag:s28], $0x3E80  }
0x7e: {  	[sflag:s28] =	ssyncset.done $0x0  }
0x7f: {  	s17 =	simm.s32 $0x100;
	[sflag:s28] =	ssyncadd.s32 $0xFFFFC180  }
0x80: {  	[tilespmem:s23], [sflag:$0x1] =	stream.indirect.gather [hbm4b:s1+s22], $0x80, s17, s22, $0xb8;
	[tilespmem:$0x1F480] =	vst v63  }
0x81: {  	_ =	swait.ge [sflag:s29], $0x3E80  }
0x82: {  	[sflag:s29] =	ssyncset.done $0x0  }
0x83: {  	s18 =	simm.s32 $0x2880;
	[sflag:s29] =	ssyncadd.s32 $0xFFFFC180  }
0x84: {  	[spmem:s3] =	stream.indirect.scatter.add.f32 [tilespmem:s25], [sflag:$0x4], $0x80, s18, s22, $0xb8;
	[tilespmem:$0x1F480] =	vst v63  }
0x85: {  	_ =	swait.ge [sflag:s28], $0x3E80  }
0x86: {  	[sflag:s28] =	ssyncset.done $0x0  }
0x87: {  	s16 =	simm.s32 $0xFFFFB800;
	s17 =	simm.s32 $0x180;
	[sflag:s28] =	ssyncadd.s32 $0xFFFFC180  }
.LBB2_9:
0x88: {  	[tilespmem:s25], [sflag:$0x2] =	stream.indirect.gather [hbm4b:s1+s22], $0x80, s17, s22, $0xb8;
	[tilespmem:$0x1F480] =	vst v63  }
0x89: {  	s17 =	smov.u32 s16  }
0x8a: {  	p6 =	sne.s32 s16, $0xFFFFFC00;
	s16 =	sadd.s32 $0x400, s16;
	_ =	swait.ge [sflag:s21], $0x3E80  }
0x8b: {  	s17 =	sshra.s32 s17, $0x2;
	[sflag:s21] =	ssyncset.done $0x0  }
0x8c: {  	s18 =	sadd.s32 $0x3B00, s17;
	[sflag:s21] =	ssyncadd.s32 $0xFFFFC180  }
0x8d: {  	[spmem:s3] =	stream.indirect.scatter.add.f32 [tilespmem:s23], [sflag:$0x4], $0x80, s18, s22, $0xb8;
	[tilespmem:$0x1F480] =	vst v63  }
0x8e: {  	_ =	swait.ge [sflag:s28], $0x3E80  }
0x8f: {  	[sflag:s28] =	ssyncset.done $0x0  }
0x90: {  	s18 =	sadd.s32 $0x1400, s17;
	[sflag:s28] =	ssyncadd.s32 $0xFFFFC180  }
0x91: {  	[tilespmem:s23], [sflag:$0x1] =	stream.indirect.gather [hbm4b:s1+s22], $0x80, s18, s22, $0xb8;
	[tilespmem:$0x1F480] =	vst v63  }
0x92: {  	_ =	swait.ge [sflag:s29], $0x3E80  }
0x93: {  	[sflag:s29] =	ssyncset.done $0x0  }
.Ltmp5:
0x94: {  	s18 =	sadd.s32 $0x3B80, s17;
	[sflag:s29] =	ssyncadd.s32 $0xFFFFC180;
	(pc) =	sbr.rel @p6 .LBB2_9-.Ltmp5, $4  }
0x95: {  	[spmem:s3] =	stream.indirect.scatter.add.f32 [tilespmem:s25], [sflag:$0x4], $0x80, s18, s22, $0xb8;
	[tilespmem:$0x1F480] =	vst v63  }
0x96: {  	_ =	swait.ge [sflag:s28], $0x3E80  }
0x97: {  	[sflag:s28] =	ssyncset.done $0x0  }
0x98: {  	s17 =	sadd.s32 $0x1480, s17;
	[sflag:s28] =	ssyncadd.s32 $0xFFFFC180  }
0x99: {  	[tilespmem:s25], [sflag:$0x2] =	stream.indirect.gather [hbm4b:s1+s22], $0x80, s17, s22, $0xb8;
	[tilespmem:$0x1F480] =	vst v63  }
0x9a: {  	_ =	swait.ge [sflag:s21], $0x3E80  }
0x9b: {  	[sflag:s21] =	ssyncset.done $0x0  }
0x9c: {  	[sflag:s21] =	ssyncadd.s32 $0xFFFFC180  }
0x9d: {  	[spmem:s3] =	stream.indirect.scatter.add.f32 [tilespmem:s23], [sflag:$0x4], $0x80, s2, s22, $0xb8;
	[tilespmem:$0x1F480] =	vst v63  }
0x9e: {  	_ =	swait.ge [sflag:s28], $0x3E80  }
0x9f: {  	[sflag:s28] =	ssyncset.done $0x0  }
0xa0: {  	[sflag:s28] =	ssyncadd.s32 $0xFFFFC180  }
0xa1: {  	_ =	swait.ge [sflag:s29], $0x3E80  }
0xa2: {  	[sflag:s29] =	ssyncset.done $0x0  }
0xa3: {  	[sflag:s29] =	ssyncadd.s32 $0xFFFFC180  }
0xa4: {  	[spmem:s3] =	stream.indirect.scatter.add.f32 [tilespmem:s25], [sflag:$0x4], $0x80, s9, s22, $0xb8;
	[tilespmem:$0x1F480] =	vst v63  }
0xa5: {  	_ =	swait.ge [sflag:s28], $0x3E80  }
0xa6: {  	[sflag:s28] =	ssyncset.done $0x0  }
0xa7: {  	s16 =	sshll.u32 @!p0 s0, $0x6;
	[sflag:s28] =	ssyncadd.s32 $0xFFFFC180  }
0xa8: {  	s17 =	sshrl.u32 @!p0 s10, $0x3;
	s16 =	sor.u32 @!p0 $0x1C04, s16;
	[bflag:$0x0] =	sbarrier.arrive $0xFFFF  }
0xa9: {  	[hbm:s13], [sflag:s16] =	dma.local @!p0 [spmem:s17], $0x2800  }
0xaa: {  	s16 =	simm.s32 @!p0 $0x4  }
0xab: {  	s11 =	sadd.s32 $0x1, s11;
	_ =	swait.ge @!p0 [sflag:s16], $0x2800  }
0xac: {  	p6 =	sne.s32 s11, s15;
	s17 =	sshll.u32 @p5 s0, $0x6;
	[sflag:s16] =	ssyncset.done @!p0 $0x0  }
0xad: {  	[sflag:s16] =	ssyncadd.s32 @!p0 $0xFFFFD800;
	s16 =	sor.u32 @p5 $0x1C04, s17;
	s17 =	sshrl.u32 @p5 s8, $0x3  }
0xae: {  	[hbm:s14], [sflag:s16] =	dma.local @p5 [spmem:s17], $0x1900  }
.Ltmp6:
0xaf: {  	_ = 	snop;
	(pc) =	sbr.rel @p6 .LBB2_1-.Ltmp6, $4  }
0xb0: {  	s16 =	simm.s32 @p5 $0x4  }
0xb1: {  	_ =	swait.ge @p5 [sflag:s16], $0x1900  }
0xb2: {  	[sflag:s16] =	ssyncset.done @p5 $0x0  }
0xb3: {  	[sflag:s16] =	ssyncadd.s32 @p5 $0xFFFFE700  }
0xb4: {  	_ =	sfence.sel $0x180000  }
0xb5: {  	[bflag:$0x0] =	sbarrier.arrive $0xFFFF  }
0xb6: {  	_ =	strace $0x90000047  }
0xb7: {  	[bflag:$0x2] =	sbarrier.arrive $0xFFFF  }
0xb8: {  	p0 =	sne.s32 s0, $0x0;
	s0 =	rddreg [dreg:$0x3]  }
0xb9: {  	s0 =	sadd.s32 @!p0 $0x100000, s0  }
0xba: {  	[sflag:s0] =	ssyncadd.tile.s32 @!p0 $0x1;
	_ =	shalt  }
.Lfunc_end2:
_tile_overlayer_lowered:
.L_overlay_start_2:
0xbb: {  	(tag) =	ssettag $0x2  }
0xbc: {  	s0 =	rddreg [dreg:$0x0];
	s2 =	stileid.u32  }
0xbd: {  	s1 =	rddreg [dreg:$0x1];
	p0 =	sne.s32 s2, $0x0  }
0xbe: {  	s3 =	rddreg [dreg:$0x2];
	[bflag:$0x3] =	sbarrier.arrive $0xFFFF;
	s2 =	simm.s32 @!p0 $0x1C04  }
0xbf: {  	[timem:s3], [sflag:s2] =	dma.local @!p0 [hbm:s0], s1  }
0xc0: {  	s0 =	simm.s32 @!p0 $0x4  }
0xc1: {  	_ =	swait.ge @!p0 [sflag:s0], s1  }
0xc2: {  	s1 =	ssub.s32 @!p0 $0x0, s1;
	[sflag:s0] =	ssyncset.done @!p0 $0x0  }
0xc3: {  	[sflag:s0] =	ssyncadd.s32 @!p0 s1  }
0xc4: {  	[bflag:$0x3] =	sbarrier.arrive $0xFFFF  }
0xc5: {  	_ =	shalt  }

</sc_bundles>
